<compile_context>
chip_gen: v7x
topology: tpu7x:2x2x1
jax: 0.10.2.dev20260603
libtpu: 0.0.44.dev20260713+nightly
codegen_flags: <defaults>
</compile_context>

<pallas_src>
import functools

import jax
import jax.numpy as jnp
from jax import lax
from jax.experimental import pallas as pl
from jax.experimental.pallas import tpu as pltpu
from jax.experimental.pallas import tpu_sc as plsc

B = 4
N_DUAL = 81920
N_VERTEX = 40962
D = 64
NU = 3

NC = 2
NS = 16
NW = NC * NS

VB = N_DUAL // 128
IB = 321
IPAD = IB * 128
CBLK = NU * D // 8

CHB = (80, 80, 80, 81)
CHOFF = (0, 80, 160, 240)
CBUF = 81

_mesh = plsc.VectorSubcoreMesh(core_axis_name="c", subcore_axis_name="s")


@functools.partial(
    pl.kernel,
    out_type=jax.ShapeDtypeStruct((B, CBLK, IB, 8, 128), jnp.float32),
    mesh=_mesh,
    scratch_types=[
        pltpu.VMEM((VB, 128), jnp.float32),
        pltpu.VMEM((2, CBUF, 128), jnp.int32),
        pltpu.VMEM((2, CBUF, 128), jnp.float32),
    ]
    + [pltpu.SemaphoreType.DMA] * 5,
    compiler_params=pltpu.CompilerParams(use_tc_tiling_on_sc=False,
                                         needs_layout_passes=False),
)
def _col_gather(zv_hbm, idx_hbm, out_hbm, zcol_v, idx_v, out_v, *sems):
    isem = sems[0:2]
    osem = sems[2:4]
    zsem = sems[4]
    c = lax.axis_index("c")
    s = lax.axis_index("s")
    wid = s * NC + c
    b = wid // 8

    def start_idx(j, k, sl):
        pltpu.async_copy(idx_hbm.at[j, pl.ds(CHOFF[k], CHB[k])],
                         idx_v.at[sl, pl.ds(0, CHB[k])], isem[sl])

    def wait_idx(k, sl):
        pltpu.make_async_copy(idx_hbm.at[0, pl.ds(0, CHB[k])],
                              idx_v.at[sl, pl.ds(0, CHB[k])], isem[sl]).wait()

    def start_out(cb, ci, k, sl):
        pltpu.async_copy(out_v.at[sl, pl.ds(0, CHB[k])],
                         out_hbm.at[b, cb, pl.ds(CHOFF[k], CHB[k]), ci],
                         osem[sl])

    def wait_out(k, sl):
        pltpu.make_async_copy(out_v.at[sl, pl.ds(0, CHB[k])],
                              out_hbm.at[0, 0, pl.ds(0, CHB[k]), 0],
                              osem[sl]).wait()

    def gather_chunk(k, sl):
        @plsc.parallel_loop(0, CHB[k], unroll=4)
        def _vec8(t):
            for u in range(8):
                iv = idx_v[sl, t, pl.ds(u * 16, 16)]
                hi = lax.shift_right_logical(iv, 7)
                lo = lax.bitwise_and(iv, 127)
                out_v[sl, t, pl.ds(u * 16, 16)] = plsc.load_gather(
                    zcol_v, [hi, lo])

    def wait_z():
        pltpu.make_async_copy(zv_hbm.at[0, pl.ds(0, VB), 0], zcol_v,
                              zsem).wait()

    pltpu.async_copy(zv_hbm.at[wid, pl.ds(0, VB), 0], zcol_v, zsem)
    start_idx(0, 0, 0)

    NP = 8 * NU

    def body(p, carry):
        ci = p // NU
        j = lax.rem(p, NU)
        jn = lax.rem(p + 1, NU)
        cb = j * 8 + lax.rem(wid, 8)

        @pl.when(j == 0)
        def _():
            wait_z()

        for k in range(4):
            sl = k & 1
            if k < 3:
                start_idx(j, k + 1, sl ^ 1)
            wait_idx(k, sl)
            if k < 2:
                @pl.when(p > 0)
                def _():
                    wait_out(k + 2, sl)
            else:
                wait_out(k - 2, sl)
            gather_chunk(k, sl)
            start_out(cb, ci, k, sl)
            if k == 2:
                @pl.when(p < NP - 1)
                def _():
                    start_idx(jn, 0, 0)

        @pl.when((j == NU - 1) & (ci < 7))
        def _():
            pltpu.async_copy(zv_hbm.at[wid, pl.ds(0, VB), ci + 1], zcol_v,
                             zsem)

        return carry

    lax.fori_loop(0, NP, body, 0)
    wait_out(2, 0)
    wait_out(3, 1)


def kernel(z_prime, x_ancil, index):
    del x_ancil
    zv = z_prime.reshape(B, VB, 128, 8, 8).transpose(0, 3, 1, 4, 2)
    zv = zv.reshape(NW, VB, 8, 128)
    idx_t = jnp.transpose(index.astype(jnp.int32), (1, 0))
    idx_p = jnp.pad(idx_t, ((0, 0), (0, IPAD - N_VERTEX))).reshape(NU, IB, 128)
    out5 = _col_gather(zv, idx_p)
    out = out5.transpose(0, 1, 3, 2, 4).reshape(B, NU * D, IPAD)
    return out[:, :, :N_VERTEX].transpose(0, 2, 1)

# --- scband reference (transcript-rebuilt; emitter-appended) ---
"""Pipeline reference for scband-katies-decoder-51470888075939 (READ-ONLY COPY).

The authoritative reference and input builder live on the scoring server;
editing this copy changes nothing except your own understanding.
"""

import jax, jax.numpy as jnp
import numpy as np

# Faithful JAX translation of KatiesDecoder.forward.
# The torch module precomputes a [n_vertex, nu] nearest-neighbour index
# (primal vertex -> nu nearest dual-mesh vertices) in __init__; here we
# materialize it as a random in-range index buffer since the geometric
# KNN construction only affects which rows are gathered, not the op.
# forward: z_tilde[b, i, j, :] = z_prime[b, index[i, j], :] (detached copy),
# then flatten the last two dims -> [B, n_vertex, nu*d_lat]. x_ancil is
# accepted but unused by the forward computation.

B = 4
N_VERTEX = 40962
N_DUAL = 81920
D_LAT = 64
NU = 3
N_ANCIL = 4


def setup_inputs(seed: int = 0) -> dict:
    key = jax.random.key(seed)
    k1, k2, k3 = jax.random.split(key, 3)
    z_prime = jax.random.normal(k1, (B, N_DUAL, D_LAT), dtype=jnp.float32)
    x_ancil = jax.random.normal(k2, (B, N_ANCIL, N_VERTEX), dtype=jnp.float32)
    index = jax.random.randint(k3, (N_VERTEX, NU), 0, N_DUAL, dtype=jnp.int32).astype(jnp.int64)
    return {"z_prime": z_prime, "x_ancil": x_ancil, "index": index}


def reference(z_prime, x_ancil, index):
    # Vectorized equivalent of the triple python loop:
    # z_tilde[k][i][j] = z_prime[k][index[i][j]]
    z_tilde = jnp.take(z_prime, index, axis=1)  # [B, n_vertex, nu, d_lat]
    # original detaches the gathered values
    z_tilde = jax.lax.stop_gradient(z_tilde)
    b, nv, nu, d = z_tilde.shape
    return z_tilde.reshape(b, nv, nu * d)

if __name__ == "__main__":
    import jax
    _d = setup_inputs()
    print(jax.jit(kernel)(*tuple(_d.values())))

</pallas_src>

<mosaic_0001>
#map = affine_map<(d0, d1) -> (0, 0, 0, 0)>
#map1 = affine_map<(d0, d1) -> (0, 0, 0)>
#map2 = affine_map<(d0, d1) -> (0, 0, 0, 0, 0)>
module attributes {stable_mosaic.version = 14 : i64} {
  func.func @_col_gather(%arg0: i32, %arg1: i32, %arg2: memref<32x640x8x128xf32, #tpu.memory_space<hbm>>, %arg3: memref<3x321x128xi32, #tpu.memory_space<hbm>>, %arg4: memref<4x24x321x8x128xf32, #tpu.memory_space<hbm>>, %arg5: memref<640x128xf32, #tpu.memory_space<vmem>>, %arg6: memref<2x81x128xi32, #tpu.memory_space<vmem>>, %arg7: memref<2x81x128xf32, #tpu.memory_space<vmem>>, %arg8: memref<!tpu.dma_semaphore, #tpu.memory_space<semaphore_mem>>, %arg9: memref<!tpu.dma_semaphore, #tpu.memory_space<semaphore_mem>>, %arg10: memref<!tpu.dma_semaphore, #tpu.memory_space<semaphore_mem>>, %arg11: memref<!tpu.dma_semaphore, #tpu.memory_space<semaphore_mem>>, %arg12: memref<!tpu.dma_semaphore, #tpu.memory_space<semaphore_mem>>) attributes {dimension_semantics = [#tpu.dimension_semantics<core_parallel>, #tpu.dimension_semantics<subcore_parallel>], iteration_bounds = array<i64: 2, 16>, scalar_prefetch = 0 : i64, scratch_operands = 8 : i64, tpu.core_type = #tpu.core_type<sc_vector_subcore>, window_params = [{transform_indices = #map}, {transform_indices = #map1}, {transform_indices = #map2}]} {
    %mul3A = arith.constant 2 : i32
    %mul3A_0 = arith.muli %arg1, %mul3A : i32
    %add3A = arith.addi %mul3A_0, %arg0 : i32
    %jit3A = arith.constant 8 : i32
    %div3A = arith.divsi %add3A, %jit3A : i32
    %sign3A = arith.constant 0 : i32
    %sign3A_1 = arith.cmpi sgt, %add3A, %sign3A : i32
    %sign3A_2 = arith.extui %sign3A_1 : i1 to i32
    %sign3A_3 = arith.constant 0 : i32
    %sign3A_4 = arith.cmpi slt, %add3A, %sign3A_3 : i32
    %sign3A_5 = arith.extui %sign3A_4 : i1 to i32
    %sign3A_6 = arith.subi %sign3A_2, %sign3A_5 : i32
    %sign3A_7 = arith.constant 0 : i32
    %sign3A_8 = arith.cmpi sgt, %jit3A, %sign3A_7 : i32
    %sign3A_9 = arith.extui %sign3A_8 : i1 to i32
    %sign3A_10 = arith.constant 0 : i32
    %sign3A_11 = arith.cmpi slt, %jit3A, %sign3A_10 : i32
    %sign3A_12 = arith.extui %sign3A_11 : i1 to i32
    %sign3A_13 = arith.subi %sign3A_9, %sign3A_12 : i32
    %ne3A = arith.cmpi ne, %sign3A_6, %sign3A_13 : i32
    %rem3A = arith.remsi %add3A, %jit3A : i32
    %ne3A_14 = arith.constant 0 : i32
    %ne3A_15 = arith.cmpi ne, %rem3A, %ne3A_14 : i32
    %and3A = arith.andi %ne3A, %ne3A_15 : i1
    %sub3A = arith.constant 1 : i32
    %sub3A_16 = arith.subi %div3A, %sub3A : i32
    %select_n3A = arith.select %and3A, %sub3A_16, %div3A : i32
    %dma_start3A = arith.constant 0 : i32
    %dma_start3A_17 = arith.constant 0 : i32
    %dma_start3A_18 = arith.constant 0 : i32
    %dma_start3A_19 = tpu.memref_slice %arg2[%add3A, %dma_start3A_17, %dma_start3A, %dma_start3A_18] : memref<32x640x8x128xf32, #tpu.memory_space<hbm>> -> memref<1x640x1x128xf32, #tpu.memory_space<hbm>>
    %dma_start3A_20 = tpu.memref_squeeze %dma_start3A_19 : memref<1x640x1x128xf32, #tpu.memory_space<hbm>> -> memref<640x128xf32, #tpu.memory_space<hbm>>
    %dma_start3A_21 = arith.constant 0 : i32
    %dma_start3A_22 = arith.constant 0 : i32
    %dma_start3A_23 = tpu.memref_slice %arg2[%add3A, %dma_start3A_21, %dma_start3A, %dma_start3A_22] : memref<32x640x8x128xf32, #tpu.memory_space<hbm>> -> memref<1x640x1x128xf32, #tpu.memory_space<hbm>>
    %dma_start3A_24 = tpu.memref_squeeze %dma_start3A_23 : memref<1x640x1x128xf32, #tpu.memory_space<hbm>> -> memref<640x128xf32, #tpu.memory_space<hbm>>
    tpu.enqueue_dma source(%dma_start3A_24 : memref<640x128xf32, #tpu.memory_space<hbm>>) target(%arg5 : memref<640x128xf32, #tpu.memory_space<vmem>>) target_semaphore(%arg12 : memref<!tpu.dma_semaphore, #tpu.memory_space<semaphore_mem>>)
    %dma_start3A_25 = arith.constant 0 : i32
    %dma_start3A_26 = arith.constant 0 : i32
    %dma_start3A_27 = arith.constant 0 : i32
    %dma_start3A_28 = arith.constant 0 : i32
    %dma_start3A_29 = tpu.memref_slice %arg6[%dma_start3A_26, %dma_start3A_27, %dma_start3A_28] : memref<2x81x128xi32, #tpu.memory_space<vmem>> -> memref<1x80x128xi32, #tpu.memory_space<vmem>>
    %dma_start3A_30 = tpu.memref_squeeze %dma_start3A_29 : memref<1x80x128xi32, #tpu.memory_space<vmem>> -> memref<80x128xi32, #tpu.memory_space<vmem>>
    %dma_start3A_31 = arith.constant 0 : i32
    %dma_start3A_32 = arith.constant 0 : i32
    %dma_start3A_33 = tpu.memref_slice %arg3[%dma_start3A_25, %dma_start3A_31, %dma_start3A_32] : memref<3x321x128xi32, #tpu.memory_space<hbm>> -> memref<1x80x128xi32, #tpu.memory_space<hbm>>
    %dma_start3A_34 = tpu.memref_squeeze %dma_start3A_33 : memref<1x80x128xi32, #tpu.memory_space<hbm>> -> memref<80x128xi32, #tpu.memory_space<hbm>>
    %dma_start3A_35 = arith.constant 0 : i32
    %dma_start3A_36 = arith.constant 0 : i32
    %dma_start3A_37 = tpu.memref_slice %arg6[%dma_start3A_26, %dma_start3A_35, %dma_start3A_36] : memref<2x81x128xi32, #tpu.memory_space<vmem>> -> memref<1x80x128xi32, #tpu.memory_space<vmem>>
    %dma_start3A_38 = tpu.memref_squeeze %dma_start3A_37 : memref<1x80x128xi32, #tpu.memory_space<vmem>> -> memref<80x128xi32, #tpu.memory_space<vmem>>
    %dma_start3A_39 = arith.constant 0 : i32
    %dma_start3A_40 = arith.constant 0 : i32
    %dma_start3A_41 = tpu.memref_slice %arg3[%dma_start3A_25, %dma_start3A_39, %dma_start3A_40] : memref<3x321x128xi32, #tpu.memory_space<hbm>> -> memref<1x80x128xi32, #tpu.memory_space<hbm>>
    %dma_start3A_42 = tpu.memref_squeeze %dma_start3A_41 : memref<1x80x128xi32, #tpu.memory_space<hbm>> -> memref<80x128xi32, #tpu.memory_space<hbm>>
    tpu.enqueue_dma source(%dma_start3A_42 : memref<80x128xi32, #tpu.memory_space<hbm>>) target(%dma_start3A_38 : memref<80x128xi32, #tpu.memory_space<vmem>>) target_semaphore(%arg8 : memref<!tpu.dma_semaphore, #tpu.memory_space<semaphore_mem>>)
    %scan3A = arith.constant 0 : i32
    %scan3A_43 = arith.constant 0 : i32
    %scan3A_44 = arith.constant 24 : i32
    %scan3A_45 = arith.addi %scan3A_43, %scan3A_44 : i32
    %scan3A_46 = arith.constant 1 : i32
    scf.for %scan3A_87 = %scan3A_43 to %scan3A_45 step %scan3A_46  : i32 {
      %jit3A_88 = arith.constant 3 : i32
      %div3A_89 = arith.divsi %scan3A_87, %jit3A_88 : i32
      %sign3A_90 = arith.constant 0 : i32
      %sign3A_91 = arith.cmpi sgt, %scan3A_87, %sign3A_90 : i32
      %sign3A_92 = arith.extui %sign3A_91 : i1 to i32
      %sign3A_93 = arith.constant 0 : i32
      %sign3A_94 = arith.cmpi slt, %scan3A_87, %sign3A_93 : i32
      %sign3A_95 = arith.extui %sign3A_94 : i1 to i32
      %sign3A_96 = arith.subi %sign3A_92, %sign3A_95 : i32
      %sign3A_97 = arith.constant 0 : i32
      %sign3A_98 = arith.cmpi sgt, %jit3A_88, %sign3A_97 : i32
      %sign3A_99 = arith.extui %sign3A_98 : i1 to i32
      %sign3A_100 = arith.constant 0 : i32
      %sign3A_101 = arith.cmpi slt, %jit3A_88, %sign3A_100 : i32
      %sign3A_102 = arith.extui %sign3A_101 : i1 to i32
      %sign3A_103 = arith.subi %sign3A_99, %sign3A_102 : i32
      %ne3A_104 = arith.cmpi ne, %sign3A_96, %sign3A_103 : i32
      %rem3A_105 = arith.remsi %scan3A_87, %jit3A_88 : i32
      %ne3A_106 = arith.constant 0 : i32
      %ne3A_107 = arith.cmpi ne, %rem3A_105, %ne3A_106 : i32
      %and3A_108 = arith.andi %ne3A_104, %ne3A_107 : i1
      %sub3A_109 = arith.constant 1 : i32
      %sub3A_110 = arith.subi %div3A_89, %sub3A_109 : i32
      %select_n3A_111 = arith.select %and3A_108, %sub3A_110, %div3A_89 : i32
      %rem3A_112 = arith.constant 3 : i32
      %rem3A_113 = arith.remsi %scan3A_87, %rem3A_112 : i32
      %add3A_114 = arith.constant 1 : i32
      %add3A_115 = arith.addi %scan3A_87, %add3A_114 : i32
      %rem3A_116 = arith.constant 3 : i32
      %rem3A_117 = arith.remsi %add3A_115, %rem3A_116 : i32
      %mul3A_118 = arith.constant 8 : i32
      %mul3A_119 = arith.muli %rem3A_113, %mul3A_118 : i32
      %rem3A_120 = arith.constant 8 : i32
      %rem3A_121 = arith.remsi %add3A, %rem3A_120 : i32
      %add3A_122 = arith.addi %mul3A_119, %rem3A_121 : i32
      %eq3A = arith.constant 0 : i32
      %eq3A_123 = arith.cmpi eq, %rem3A_113, %eq3A : i32
      %convert_element_type3A = arith.extui %eq3A_123 : i1 to i32
      %cond3A = arith.constant 0 : i32
      %cond3A_124 = arith.cmpi ne, %convert_element_type3A, %cond3A : i32
      scf.if %cond3A_124 {
        %dma_wait3A_388 = arith.constant 0 : i32
        %dma_wait3A_389 = arith.constant 0 : i32
        %dma_wait3A_390 = arith.constant 0 : i32
        %dma_wait3A_391 = arith.constant 0 : i32
        %dma_wait3A_392 = tpu.memref_slice %arg2[%dma_wait3A_388, %dma_wait3A_390, %dma_wait3A_389, %dma_wait3A_391] : memref<32x640x8x128xf32, #tpu.memory_space<hbm>> -> memref<1x640x1x128xf32, #tpu.memory_space<hbm>>
        %dma_wait3A_393 = tpu.memref_squeeze %dma_wait3A_392 : memref<1x640x1x128xf32, #tpu.memory_space<hbm>> -> memref<640x128xf32, #tpu.memory_space<hbm>>
        %dma_wait3A_394 = arith.constant 0 : i32
        %dma_wait3A_395 = arith.constant 0 : i32
        %dma_wait3A_396 = tpu.memref_slice %arg2[%dma_wait3A_388, %dma_wait3A_394, %dma_wait3A_389, %dma_wait3A_395] : memref<32x640x8x128xf32, #tpu.memory_space<hbm>> -> memref<1x640x1x128xf32, #tpu.memory_space<hbm>>
        %dma_wait3A_397 = tpu.memref_squeeze %dma_wait3A_396 : memref<1x640x1x128xf32, #tpu.memory_space<hbm>> -> memref<640x128xf32, #tpu.memory_space<hbm>>
        tpu.wait_dma2 semaphore(%arg12 : memref<!tpu.dma_semaphore, #tpu.memory_space<semaphore_mem>>) src(%dma_wait3A_397 : memref<640x128xf32, #tpu.memory_space<hbm>>) dst(%arg5 : memref<640x128xf32, #tpu.memory_space<vmem>>)
      } else {
      }
      %dma_start3A_125 = arith.constant 1 : i32
      %dma_start3A_126 = arith.constant 0 : i32
      %dma_start3A_127 = arith.constant 0 : i32
      %dma_start3A_128 = tpu.memref_slice %arg6[%dma_start3A_125, %dma_start3A_126, %dma_start3A_127] : memref<2x81x128xi32, #tpu.memory_space<vmem>> -> memref<1x80x128xi32, #tpu.memory_space<vmem>>
      %dma_start3A_129 = tpu.memref_squeeze %dma_start3A_128 : memref<1x80x128xi32, #tpu.memory_space<vmem>> -> memref<80x128xi32, #tpu.memory_space<vmem>>
      %dma_start3A_130 = arith.constant 80 : i32
      %dma_start3A_131 = arith.constant 0 : i32
      %dma_start3A_132 = tpu.memref_slice %arg3[%rem3A_113, %dma_start3A_130, %dma_start3A_131] : memref<3x321x128xi32, #tpu.memory_space<hbm>> -> memref<1x80x128xi32, #tpu.memory_space<hbm>>
      %dma_start3A_133 = tpu.memref_squeeze %dma_start3A_132 : memref<1x80x128xi32, #tpu.memory_space<hbm>> -> memref<80x128xi32, #tpu.memory_space<hbm>>
      %dma_start3A_134 = arith.constant 0 : i32
      %dma_start3A_135 = arith.constant 0 : i32
      %dma_start3A_136 = tpu.memref_slice %arg6[%dma_start3A_125, %dma_start3A_134, %dma_start3A_135] : memref<2x81x128xi32, #tpu.memory_space<vmem>> -> memref<1x80x128xi32, #tpu.memory_space<vmem>>
      %dma_start3A_137 = tpu.memref_squeeze %dma_start3A_136 : memref<1x80x128xi32, #tpu.memory_space<vmem>> -> memref<80x128xi32, #tpu.memory_space<vmem>>
      %dma_start3A_138 = arith.constant 80 : i32
      %dma_start3A_139 = arith.constant 0 : i32
      %dma_start3A_140 = tpu.memref_slice %arg3[%rem3A_113, %dma_start3A_138, %dma_start3A_139] : memref<3x321x128xi32, #tpu.memory_space<hbm>> -> memref<1x80x128xi32, #tpu.memory_space<hbm>>
      %dma_start3A_141 = tpu.memref_squeeze %dma_start3A_140 : memref<1x80x128xi32, #tpu.memory_space<hbm>> -> memref<80x128xi32, #tpu.memory_space<hbm>>
      tpu.enqueue_dma source(%dma_start3A_141 : memref<80x128xi32, #tpu.memory_space<hbm>>) target(%dma_start3A_137 : memref<80x128xi32, #tpu.memory_space<vmem>>) target_semaphore(%arg9 : memref<!tpu.dma_semaphore, #tpu.memory_space<semaphore_mem>>)
      %dma_wait3A_142 = arith.constant 0 : i32
      %dma_wait3A_143 = arith.constant 0 : i32
      %dma_wait3A_144 = arith.constant 0 : i32
      %dma_wait3A_145 = arith.constant 0 : i32
      %dma_wait3A_146 = tpu.memref_slice %arg6[%dma_wait3A_143, %dma_wait3A_144, %dma_wait3A_145] : memref<2x81x128xi32, #tpu.memory_space<vmem>> -> memref<1x80x128xi32, #tpu.memory_space<vmem>>
      %dma_wait3A_147 = tpu.memref_squeeze %dma_wait3A_146 : memref<1x80x128xi32, #tpu.memory_space<vmem>> -> memref<80x128xi32, #tpu.memory_space<vmem>>
      %dma_wait3A_148 = arith.constant 0 : i32
      %dma_wait3A_149 = arith.constant 0 : i32
      %dma_wait3A_150 = tpu.memref_slice %arg3[%dma_wait3A_142, %dma_wait3A_148, %dma_wait3A_149] : memref<3x321x128xi32, #tpu.memory_space<hbm>> -> memref<1x80x128xi32, #tpu.memory_space<hbm>>
      %dma_wait3A_151 = tpu.memref_squeeze %dma_wait3A_150 : memref<1x80x128xi32, #tpu.memory_space<hbm>> -> memref<80x128xi32, #tpu.memory_space<hbm>>
      %dma_wait3A_152 = arith.constant 0 : i32
      %dma_wait3A_153 = arith.constant 0 : i32
      %dma_wait3A_154 = tpu.memref_slice %arg6[%dma_wait3A_143, %dma_wait3A_152, %dma_wait3A_153] : memref<2x81x128xi32, #tpu.memory_space<vmem>> -> memref<1x80x128xi32, #tpu.memory_space<vmem>>
      %dma_wait3A_155 = tpu.memref_squeeze %dma_wait3A_154 : memref<1x80x128xi32, #tpu.memory_space<vmem>> -> memref<80x128xi32, #tpu.memory_space<vmem>>
      %dma_wait3A_156 = arith.constant 0 : i32
      %dma_wait3A_157 = arith.constant 0 : i32
      %dma_wait3A_158 = tpu.memref_slice %arg3[%dma_wait3A_142, %dma_wait3A_156, %dma_wait3A_157] : memref<3x321x128xi32, #tpu.memory_space<hbm>> -> memref<1x80x128xi32, #tpu.memory_space<hbm>>
      %dma_wait3A_159 = tpu.memref_squeeze %dma_wait3A_158 : memref<1x80x128xi32, #tpu.memory_space<hbm>> -> memref<80x128xi32, #tpu.memory_space<hbm>>
      tpu.wait_dma2 semaphore(%arg8 : memref<!tpu.dma_semaphore, #tpu.memory_space<semaphore_mem>>) src(%dma_wait3A_159 : memref<80x128xi32, #tpu.memory_space<hbm>>) dst(%dma_wait3A_155 : memref<80x128xi32, #tpu.memory_space<vmem>>)
      %gt3A = arith.constant 0 : i32
      %gt3A_160 = arith.cmpi sgt, %scan3A_87, %gt3A : i32
      %convert_element_type3A_161 = arith.extui %gt3A_160 : i1 to i32
      %cond3A_162 = arith.constant 0 : i32
      %cond3A_163 = arith.cmpi ne, %convert_element_type3A_161, %cond3A_162 : i32
      scf.if %cond3A_163 {
        %dma_wait3A_388 = arith.constant 0 : i32
        %dma_wait3A_389 = arith.constant 0 : i32
        %dma_wait3A_390 = arith.constant 0 : i32
        %dma_wait3A_391 = arith.constant 0 : i32
        %dma_wait3A_392 = arith.constant 0 : i32
        %dma_wait3A_393 = arith.constant 0 : i32
        %dma_wait3A_394 = tpu.memref_slice %arg7[%dma_wait3A_388, %dma_wait3A_392, %dma_wait3A_393] : memref<2x81x128xf32, #tpu.memory_space<vmem>> -> memref<1x80x128xf32, #tpu.memory_space<vmem>>
        %dma_wait3A_395 = tpu.memref_squeeze %dma_wait3A_394 : memref<1x80x128xf32, #tpu.memory_space<vmem>> -> memref<80x128xf32, #tpu.memory_space<vmem>>
        %dma_wait3A_396 = arith.constant 0 : i32
        %dma_wait3A_397 = arith.constant 0 : i32
        %dma_wait3A_398 = tpu.memref_slice %arg4[%dma_wait3A_389, %dma_wait3A_390, %dma_wait3A_396, %dma_wait3A_391, %dma_wait3A_397] : memref<4x24x321x8x128xf32, #tpu.memory_space<hbm>> -> memref<1x1x80x1x128xf32, #tpu.memory_space<hbm>>
        %dma_wait3A_399 = tpu.memref_squeeze %dma_wait3A_398 : memref<1x1x80x1x128xf32, #tpu.memory_space<hbm>> -> memref<80x128xf32, #tpu.memory_space<hbm>>
        %dma_wait3A_400 = arith.constant 0 : i32
        %dma_wait3A_401 = arith.constant 0 : i32
        %dma_wait3A_402 = tpu.memref_slice %arg4[%dma_wait3A_389, %dma_wait3A_390, %dma_wait3A_400, %dma_wait3A_391, %dma_wait3A_401] : memref<4x24x321x8x128xf32, #tpu.memory_space<hbm>> -> memref<1x1x80x1x128xf32, #tpu.memory_space<hbm>>
        %dma_wait3A_403 = tpu.memref_squeeze %dma_wait3A_402 : memref<1x1x80x1x128xf32, #tpu.memory_space<hbm>> -> memref<80x128xf32, #tpu.memory_space<hbm>>
        %dma_wait3A_404 = arith.constant 0 : i32
        %dma_wait3A_405 = arith.constant 0 : i32
        %dma_wait3A_406 = tpu.memref_slice %arg7[%dma_wait3A_388, %dma_wait3A_404, %dma_wait3A_405] : memref<2x81x128xf32, #tpu.memory_space<vmem>> -> memref<1x80x128xf32, #tpu.memory_space<vmem>>
        %dma_wait3A_407 = tpu.memref_squeeze %dma_wait3A_406 : memref<1x80x128xf32, #tpu.memory_space<vmem>> -> memref<80x128xf32, #tpu.memory_space<vmem>>
        tpu.wait_dma2 semaphore(%arg10 : memref<!tpu.dma_semaphore, #tpu.memory_space<semaphore_mem>>) src(%dma_wait3A_407 : memref<80x128xf32, #tpu.memory_space<vmem>>) dst(%dma_wait3A_403 : memref<80x128xf32, #tpu.memory_space<hbm>>)
      } else {
      }
      %parallel_loop3A = arith.constant 0 : i32
      %parallel_loop3A_164 = arith.constant 80 : i32
      %parallel_loop3A_165 = arith.constant 1 : i32
      scf.for %parallel_loop3A_388 = %parallel_loop3A to %parallel_loop3A_164 step %parallel_loop3A_165  : i32 {
        %parallel_loop3A_389 = arith.constant 0 : i32
        %parallel_loop3A_390 = arith.index_cast %parallel_loop3A_389 : i32 to index
        %parallel_loop3A_391 = arith.index_cast %parallel_loop3A_388 : i32 to index
        %parallel_loop3A_392 = arith.constant 0 : index
        %parallel_loop3A_393 = tpu.vector_load %arg6[%parallel_loop3A_390, %parallel_loop3A_391, %parallel_loop3A_392] {strides = array<i32>} : memref<2x81x128xi32, #tpu.memory_space<vmem>>, vector<16xi32>,
        %parallel_loop3A_394 = arith.constant 7 : i32
        %parallel_loop3A_395 = vector.broadcast %parallel_loop3A_394 : i32 to vector<16xi32>
        %parallel_loop3A_396 = arith.shrui %parallel_loop3A_393, %parallel_loop3A_395 : vector<16xi32>
        %parallel_loop3A_397 = arith.constant 127 : i32
        %parallel_loop3A_398 = vector.broadcast %parallel_loop3A_397 : i32 to vector<16xi32>
        %parallel_loop3A_399 = arith.andi %parallel_loop3A_393, %parallel_loop3A_398 : vector<16xi32>
        %parallel_loop3A_400 = tpu.vector_load_idx %arg5[%parallel_loop3A_396, %parallel_loop3A_399] : memref<640x128xf32, #tpu.memory_space<vmem>>[vector<16xi32>, vector<16xi32>], vector<16xf32>,
        %parallel_loop3A_401 = arith.constant 0 : i32
        %parallel_loop3A_402 = arith.index_cast %parallel_loop3A_401 : i32 to index
        %parallel_loop3A_403 = arith.index_cast %parallel_loop3A_388 : i32 to index
        %parallel_loop3A_404 = arith.constant 0 : index
        %parallel_loop3A_405 = tpu.vector_load %arg7[%parallel_loop3A_402, %parallel_loop3A_403, %parallel_loop3A_404] {strides = array<i32>} : memref<2x81x128xf32, #tpu.memory_space<vmem>>, vector<16xf32>,
        tpu.vector_store %arg7[%parallel_loop3A_402, %parallel_loop3A_403, %parallel_loop3A_404], %parallel_loop3A_400 {strides = array<i32>} : memref<2x81x128xf32, #tpu.memory_space<vmem>>, vector<16xf32>,
        %parallel_loop3A_406 = arith.constant 0 : i32
        %parallel_loop3A_407 = arith.index_cast %parallel_loop3A_406 : i32 to index
        %parallel_loop3A_408 = arith.index_cast %parallel_loop3A_388 : i32 to index
        %parallel_loop3A_409 = arith.constant 16 : index
        %parallel_loop3A_410 = tpu.vector_load %arg6[%parallel_loop3A_407, %parallel_loop3A_408, %parallel_loop3A_409] {strides = array<i32>} : memref<2x81x128xi32, #tpu.memory_space<vmem>>, vector<16xi32>,
        %parallel_loop3A_411 = arith.constant 7 : i32
        %parallel_loop3A_412 = vector.broadcast %parallel_loop3A_411 : i32 to vector<16xi32>
        %parallel_loop3A_413 = arith.shrui %parallel_loop3A_410, %parallel_loop3A_412 : vector<16xi32>
        %parallel_loop3A_414 = arith.constant 127 : i32
        %parallel_loop3A_415 = vector.broadcast %parallel_loop3A_414 : i32 to vector<16xi32>
        %parallel_loop3A_416 = arith.andi %parallel_loop3A_410, %parallel_loop3A_415 : vector<16xi32>
        %parallel_loop3A_417 = tpu.vector_load_idx %arg5[%parallel_loop3A_413, %parallel_loop3A_416] : memref<640x128xf32, #tpu.memory_space<vmem>>[vector<16xi32>, vector<16xi32>], vector<16xf32>,
        %parallel_loop3A_418 = arith.constant 0 : i32
        %parallel_loop3A_419 = arith.index_cast %parallel_loop3A_418 : i32 to index
        %parallel_loop3A_420 = arith.index_cast %parallel_loop3A_388 : i32 to index
        %parallel_loop3A_421 = arith.constant 16 : index
        %parallel_loop3A_422 = tpu.vector_load %arg7[%parallel_loop3A_419, %parallel_loop3A_420, %parallel_loop3A_421] {strides = array<i32>} : memref<2x81x128xf32, #tpu.memory_space<vmem>>, vector<16xf32>,
        tpu.vector_store %arg7[%parallel_loop3A_419, %parallel_loop3A_420, %parallel_loop3A_421], %parallel_loop3A_417 {strides = array<i32>} : memref<2x81x128xf32, #tpu.memory_space<vmem>>, vector<16xf32>,
        %parallel_loop3A_423 = arith.constant 0 : i32
        %parallel_loop3A_424 = arith.index_cast %parallel_loop3A_423 : i32 to index
        %parallel_loop3A_425 = arith.index_cast %parallel_loop3A_388 : i32 to index
        %parallel_loop3A_426 = arith.constant 32 : index
        %parallel_loop3A_427 = tpu.vector_load %arg6[%parallel_loop3A_424, %parallel_loop3A_425, %parallel_loop3A_426] {strides = array<i32>} : memref<2x81x128xi32, #tpu.memory_space<vmem>>, vector<16xi32>,
        %parallel_loop3A_428 = arith.constant 7 : i32
        %parallel_loop3A_429 = vector.broadcast %parallel_loop3A_428 : i32 to vector<16xi32>
        %parallel_loop3A_430 = arith.shrui %parallel_loop3A_427, %parallel_loop3A_429 : vector<16xi32>
        %parallel_loop3A_431 = arith.constant 127 : i32
        %parallel_loop3A_432 = vector.broadcast %parallel_loop3A_431 : i32 to vector<16xi32>
        %parallel_loop3A_433 = arith.andi %parallel_loop3A_427, %parallel_loop3A_432 : vector<16xi32>
        %parallel_loop3A_434 = tpu.vector_load_idx %arg5[%parallel_loop3A_430, %parallel_loop3A_433] : memref<640x128xf32, #tpu.memory_space<vmem>>[vector<16xi32>, vector<16xi32>], vector<16xf32>,
        %parallel_loop3A_435 = arith.constant 0 : i32
        %parallel_loop3A_436 = arith.index_cast %parallel_loop3A_435 : i32 to index
        %parallel_loop3A_437 = arith.index_cast %parallel_loop3A_388 : i32 to index
        %parallel_loop3A_438 = arith.constant 32 : index
        %parallel_loop3A_439 = tpu.vector_load %arg7[%parallel_loop3A_436, %parallel_loop3A_437, %parallel_loop3A_438] {strides = array<i32>} : memref<2x81x128xf32, #tpu.memory_space<vmem>>, vector<16xf32>,
        tpu.vector_store %arg7[%parallel_loop3A_436, %parallel_loop3A_437, %parallel_loop3A_438], %parallel_loop3A_434 {strides = array<i32>} : memref<2x81x128xf32, #tpu.memory_space<vmem>>, vector<16xf32>,
        %parallel_loop3A_440 = arith.constant 0 : i32
        %parallel_loop3A_441 = arith.index_cast %parallel_loop3A_440 : i32 to index
        %parallel_loop3A_442 = arith.index_cast %parallel_loop3A_388 : i32 to index
        %parallel_loop3A_443 = arith.constant 48 : index
        %parallel_loop3A_444 = tpu.vector_load %arg6[%parallel_loop3A_441, %parallel_loop3A_442, %parallel_loop3A_443] {strides = array<i32>} : memref<2x81x128xi32, #tpu.memory_space<vmem>>, vector<16xi32>,
        %parallel_loop3A_445 = arith.constant 7 : i32
        %parallel_loop3A_446 = vector.broadcast %parallel_loop3A_445 : i32 to vector<16xi32>
        %parallel_loop3A_447 = arith.shrui %parallel_loop3A_444, %parallel_loop3A_446 : vector<16xi32>
        %parallel_loop3A_448 = arith.constant 127 : i32
        %parallel_loop3A_449 = vector.broadcast %parallel_loop3A_448 : i32 to vector<16xi32>
        %parallel_loop3A_450 = arith.andi %parallel_loop3A_444, %parallel_loop3A_449 : vector<16xi32>
        %parallel_loop3A_451 = tpu.vector_load_idx %arg5[%parallel_loop3A_447, %parallel_loop3A_450] : memref<640x128xf32, #tpu.memory_space<vmem>>[vector<16xi32>, vector<16xi32>], vector<16xf32>,
        %parallel_loop3A_452 = arith.constant 0 : i32
        %parallel_loop3A_453 = arith.index_cast %parallel_loop3A_452 : i32 to index
        %parallel_loop3A_454 = arith.index_cast %parallel_loop3A_388 : i32 to index
        %parallel_loop3A_455 = arith.constant 48 : index
        %parallel_loop3A_456 = tpu.vector_load %arg7[%parallel_loop3A_453, %parallel_loop3A_454, %parallel_loop3A_455] {strides = array<i32>} : memref<2x81x128xf32, #tpu.memory_space<vmem>>, vector<16xf32>,
        tpu.vector_store %arg7[%parallel_loop3A_453, %parallel_loop3A_454, %parallel_loop3A_455], %parallel_loop3A_451 {strides = array<i32>} : memref<2x81x128xf32, #tpu.memory_space<vmem>>, vector<16xf32>,
        %parallel_loop3A_457 = arith.constant 0 : i32
        %parallel_loop3A_458 = arith.index_cast %parallel_loop3A_457 : i32 to index
        %parallel_loop3A_459 = arith.index_cast %parallel_loop3A_388 : i32 to index
        %parallel_loop3A_460 = arith.constant 64 : index
        %parallel_loop3A_461 = tpu.vector_load %arg6[%parallel_loop3A_458, %parallel_loop3A_459, %parallel_loop3A_460] {strides = array<i32>} : memref<2x81x128xi32, #tpu.memory_space<vmem>>, vector<16xi32>,
        %parallel_loop3A_462 = arith.constant 7 : i32
        %parallel_loop3A_463 = vector.broadcast %parallel_loop3A_462 : i32 to vector<16xi32>
        %parallel_loop3A_464 = arith.shrui %parallel_loop3A_461, %parallel_loop3A_463 : vector<16xi32>
        %parallel_loop3A_465 = arith.constant 127 : i32
        %parallel_loop3A_466 = vector.broadcast %parallel_loop3A_465 : i32 to vector<16xi32>
        %parallel_loop3A_467 = arith.andi %parallel_loop3A_461, %parallel_loop3A_466 : vector<16xi32>
        %parallel_loop3A_468 = tpu.vector_load_idx %arg5[%parallel_loop3A_464, %parallel_loop3A_467] : memref<640x128xf32, #tpu.memory_space<vmem>>[vector<16xi32>, vector<16xi32>], vector<16xf32>,
        %parallel_loop3A_469 = arith.constant 0 : i32
        %parallel_loop3A_470 = arith.index_cast %parallel_loop3A_469 : i32 to index
        %parallel_loop3A_471 = arith.index_cast %parallel_loop3A_388 : i32 to index
        %parallel_loop3A_472 = arith.constant 64 : index
        %parallel_loop3A_473 = tpu.vector_load %arg7[%parallel_loop3A_470, %parallel_loop3A_471, %parallel_loop3A_472] {strides = array<i32>} : memref<2x81x128xf32, #tpu.memory_space<vmem>>, vector<16xf32>,
        tpu.vector_store %arg7[%parallel_loop3A_470, %parallel_loop3A_471, %parallel_loop3A_472], %parallel_loop3A_468 {strides = array<i32>} : memref<2x81x128xf32, #tpu.memory_space<vmem>>, vector<16xf32>,
        %parallel_loop3A_474 = arith.constant 0 : i32
        %parallel_loop3A_475 = arith.index_cast %parallel_loop3A_474 : i32 to index
        %parallel_loop3A_476 = arith.index_cast %parallel_loop3A_388 : i32 to index
        %parallel_loop3A_477 = arith.constant 80 : index
        %parallel_loop3A_478 = tpu.vector_load %arg6[%parallel_loop3A_475, %parallel_loop3A_476, %parallel_loop3A_477] {strides = array<i32>} : memref<2x81x128xi32, #tpu.memory_space<vmem>>, vector<16xi32>,
        %parallel_loop3A_479 = arith.constant 7 : i32
        %parallel_loop3A_480 = vector.broadcast %parallel_loop3A_479 : i32 to vector<16xi32>
        %parallel_loop3A_481 = arith.shrui %parallel_loop3A_478, %parallel_loop3A_480 : vector<16xi32>
        %parallel_loop3A_482 = arith.constant 127 : i32
        %parallel_loop3A_483 = vector.broadcast %parallel_loop3A_482 : i32 to vector<16xi32>
        %parallel_loop3A_484 = arith.andi %parallel_loop3A_478, %parallel_loop3A_483 : vector<16xi32>
        %parallel_loop3A_485 = tpu.vector_load_idx %arg5[%parallel_loop3A_481, %parallel_loop3A_484] : memref<640x128xf32, #tpu.memory_space<vmem>>[vector<16xi32>, vector<16xi32>], vector<16xf32>,
        %parallel_loop3A_486 = arith.constant 0 : i32
        %parallel_loop3A_487 = arith.index_cast %parallel_loop3A_486 : i32 to index
        %parallel_loop3A_488 = arith.index_cast %parallel_loop3A_388 : i32 to index
        %parallel_loop3A_489 = arith.constant 80 : index
        %parallel_loop3A_490 = tpu.vector_load %arg7[%parallel_loop3A_487, %parallel_loop3A_488, %parallel_loop3A_489] {strides = array<i32>} : memref<2x81x128xf32, #tpu.memory_space<vmem>>, vector<16xf32>,
        tpu.vector_store %arg7[%parallel_loop3A_487, %parallel_loop3A_488, %parallel_loop3A_489], %parallel_loop3A_485 {strides = array<i32>} : memref<2x81x128xf32, #tpu.memory_space<vmem>>, vector<16xf32>,
        %parallel_loop3A_491 = arith.constant 0 : i32
        %parallel_loop3A_492 = arith.index_cast %parallel_loop3A_491 : i32 to index
        %parallel_loop3A_493 = arith.index_cast %parallel_loop3A_388 : i32 to index
        %parallel_loop3A_494 = arith.constant 96 : index
        %parallel_loop3A_495 = tpu.vector_load %arg6[%parallel_loop3A_492, %parallel_loop3A_493, %parallel_loop3A_494] {strides = array<i32>} : memref<2x81x128xi32, #tpu.memory_space<vmem>>, vector<16xi32>,
        %parallel_loop3A_496 = arith.constant 7 : i32
        %parallel_loop3A_497 = vector.broadcast %parallel_loop3A_496 : i32 to vector<16xi32>
        %parallel_loop3A_498 = arith.shrui %parallel_loop3A_495, %parallel_loop3A_497 : vector<16xi32>
        %parallel_loop3A_499 = arith.constant 127 : i32
        %parallel_loop3A_500 = vector.broadcast %parallel_loop3A_499 : i32 to vector<16xi32>
        %parallel_loop3A_501 = arith.andi %parallel_loop3A_495, %parallel_loop3A_500 : vector<16xi32>
        %parallel_loop3A_502 = tpu.vector_load_idx %arg5[%parallel_loop3A_498, %parallel_loop3A_501] : memref<640x128xf32, #tpu.memory_space<vmem>>[vector<16xi32>, vector<16xi32>], vector<16xf32>,
        %parallel_loop3A_503 = arith.constant 0 : i32
        %parallel_loop3A_504 = arith.index_cast %parallel_loop3A_503 : i32 to index
        %parallel_loop3A_505 = arith.index_cast %parallel_loop3A_388 : i32 to index
        %parallel_loop3A_506 = arith.constant 96 : index
        %parallel_loop3A_507 = tpu.vector_load %arg7[%parallel_loop3A_504, %parallel_loop3A_505, %parallel_loop3A_506] {strides = array<i32>} : memref<2x81x128xf32, #tpu.memory_space<vmem>>, vector<16xf32>,
        tpu.vector_store %arg7[%parallel_loop3A_504, %parallel_loop3A_505, %parallel_loop3A_506], %parallel_loop3A_502 {strides = array<i32>} : memref<2x81x128xf32, #tpu.memory_space<vmem>>, vector<16xf32>,
        %parallel_loop3A_508 = arith.constant 0 : i32
        %parallel_loop3A_509 = arith.index_cast %parallel_loop3A_508 : i32 to index
        %parallel_loop3A_510 = arith.index_cast %parallel_loop3A_388 : i32 to index
        %parallel_loop3A_511 = arith.constant 112 : index
        %parallel_loop3A_512 = tpu.vector_load %arg6[%parallel_loop3A_509, %parallel_loop3A_510, %parallel_loop3A_511] {strides = array<i32>} : memref<2x81x128xi32, #tpu.memory_space<vmem>>, vector<16xi32>,
        %parallel_loop3A_513 = arith.constant 7 : i32
        %parallel_loop3A_514 = vector.broadcast %parallel_loop3A_513 : i32 to vector<16xi32>
        %parallel_loop3A_515 = arith.shrui %parallel_loop3A_512, %parallel_loop3A_514 : vector<16xi32>
        %parallel_loop3A_516 = arith.constant 127 : i32
        %parallel_loop3A_517 = vector.broadcast %parallel_loop3A_516 : i32 to vector<16xi32>
        %parallel_loop3A_518 = arith.andi %parallel_loop3A_512, %parallel_loop3A_517 : vector<16xi32>
        %parallel_loop3A_519 = tpu.vector_load_idx %arg5[%parallel_loop3A_515, %parallel_loop3A_518] : memref<640x128xf32, #tpu.memory_space<vmem>>[vector<16xi32>, vector<16xi32>], vector<16xf32>,
        %parallel_loop3A_520 = arith.constant 0 : i32
        %parallel_loop3A_521 = arith.index_cast %parallel_loop3A_520 : i32 to index
        %parallel_loop3A_522 = arith.index_cast %parallel_loop3A_388 : i32 to index
        %parallel_loop3A_523 = arith.constant 112 : index
        %parallel_loop3A_524 = tpu.vector_load %arg7[%parallel_loop3A_521, %parallel_loop3A_522, %parallel_loop3A_523] {strides = array<i32>} : memref<2x81x128xf32, #tpu.memory_space<vmem>>, vector<16xf32>,
        tpu.vector_store %arg7[%parallel_loop3A_521, %parallel_loop3A_522, %parallel_loop3A_523], %parallel_loop3A_519 {strides = array<i32>} : memref<2x81x128xf32, #tpu.memory_space<vmem>>, vector<16xf32>,
      } {sc.loop_unroll_factor = 4 : i64, sc.parallel_access}
      %dma_start3A_166 = arith.constant 0 : i32
      %dma_start3A_167 = arith.constant 0 : i32
      %dma_start3A_168 = arith.constant 0 : i32
      %dma_start3A_169 = tpu.memref_slice %arg7[%dma_start3A_166, %dma_start3A_167, %dma_start3A_168] : memref<2x81x128xf32, #tpu.memory_space<vmem>> -> memref<1x80x128xf32, #tpu.memory_space<vmem>>
      %dma_start3A_170 = tpu.memref_squeeze %dma_start3A_169 : memref<1x80x128xf32, #tpu.memory_space<vmem>> -> memref<80x128xf32, #tpu.memory_space<vmem>>
      %dma_start3A_171 = arith.constant 0 : i32
      %dma_start3A_172 = arith.constant 0 : i32
      %dma_start3A_173 = tpu.memref_slice %arg4[%select_n3A, %add3A_122, %dma_start3A_171, %select_n3A_111, %dma_start3A_172] : memref<4x24x321x8x128xf32, #tpu.memory_space<hbm>> -> memref<1x1x80x1x128xf32, #tpu.memory_space<hbm>>
      %dma_start3A_174 = tpu.memref_squeeze %dma_start3A_173 : memref<1x1x80x1x128xf32, #tpu.memory_space<hbm>> -> memref<80x128xf32, #tpu.memory_space<hbm>>
      %dma_start3A_175 = arith.constant 0 : i32
      %dma_start3A_176 = arith.constant 0 : i32
      %dma_start3A_177 = tpu.memref_slice %arg4[%select_n3A, %add3A_122, %dma_start3A_175, %select_n3A_111, %dma_start3A_176] : memref<4x24x321x8x128xf32, #tpu.memory_space<hbm>> -> memref<1x1x80x1x128xf32, #tpu.memory_space<hbm>>
      %dma_start3A_178 = tpu.memref_squeeze %dma_start3A_177 : memref<1x1x80x1x128xf32, #tpu.memory_space<hbm>> -> memref<80x128xf32, #tpu.memory_space<hbm>>
      %dma_start3A_179 = arith.constant 0 : i32
      %dma_start3A_180 = arith.constant 0 : i32
      %dma_start3A_181 = tpu.memref_slice %arg7[%dma_start3A_166, %dma_start3A_179, %dma_start3A_180] : memref<2x81x128xf32, #tpu.memory_space<vmem>> -> memref<1x80x128xf32, #tpu.memory_space<vmem>>
      %dma_start3A_182 = tpu.memref_squeeze %dma_start3A_181 : memref<1x80x128xf32, #tpu.memory_space<vmem>> -> memref<80x128xf32, #tpu.memory_space<vmem>>
      tpu.enqueue_dma source(%dma_start3A_182 : memref<80x128xf32, #tpu.memory_space<vmem>>) target(%dma_start3A_178 : memref<80x128xf32, #tpu.memory_space<hbm>>) target_semaphore(%arg10 : memref<!tpu.dma_semaphore, #tpu.memory_space<semaphore_mem>>)
      %dma_start3A_183 = arith.constant 0 : i32
      %dma_start3A_184 = arith.constant 0 : i32
      %dma_start3A_185 = arith.constant 0 : i32
      %dma_start3A_186 = tpu.memref_slice %arg6[%dma_start3A_183, %dma_start3A_184, %dma_start3A_185] : memref<2x81x128xi32, #tpu.memory_space<vmem>> -> memref<1x80x128xi32, #tpu.memory_space<vmem>>
      %dma_start3A_187 = tpu.memref_squeeze %dma_start3A_186 : memref<1x80x128xi32, #tpu.memory_space<vmem>> -> memref<80x128xi32, #tpu.memory_space<vmem>>
      %dma_start3A_188 = arith.constant 160 : i32
      %dma_start3A_189 = arith.constant 0 : i32
      %dma_start3A_190 = tpu.memref_slice %arg3[%rem3A_113, %dma_start3A_188, %dma_start3A_189] : memref<3x321x128xi32, #tpu.memory_space<hbm>> -> memref<1x80x128xi32, #tpu.memory_space<hbm>>
      %dma_start3A_191 = tpu.memref_squeeze %dma_start3A_190 : memref<1x80x128xi32, #tpu.memory_space<hbm>> -> memref<80x128xi32, #tpu.memory_space<hbm>>
      %dma_start3A_192 = arith.constant 0 : i32
      %dma_start3A_193 = arith.constant 0 : i32
      %dma_start3A_194 = tpu.memref_slice %arg6[%dma_start3A_183, %dma_start3A_192, %dma_start3A_193] : memref<2x81x128xi32, #tpu.memory_space<vmem>> -> memref<1x80x128xi32, #tpu.memory_space<vmem>>
      %dma_start3A_195 = tpu.memref_squeeze %dma_start3A_194 : memref<1x80x128xi32, #tpu.memory_space<vmem>> -> memref<80x128xi32, #tpu.memory_space<vmem>>
      %dma_start3A_196 = arith.constant 160 : i32
      %dma_start3A_197 = arith.constant 0 : i32
      %dma_start3A_198 = tpu.memref_slice %arg3[%rem3A_113, %dma_start3A_196, %dma_start3A_197] : memref<3x321x128xi32, #tpu.memory_space<hbm>> -> memref<1x80x128xi32, #tpu.memory_space<hbm>>
      %dma_start3A_199 = tpu.memref_squeeze %dma_start3A_198 : memref<1x80x128xi32, #tpu.memory_space<hbm>> -> memref<80x128xi32, #tpu.memory_space<hbm>>
      tpu.enqueue_dma source(%dma_start3A_199 : memref<80x128xi32, #tpu.memory_space<hbm>>) target(%dma_start3A_195 : memref<80x128xi32, #tpu.memory_space<vmem>>) target_semaphore(%arg8 : memref<!tpu.dma_semaphore, #tpu.memory_space<semaphore_mem>>)
      %dma_wait3A_200 = arith.constant 0 : i32
      %dma_wait3A_201 = arith.constant 1 : i32
      %dma_wait3A_202 = arith.constant 0 : i32
      %dma_wait3A_203 = arith.constant 0 : i32
      %dma_wait3A_204 = tpu.memref_slice %arg6[%dma_wait3A_201, %dma_wait3A_202, %dma_wait3A_203] : memref<2x81x128xi32, #tpu.memory_space<vmem>> -> memref<1x80x128xi32, #tpu.memory_space<vmem>>
      %dma_wait3A_205 = tpu.memref_squeeze %dma_wait3A_204 : memref<1x80x128xi32, #tpu.memory_space<vmem>> -> memref<80x128xi32, #tpu.memory_space<vmem>>
      %dma_wait3A_206 = arith.constant 0 : i32
      %dma_wait3A_207 = arith.constant 0 : i32
      %dma_wait3A_208 = tpu.memref_slice %arg3[%dma_wait3A_200, %dma_wait3A_206, %dma_wait3A_207] : memref<3x321x128xi32, #tpu.memory_space<hbm>> -> memref<1x80x128xi32, #tpu.memory_space<hbm>>
      %dma_wait3A_209 = tpu.memref_squeeze %dma_wait3A_208 : memref<1x80x128xi32, #tpu.memory_space<hbm>> -> memref<80x128xi32, #tpu.memory_space<hbm>>
      %dma_wait3A_210 = arith.constant 0 : i32
      %dma_wait3A_211 = arith.constant 0 : i32
      %dma_wait3A_212 = tpu.memref_slice %arg6[%dma_wait3A_201, %dma_wait3A_210, %dma_wait3A_211] : memref<2x81x128xi32, #tpu.memory_space<vmem>> -> memref<1x80x128xi32, #tpu.memory_space<vmem>>
      %dma_wait3A_213 = tpu.memref_squeeze %dma_wait3A_212 : memref<1x80x128xi32, #tpu.memory_space<vmem>> -> memref<80x128xi32, #tpu.memory_space<vmem>>
      %dma_wait3A_214 = arith.constant 0 : i32
      %dma_wait3A_215 = arith.constant 0 : i32
      %dma_wait3A_216 = tpu.memref_slice %arg3[%dma_wait3A_200, %dma_wait3A_214, %dma_wait3A_215] : memref<3x321x128xi32, #tpu.memory_space<hbm>> -> memref<1x80x128xi32, #tpu.memory_space<hbm>>
      %dma_wait3A_217 = tpu.memref_squeeze %dma_wait3A_216 : memref<1x80x128xi32, #tpu.memory_space<hbm>> -> memref<80x128xi32, #tpu.memory_space<hbm>>
      tpu.wait_dma2 semaphore(%arg9 : memref<!tpu.dma_semaphore, #tpu.memory_space<semaphore_mem>>) src(%dma_wait3A_217 : memref<80x128xi32, #tpu.memory_space<hbm>>) dst(%dma_wait3A_213 : memref<80x128xi32, #tpu.memory_space<vmem>>)
      %gt3A_218 = arith.constant 0 : i32
      %gt3A_219 = arith.cmpi sgt, %scan3A_87, %gt3A_218 : i32
      %convert_element_type3A_220 = arith.extui %gt3A_219 : i1 to i32
      %cond3A_221 = arith.constant 0 : i32
      %cond3A_222 = arith.cmpi ne, %convert_element_type3A_220, %cond3A_221 : i32
      scf.if %cond3A_222 {
        %dma_wait3A_388 = arith.constant 1 : i32
        %dma_wait3A_389 = arith.constant 0 : i32
        %dma_wait3A_390 = arith.constant 0 : i32
        %dma_wait3A_391 = arith.constant 0 : i32
        %dma_wait3A_392 = arith.constant 0 : i32
        %dma_wait3A_393 = arith.constant 0 : i32
        %dma_wait3A_394 = tpu.memref_slice %arg7[%dma_wait3A_388, %dma_wait3A_392, %dma_wait3A_393] : memref<2x81x128xf32, #tpu.memory_space<vmem>> -> memref<1x81x128xf32, #tpu.memory_space<vmem>>
        %dma_wait3A_395 = tpu.memref_squeeze %dma_wait3A_394 : memref<1x81x128xf32, #tpu.memory_space<vmem>> -> memref<81x128xf32, #tpu.memory_space<vmem>>
        %dma_wait3A_396 = arith.constant 0 : i32
        %dma_wait3A_397 = arith.constant 0 : i32
        %dma_wait3A_398 = tpu.memref_slice %arg4[%dma_wait3A_389, %dma_wait3A_390, %dma_wait3A_396, %dma_wait3A_391, %dma_wait3A_397] : memref<4x24x321x8x128xf32, #tpu.memory_space<hbm>> -> memref<1x1x81x1x128xf32, #tpu.memory_space<hbm>>
        %dma_wait3A_399 = tpu.memref_squeeze %dma_wait3A_398 : memref<1x1x81x1x128xf32, #tpu.memory_space<hbm>> -> memref<81x128xf32, #tpu.memory_space<hbm>>
        %dma_wait3A_400 = arith.constant 0 : i32
        %dma_wait3A_401 = arith.constant 0 : i32
        %dma_wait3A_402 = tpu.memref_slice %arg4[%dma_wait3A_389, %dma_wait3A_390, %dma_wait3A_400, %dma_wait3A_391, %dma_wait3A_401] : memref<4x24x321x8x128xf32, #tpu.memory_space<hbm>> -> memref<1x1x81x1x128xf32, #tpu.memory_space<hbm>>
        %dma_wait3A_403 = tpu.memref_squeeze %dma_wait3A_402 : memref<1x1x81x1x128xf32, #tpu.memory_space<hbm>> -> memref<81x128xf32, #tpu.memory_space<hbm>>
        %dma_wait3A_404 = arith.constant 0 : i32
        %dma_wait3A_405 = arith.constant 0 : i32
        %dma_wait3A_406 = tpu.memref_slice %arg7[%dma_wait3A_388, %dma_wait3A_404, %dma_wait3A_405] : memref<2x81x128xf32, #tpu.memory_space<vmem>> -> memref<1x81x128xf32, #tpu.memory_space<vmem>>
        %dma_wait3A_407 = tpu.memref_squeeze %dma_wait3A_406 : memref<1x81x128xf32, #tpu.memory_space<vmem>> -> memref<81x128xf32, #tpu.memory_space<vmem>>
        tpu.wait_dma2 semaphore(%arg11 : memref<!tpu.dma_semaphore, #tpu.memory_space<semaphore_mem>>) src(%dma_wait3A_407 : memref<81x128xf32, #tpu.memory_space<vmem>>) dst(%dma_wait3A_403 : memref<81x128xf32, #tpu.memory_space<hbm>>)
      } else {
      }
      %parallel_loop3A_223 = arith.constant 0 : i32
      %parallel_loop3A_224 = arith.constant 80 : i32
      %parallel_loop3A_225 = arith.constant 1 : i32
      scf.for %parallel_loop3A_388 = %parallel_loop3A_223 to %parallel_loop3A_224 step %parallel_loop3A_225  : i32 {
        %parallel_loop3A_389 = arith.constant 1 : i32
        %parallel_loop3A_390 = arith.index_cast %parallel_loop3A_389 : i32 to index
        %parallel_loop3A_391 = arith.index_cast %parallel_loop3A_388 : i32 to index
        %parallel_loop3A_392 = arith.constant 0 : index
        %parallel_loop3A_393 = tpu.vector_load %arg6[%parallel_loop3A_390, %parallel_loop3A_391, %parallel_loop3A_392] {strides = array<i32>} : memref<2x81x128xi32, #tpu.memory_space<vmem>>, vector<16xi32>,
        %parallel_loop3A_394 = arith.constant 7 : i32
        %parallel_loop3A_395 = vector.broadcast %parallel_loop3A_394 : i32 to vector<16xi32>
        %parallel_loop3A_396 = arith.shrui %parallel_loop3A_393, %parallel_loop3A_395 : vector<16xi32>
        %parallel_loop3A_397 = arith.constant 127 : i32
        %parallel_loop3A_398 = vector.broadcast %parallel_loop3A_397 : i32 to vector<16xi32>
        %parallel_loop3A_399 = arith.andi %parallel_loop3A_393, %parallel_loop3A_398 : vector<16xi32>
        %parallel_loop3A_400 = tpu.vector_load_idx %arg5[%parallel_loop3A_396, %parallel_loop3A_399] : memref<640x128xf32, #tpu.memory_space<vmem>>[vector<16xi32>, vector<16xi32>], vector<16xf32>,
        %parallel_loop3A_401 = arith.constant 1 : i32
        %parallel_loop3A_402 = arith.index_cast %parallel_loop3A_401 : i32 to index
        %parallel_loop3A_403 = arith.index_cast %parallel_loop3A_388 : i32 to index
        %parallel_loop3A_404 = arith.constant 0 : index
        %parallel_loop3A_405 = tpu.vector_load %arg7[%parallel_loop3A_402, %parallel_loop3A_403, %parallel_loop3A_404] {strides = array<i32>} : memref<2x81x128xf32, #tpu.memory_space<vmem>>, vector<16xf32>,
        tpu.vector_store %arg7[%parallel_loop3A_402, %parallel_loop3A_403, %parallel_loop3A_404], %parallel_loop3A_400 {strides = array<i32>} : memref<2x81x128xf32, #tpu.memory_space<vmem>>, vector<16xf32>,
        %parallel_loop3A_406 = arith.constant 1 : i32
        %parallel_loop3A_407 = arith.index_cast %parallel_loop3A_406 : i32 to index
        %parallel_loop3A_408 = arith.index_cast %parallel_loop3A_388 : i32 to index
        %parallel_loop3A_409 = arith.constant 16 : index
        %parallel_loop3A_410 = tpu.vector_load %arg6[%parallel_loop3A_407, %parallel_loop3A_408, %parallel_loop3A_409] {strides = array<i32>} : memref<2x81x128xi32, #tpu.memory_space<vmem>>, vector<16xi32>,
        %parallel_loop3A_411 = arith.constant 7 : i32
        %parallel_loop3A_412 = vector.broadcast %parallel_loop3A_411 : i32 to vector<16xi32>
        %parallel_loop3A_413 = arith.shrui %parallel_loop3A_410, %parallel_loop3A_412 : vector<16xi32>
        %parallel_loop3A_414 = arith.constant 127 : i32
        %parallel_loop3A_415 = vector.broadcast %parallel_loop3A_414 : i32 to vector<16xi32>
        %parallel_loop3A_416 = arith.andi %parallel_loop3A_410, %parallel_loop3A_415 : vector<16xi32>
        %parallel_loop3A_417 = tpu.vector_load_idx %arg5[%parallel_loop3A_413, %parallel_loop3A_416] : memref<640x128xf32, #tpu.memory_space<vmem>>[vector<16xi32>, vector<16xi32>], vector<16xf32>,
        %parallel_loop3A_418 = arith.constant 1 : i32
        %parallel_loop3A_419 = arith.index_cast %parallel_loop3A_418 : i32 to index
        %parallel_loop3A_420 = arith.index_cast %parallel_loop3A_388 : i32 to index
        %parallel_loop3A_421 = arith.constant 16 : index
        %parallel_loop3A_422 = tpu.vector_load %arg7[%parallel_loop3A_419, %parallel_loop3A_420, %parallel_loop3A_421] {strides = array<i32>} : memref<2x81x128xf32, #tpu.memory_space<vmem>>, vector<16xf32>,
        tpu.vector_store %arg7[%parallel_loop3A_419, %parallel_loop3A_420, %parallel_loop3A_421], %parallel_loop3A_417 {strides = array<i32>} : memref<2x81x128xf32, #tpu.memory_space<vmem>>, vector<16xf32>,
        %parallel_loop3A_423 = arith.constant 1 : i32
        %parallel_loop3A_424 = arith.index_cast %parallel_loop3A_423 : i32 to index
        %parallel_loop3A_425 = arith.index_cast %parallel_loop3A_388 : i32 to index
        %parallel_loop3A_426 = arith.constant 32 : index
        %parallel_loop3A_427 = tpu.vector_load %arg6[%parallel_loop3A_424, %parallel_loop3A_425, %parallel_loop3A_426] {strides = array<i32>} : memref<2x81x128xi32, #tpu.memory_space<vmem>>, vector<16xi32>,
        %parallel_loop3A_428 = arith.constant 7 : i32
        %parallel_loop3A_429 = vector.broadcast %parallel_loop3A_428 : i32 to vector<16xi32>
        %parallel_loop3A_430 = arith.shrui %parallel_loop3A_427, %parallel_loop3A_429 : vector<16xi32>
        %parallel_loop3A_431 = arith.constant 127 : i32
        %parallel_loop3A_432 = vector.broadcast %parallel_loop3A_431 : i32 to vector<16xi32>
        %parallel_loop3A_433 = arith.andi %parallel_loop3A_427, %parallel_loop3A_432 : vector<16xi32>
        %parallel_loop3A_434 = tpu.vector_load_idx %arg5[%parallel_loop3A_430, %parallel_loop3A_433] : memref<640x128xf32, #tpu.memory_space<vmem>>[vector<16xi32>, vector<16xi32>], vector<16xf32>,
        %parallel_loop3A_435 = arith.constant 1 : i32
        %parallel_loop3A_436 = arith.index_cast %parallel_loop3A_435 : i32 to index
        %parallel_loop3A_437 = arith.index_cast %parallel_loop3A_388 : i32 to index
        %parallel_loop3A_438 = arith.constant 32 : index
        %parallel_loop3A_439 = tpu.vector_load %arg7[%parallel_loop3A_436, %parallel_loop3A_437, %parallel_loop3A_438] {strides = array<i32>} : memref<2x81x128xf32, #tpu.memory_space<vmem>>, vector<16xf32>,
        tpu.vector_store %arg7[%parallel_loop3A_436, %parallel_loop3A_437, %parallel_loop3A_438], %parallel_loop3A_434 {strides = array<i32>} : memref<2x81x128xf32, #tpu.memory_space<vmem>>, vector<16xf32>,
        %parallel_loop3A_440 = arith.constant 1 : i32
        %parallel_loop3A_441 = arith.index_cast %parallel_loop3A_440 : i32 to index
        %parallel_loop3A_442 = arith.index_cast %parallel_loop3A_388 : i32 to index
        %parallel_loop3A_443 = arith.constant 48 : index
        %parallel_loop3A_444 = tpu.vector_load %arg6[%parallel_loop3A_441, %parallel_loop3A_442, %parallel_loop3A_443] {strides = array<i32>} : memref<2x81x128xi32, #tpu.memory_space<vmem>>, vector<16xi32>,
        %parallel_loop3A_445 = arith.constant 7 : i32
        %parallel_loop3A_446 = vector.broadcast %parallel_loop3A_445 : i32 to vector<16xi32>
        %parallel_loop3A_447 = arith.shrui %parallel_loop3A_444, %parallel_loop3A_446 : vector<16xi32>
        %parallel_loop3A_448 = arith.constant 127 : i32
        %parallel_loop3A_449 = vector.broadcast %parallel_loop3A_448 : i32 to vector<16xi32>
        %parallel_loop3A_450 = arith.andi %parallel_loop3A_444, %parallel_loop3A_449 : vector<16xi32>
        %parallel_loop3A_451 = tpu.vector_load_idx %arg5[%parallel_loop3A_447, %parallel_loop3A_450] : memref<640x128xf32, #tpu.memory_space<vmem>>[vector<16xi32>, vector<16xi32>], vector<16xf32>,
        %parallel_loop3A_452 = arith.constant 1 : i32
        %parallel_loop3A_453 = arith.index_cast %parallel_loop3A_452 : i32 to index
        %parallel_loop3A_454 = arith.index_cast %parallel_loop3A_388 : i32 to index
        %parallel_loop3A_455 = arith.constant 48 : index
        %parallel_loop3A_456 = tpu.vector_load %arg7[%parallel_loop3A_453, %parallel_loop3A_454, %parallel_loop3A_455] {strides = array<i32>} : memref<2x81x128xf32, #tpu.memory_space<vmem>>, vector<16xf32>,
        tpu.vector_store %arg7[%parallel_loop3A_453, %parallel_loop3A_454, %parallel_loop3A_455], %parallel_loop3A_451 {strides = array<i32>} : memref<2x81x128xf32, #tpu.memory_space<vmem>>, vector<16xf32>,
        %parallel_loop3A_457 = arith.constant 1 : i32
        %parallel_loop3A_458 = arith.index_cast %parallel_loop3A_457 : i32 to index
        %parallel_loop3A_459 = arith.index_cast %parallel_loop3A_388 : i32 to index
        %parallel_loop3A_460 = arith.constant 64 : index
        %parallel_loop3A_461 = tpu.vector_load %arg6[%parallel_loop3A_458, %parallel_loop3A_459, %parallel_loop3A_460] {strides = array<i32>} : memref<2x81x128xi32, #tpu.memory_space<vmem>>, vector<16xi32>,
        %parallel_loop3A_462 = arith.constant 7 : i32
        %parallel_loop3A_463 = vector.broadcast %parallel_loop3A_462 : i32 to vector<16xi32>
        %parallel_loop3A_464 = arith.shrui %parallel_loop3A_461, %parallel_loop3A_463 : vector<16xi32>
        %parallel_loop3A_465 = arith.constant 127 : i32
        %parallel_loop3A_466 = vector.broadcast %parallel_loop3A_465 : i32 to vector<16xi32>
        %parallel_loop3A_467 = arith.andi %parallel_loop3A_461, %parallel_loop3A_466 : vector<16xi32>
        %parallel_loop3A_468 = tpu.vector_load_idx %arg5[%parallel_loop3A_464, %parallel_loop3A_467] : memref<640x128xf32, #tpu.memory_space<vmem>>[vector<16xi32>, vector<16xi32>], vector<16xf32>,
        %parallel_loop3A_469 = arith.constant 1 : i32
        %parallel_loop3A_470 = arith.index_cast %parallel_loop3A_469 : i32 to index
        %parallel_loop3A_471 = arith.index_cast %parallel_loop3A_388 : i32 to index
        %parallel_loop3A_472 = arith.constant 64 : index
        %parallel_loop3A_473 = tpu.vector_load %arg7[%parallel_loop3A_470, %parallel_loop3A_471, %parallel_loop3A_472] {strides = array<i32>} : memref<2x81x128xf32, #tpu.memory_space<vmem>>, vector<16xf32>,
        tpu.vector_store %arg7[%parallel_loop3A_470, %parallel_loop3A_471, %parallel_loop3A_472], %parallel_loop3A_468 {strides = array<i32>} : memref<2x81x128xf32, #tpu.memory_space<vmem>>, vector<16xf32>,
        %parallel_loop3A_474 = arith.constant 1 : i32
        %parallel_loop3A_475 = arith.index_cast %parallel_loop3A_474 : i32 to index
        %parallel_loop3A_476 = arith.index_cast %parallel_loop3A_388 : i32 to index
        %parallel_loop3A_477 = arith.constant 80 : index
        %parallel_loop3A_478 = tpu.vector_load %arg6[%parallel_loop3A_475, %parallel_loop3A_476, %parallel_loop3A_477] {strides = array<i32>} : memref<2x81x128xi32, #tpu.memory_space<vmem>>, vector<16xi32>,
        %parallel_loop3A_479 = arith.constant 7 : i32
        %parallel_loop3A_480 = vector.broadcast %parallel_loop3A_479 : i32 to vector<16xi32>
        %parallel_loop3A_481 = arith.shrui %parallel_loop3A_478, %parallel_loop3A_480 : vector<16xi32>
        %parallel_loop3A_482 = arith.constant 127 : i32
        %parallel_loop3A_483 = vector.broadcast %parallel_loop3A_482 : i32 to vector<16xi32>
        %parallel_loop3A_484 = arith.andi %parallel_loop3A_478, %parallel_loop3A_483 : vector<16xi32>
        %parallel_loop3A_485 = tpu.vector_load_idx %arg5[%parallel_loop3A_481, %parallel_loop3A_484] : memref<640x128xf32, #tpu.memory_space<vmem>>[vector<16xi32>, vector<16xi32>], vector<16xf32>,
        %parallel_loop3A_486 = arith.constant 1 : i32
        %parallel_loop3A_487 = arith.index_cast %parallel_loop3A_486 : i32 to index
        %parallel_loop3A_488 = arith.index_cast %parallel_loop3A_388 : i32 to index
        %parallel_loop3A_489 = arith.constant 80 : index
        %parallel_loop3A_490 = tpu.vector_load %arg7[%parallel_loop3A_487, %parallel_loop3A_488, %parallel_loop3A_489] {strides = array<i32>} : memref<2x81x128xf32, #tpu.memory_space<vmem>>, vector<16xf32>,
        tpu.vector_store %arg7[%parallel_loop3A_487, %parallel_loop3A_488, %parallel_loop3A_489], %parallel_loop3A_485 {strides = array<i32>} : memref<2x81x128xf32, #tpu.memory_space<vmem>>, vector<16xf32>,
        %parallel_loop3A_491 = arith.constant 1 : i32
        %parallel_loop3A_492 = arith.index_cast %parallel_loop3A_491 : i32 to index
        %parallel_loop3A_493 = arith.index_cast %parallel_loop3A_388 : i32 to index
        %parallel_loop3A_494 = arith.constant 96 : index
        %parallel_loop3A_495 = tpu.vector_load %arg6[%parallel_loop3A_492, %parallel_loop3A_493, %parallel_loop3A_494] {strides = array<i32>} : memref<2x81x128xi32, #tpu.memory_space<vmem>>, vector<16xi32>,
        %parallel_loop3A_496 = arith.constant 7 : i32
        %parallel_loop3A_497 = vector.broadcast %parallel_loop3A_496 : i32 to vector<16xi32>
        %parallel_loop3A_498 = arith.shrui %parallel_loop3A_495, %parallel_loop3A_497 : vector<16xi32>
        %parallel_loop3A_499 = arith.constant 127 : i32
        %parallel_loop3A_500 = vector.broadcast %parallel_loop3A_499 : i32 to vector<16xi32>
        %parallel_loop3A_501 = arith.andi %parallel_loop3A_495, %parallel_loop3A_500 : vector<16xi32>
        %parallel_loop3A_502 = tpu.vector_load_idx %arg5[%parallel_loop3A_498, %parallel_loop3A_501] : memref<640x128xf32, #tpu.memory_space<vmem>>[vector<16xi32>, vector<16xi32>], vector<16xf32>,
        %parallel_loop3A_503 = arith.constant 1 : i32
        %parallel_loop3A_504 = arith.index_cast %parallel_loop3A_503 : i32 to index
        %parallel_loop3A_505 = arith.index_cast %parallel_loop3A_388 : i32 to index
        %parallel_loop3A_506 = arith.constant 96 : index
        %parallel_loop3A_507 = tpu.vector_load %arg7[%parallel_loop3A_504, %parallel_loop3A_505, %parallel_loop3A_506] {strides = array<i32>} : memref<2x81x128xf32, #tpu.memory_space<vmem>>, vector<16xf32>,
        tpu.vector_store %arg7[%parallel_loop3A_504, %parallel_loop3A_505, %parallel_loop3A_506], %parallel_loop3A_502 {strides = array<i32>} : memref<2x81x128xf32, #tpu.memory_space<vmem>>, vector<16xf32>,
        %parallel_loop3A_508 = arith.constant 1 : i32
        %parallel_loop3A_509 = arith.index_cast %parallel_loop3A_508 : i32 to index
        %parallel_loop3A_510 = arith.index_cast %parallel_loop3A_388 : i32 to index
        %parallel_loop3A_511 = arith.constant 112 : index
        %parallel_loop3A_512 = tpu.vector_load %arg6[%parallel_loop3A_509, %parallel_loop3A_510, %parallel_loop3A_511] {strides = array<i32>} : memref<2x81x128xi32, #tpu.memory_space<vmem>>, vector<16xi32>,
        %parallel_loop3A_513 = arith.constant 7 : i32
        %parallel_loop3A_514 = vector.broadcast %parallel_loop3A_513 : i32 to vector<16xi32>
        %parallel_loop3A_515 = arith.shrui %parallel_loop3A_512, %parallel_loop3A_514 : vector<16xi32>
        %parallel_loop3A_516 = arith.constant 127 : i32
        %parallel_loop3A_517 = vector.broadcast %parallel_loop3A_516 : i32 to vector<16xi32>
        %parallel_loop3A_518 = arith.andi %parallel_loop3A_512, %parallel_loop3A_517 : vector<16xi32>
        %parallel_loop3A_519 = tpu.vector_load_idx %arg5[%parallel_loop3A_515, %parallel_loop3A_518] : memref<640x128xf32, #tpu.memory_space<vmem>>[vector<16xi32>, vector<16xi32>], vector<16xf32>,
        %parallel_loop3A_520 = arith.constant 1 : i32
        %parallel_loop3A_521 = arith.index_cast %parallel_loop3A_520 : i32 to index
        %parallel_loop3A_522 = arith.index_cast %parallel_loop3A_388 : i32 to index
        %parallel_loop3A_523 = arith.constant 112 : index
        %parallel_loop3A_524 = tpu.vector_load %arg7[%parallel_loop3A_521, %parallel_loop3A_522, %parallel_loop3A_523] {strides = array<i32>} : memref<2x81x128xf32, #tpu.memory_space<vmem>>, vector<16xf32>,
        tpu.vector_store %arg7[%parallel_loop3A_521, %parallel_loop3A_522, %parallel_loop3A_523], %parallel_loop3A_519 {strides = array<i32>} : memref<2x81x128xf32, #tpu.memory_space<vmem>>, vector<16xf32>,
      } {sc.loop_unroll_factor = 4 : i64, sc.parallel_access}
      %dma_start3A_226 = arith.constant 1 : i32
      %dma_start3A_227 = arith.constant 0 : i32
      %dma_start3A_228 = arith.constant 0 : i32
      %dma_start3A_229 = tpu.memref_slice %arg7[%dma_start3A_226, %dma_start3A_227, %dma_start3A_228] : memref<2x81x128xf32, #tpu.memory_space<vmem>> -> memref<1x80x128xf32, #tpu.memory_space<vmem>>
      %dma_start3A_230 = tpu.memref_squeeze %dma_start3A_229 : memref<1x80x128xf32, #tpu.memory_space<vmem>> -> memref<80x128xf32, #tpu.memory_space<vmem>>
      %dma_start3A_231 = arith.constant 80 : i32
      %dma_start3A_232 = arith.constant 0 : i32
      %dma_start3A_233 = tpu.memref_slice %arg4[%select_n3A, %add3A_122, %dma_start3A_231, %select_n3A_111, %dma_start3A_232] : memref<4x24x321x8x128xf32, #tpu.memory_space<hbm>> -> memref<1x1x80x1x128xf32, #tpu.memory_space<hbm>>
      %dma_start3A_234 = tpu.memref_squeeze %dma_start3A_233 : memref<1x1x80x1x128xf32, #tpu.memory_space<hbm>> -> memref<80x128xf32, #tpu.memory_space<hbm>>
      %dma_start3A_235 = arith.constant 80 : i32
      %dma_start3A_236 = arith.constant 0 : i32
      %dma_start3A_237 = tpu.memref_slice %arg4[%select_n3A, %add3A_122, %dma_start3A_235, %select_n3A_111, %dma_start3A_236] : memref<4x24x321x8x128xf32, #tpu.memory_space<hbm>> -> memref<1x1x80x1x128xf32, #tpu.memory_space<hbm>>
      %dma_start3A_238 = tpu.memref_squeeze %dma_start3A_237 : memref<1x1x80x1x128xf32, #tpu.memory_space<hbm>> -> memref<80x128xf32, #tpu.memory_space<hbm>>
      %dma_start3A_239 = arith.constant 0 : i32
      %dma_start3A_240 = arith.constant 0 : i32
      %dma_start3A_241 = tpu.memref_slice %arg7[%dma_start3A_226, %dma_start3A_239, %dma_start3A_240] : memref<2x81x128xf32, #tpu.memory_space<vmem>> -> memref<1x80x128xf32, #tpu.memory_space<vmem>>
      %dma_start3A_242 = tpu.memref_squeeze %dma_start3A_241 : memref<1x80x128xf32, #tpu.memory_space<vmem>> -> memref<80x128xf32, #tpu.memory_space<vmem>>
      tpu.enqueue_dma source(%dma_start3A_242 : memref<80x128xf32, #tpu.memory_space<vmem>>) target(%dma_start3A_238 : memref<80x128xf32, #tpu.memory_space<hbm>>) target_semaphore(%arg11 : memref<!tpu.dma_semaphore, #tpu.memory_space<semaphore_mem>>)
      %dma_start3A_243 = arith.constant 1 : i32
      %dma_start3A_244 = arith.constant 0 : i32
      %dma_start3A_245 = arith.constant 0 : i32
      %dma_start3A_246 = tpu.memref_slice %arg6[%dma_start3A_243, %dma_start3A_244, %dma_start3A_245] : memref<2x81x128xi32, #tpu.memory_space<vmem>> -> memref<1x81x128xi32, #tpu.memory_space<vmem>>
      %dma_start3A_247 = tpu.memref_squeeze %dma_start3A_246 : memref<1x81x128xi32, #tpu.memory_space<vmem>> -> memref<81x128xi32, #tpu.memory_space<vmem>>
      %dma_start3A_248 = arith.constant 240 : i32
      %dma_start3A_249 = arith.constant 0 : i32
      %dma_start3A_250 = tpu.memref_slice %arg3[%rem3A_113, %dma_start3A_248, %dma_start3A_249] : memref<3x321x128xi32, #tpu.memory_space<hbm>> -> memref<1x81x128xi32, #tpu.memory_space<hbm>>
      %dma_start3A_251 = tpu.memref_squeeze %dma_start3A_250 : memref<1x81x128xi32, #tpu.memory_space<hbm>> -> memref<81x128xi32, #tpu.memory_space<hbm>>
      %dma_start3A_252 = arith.constant 0 : i32
      %dma_start3A_253 = arith.constant 0 : i32
      %dma_start3A_254 = tpu.memref_slice %arg6[%dma_start3A_243, %dma_start3A_252, %dma_start3A_253] : memref<2x81x128xi32, #tpu.memory_space<vmem>> -> memref<1x81x128xi32, #tpu.memory_space<vmem>>
      %dma_start3A_255 = tpu.memref_squeeze %dma_start3A_254 : memref<1x81x128xi32, #tpu.memory_space<vmem>> -> memref<81x128xi32, #tpu.memory_space<vmem>>
      %dma_start3A_256 = arith.constant 240 : i32
      %dma_start3A_257 = arith.constant 0 : i32
      %dma_start3A_258 = tpu.memref_slice %arg3[%rem3A_113, %dma_start3A_256, %dma_start3A_257] : memref<3x321x128xi32, #tpu.memory_space<hbm>> -> memref<1x81x128xi32, #tpu.memory_space<hbm>>
      %dma_start3A_259 = tpu.memref_squeeze %dma_start3A_258 : memref<1x81x128xi32, #tpu.memory_space<hbm>> -> memref<81x128xi32, #tpu.memory_space<hbm>>
      tpu.enqueue_dma source(%dma_start3A_259 : memref<81x128xi32, #tpu.memory_space<hbm>>) target(%dma_start3A_255 : memref<81x128xi32, #tpu.memory_space<vmem>>) target_semaphore(%arg9 : memref<!tpu.dma_semaphore, #tpu.memory_space<semaphore_mem>>)
      %dma_wait3A_260 = arith.constant 0 : i32
      %dma_wait3A_261 = arith.constant 0 : i32
      %dma_wait3A_262 = arith.constant 0 : i32
      %dma_wait3A_263 = arith.constant 0 : i32
      %dma_wait3A_264 = tpu.memref_slice %arg6[%dma_wait3A_261, %dma_wait3A_262, %dma_wait3A_263] : memref<2x81x128xi32, #tpu.memory_space<vmem>> -> memref<1x80x128xi32, #tpu.memory_space<vmem>>
      %dma_wait3A_265 = tpu.memref_squeeze %dma_wait3A_264 : memref<1x80x128xi32, #tpu.memory_space<vmem>> -> memref<80x128xi32, #tpu.memory_space<vmem>>
      %dma_wait3A_266 = arith.constant 0 : i32
      %dma_wait3A_267 = arith.constant 0 : i32
      %dma_wait3A_268 = tpu.memref_slice %arg3[%dma_wait3A_260, %dma_wait3A_266, %dma_wait3A_267] : memref<3x321x128xi32, #tpu.memory_space<hbm>> -> memref<1x80x128xi32, #tpu.memory_space<hbm>>
      %dma_wait3A_269 = tpu.memref_squeeze %dma_wait3A_268 : memref<1x80x128xi32, #tpu.memory_space<hbm>> -> memref<80x128xi32, #tpu.memory_space<hbm>>
      %dma_wait3A_270 = arith.constant 0 : i32
      %dma_wait3A_271 = arith.constant 0 : i32
      %dma_wait3A_272 = tpu.memref_slice %arg6[%dma_wait3A_261, %dma_wait3A_270, %dma_wait3A_271] : memref<2x81x128xi32, #tpu.memory_space<vmem>> -> memref<1x80x128xi32, #tpu.memory_space<vmem>>
      %dma_wait3A_273 = tpu.memref_squeeze %dma_wait3A_272 : memref<1x80x128xi32, #tpu.memory_space<vmem>> -> memref<80x128xi32, #tpu.memory_space<vmem>>
      %dma_wait3A_274 = arith.constant 0 : i32
      %dma_wait3A_275 = arith.constant 0 : i32
      %dma_wait3A_276 = tpu.memref_slice %arg3[%dma_wait3A_260, %dma_wait3A_274, %dma_wait3A_275] : memref<3x321x128xi32, #tpu.memory_space<hbm>> -> memref<1x80x128xi32, #tpu.memory_space<hbm>>
      %dma_wait3A_277 = tpu.memref_squeeze %dma_wait3A_276 : memref<1x80x128xi32, #tpu.memory_space<hbm>> -> memref<80x128xi32, #tpu.memory_space<hbm>>
      tpu.wait_dma2 semaphore(%arg8 : memref<!tpu.dma_semaphore, #tpu.memory_space<semaphore_mem>>) src(%dma_wait3A_277 : memref<80x128xi32, #tpu.memory_space<hbm>>) dst(%dma_wait3A_273 : memref<80x128xi32, #tpu.memory_space<vmem>>)
      %dma_wait3A_278 = arith.constant 0 : i32
      %dma_wait3A_279 = arith.constant 0 : i32
      %dma_wait3A_280 = arith.constant 0 : i32
      %dma_wait3A_281 = arith.constant 0 : i32
      %dma_wait3A_282 = arith.constant 0 : i32
      %dma_wait3A_283 = arith.constant 0 : i32
      %dma_wait3A_284 = tpu.memref_slice %arg7[%dma_wait3A_278, %dma_wait3A_282, %dma_wait3A_283] : memref<2x81x128xf32, #tpu.memory_space<vmem>> -> memref<1x80x128xf32, #tpu.memory_space<vmem>>
      %dma_wait3A_285 = tpu.memref_squeeze %dma_wait3A_284 : memref<1x80x128xf32, #tpu.memory_space<vmem>> -> memref<80x128xf32, #tpu.memory_space<vmem>>
      %dma_wait3A_286 = arith.constant 0 : i32
      %dma_wait3A_287 = arith.constant 0 : i32
      %dma_wait3A_288 = tpu.memref_slice %arg4[%dma_wait3A_279, %dma_wait3A_280, %dma_wait3A_286, %dma_wait3A_281, %dma_wait3A_287] : memref<4x24x321x8x128xf32, #tpu.memory_space<hbm>> -> memref<1x1x80x1x128xf32, #tpu.memory_space<hbm>>
      %dma_wait3A_289 = tpu.memref_squeeze %dma_wait3A_288 : memref<1x1x80x1x128xf32, #tpu.memory_space<hbm>> -> memref<80x128xf32, #tpu.memory_space<hbm>>
      %dma_wait3A_290 = arith.constant 0 : i32
      %dma_wait3A_291 = arith.constant 0 : i32
      %dma_wait3A_292 = tpu.memref_slice %arg4[%dma_wait3A_279, %dma_wait3A_280, %dma_wait3A_290, %dma_wait3A_281, %dma_wait3A_291] : memref<4x24x321x8x128xf32, #tpu.memory_space<hbm>> -> memref<1x1x80x1x128xf32, #tpu.memory_space<hbm>>
      %dma_wait3A_293 = tpu.memref_squeeze %dma_wait3A_292 : memref<1x1x80x1x128xf32, #tpu.memory_space<hbm>> -> memref<80x128xf32, #tpu.memory_space<hbm>>
      %dma_wait3A_294 = arith.constant 0 : i32
      %dma_wait3A_295 = arith.constant 0 : i32
      %dma_wait3A_296 = tpu.memref_slice %arg7[%dma_wait3A_278, %dma_wait3A_294, %dma_wait3A_295] : memref<2x81x128xf32, #tpu.memory_space<vmem>> -> memref<1x80x128xf32, #tpu.memory_space<vmem>>
      %dma_wait3A_297 = tpu.memref_squeeze %dma_wait3A_296 : memref<1x80x128xf32, #tpu.memory_space<vmem>> -> memref<80x128xf32, #tpu.memory_space<vmem>>
      tpu.wait_dma2 semaphore(%arg10 : memref<!tpu.dma_semaphore, #tpu.memory_space<semaphore_mem>>) src(%dma_wait3A_297 : memref<80x128xf32, #tpu.memory_space<vmem>>) dst(%dma_wait3A_293 : memref<80x128xf32, #tpu.memory_space<hbm>>)
      %parallel_loop3A_298 = arith.constant 0 : i32
      %parallel_loop3A_299 = arith.constant 80 : i32
      %parallel_loop3A_300 = arith.constant 1 : i32
      scf.for %parallel_loop3A_388 = %parallel_loop3A_298 to %parallel_loop3A_299 step %parallel_loop3A_300  : i32 {
        %parallel_loop3A_389 = arith.constant 0 : i32
        %parallel_loop3A_390 = arith.index_cast %parallel_loop3A_389 : i32 to index
        %parallel_loop3A_391 = arith.index_cast %parallel_loop3A_388 : i32 to index
        %parallel_loop3A_392 = arith.constant 0 : index
        %parallel_loop3A_393 = tpu.vector_load %arg6[%parallel_loop3A_390, %parallel_loop3A_391, %parallel_loop3A_392] {strides = array<i32>} : memref<2x81x128xi32, #tpu.memory_space<vmem>>, vector<16xi32>,
        %parallel_loop3A_394 = arith.constant 7 : i32
        %parallel_loop3A_395 = vector.broadcast %parallel_loop3A_394 : i32 to vector<16xi32>
        %parallel_loop3A_396 = arith.shrui %parallel_loop3A_393, %parallel_loop3A_395 : vector<16xi32>
        %parallel_loop3A_397 = arith.constant 127 : i32
        %parallel_loop3A_398 = vector.broadcast %parallel_loop3A_397 : i32 to vector<16xi32>
        %parallel_loop3A_399 = arith.andi %parallel_loop3A_393, %parallel_loop3A_398 : vector<16xi32>
        %parallel_loop3A_400 = tpu.vector_load_idx %arg5[%parallel_loop3A_396, %parallel_loop3A_399] : memref<640x128xf32, #tpu.memory_space<vmem>>[vector<16xi32>, vector<16xi32>], vector<16xf32>,
        %parallel_loop3A_401 = arith.constant 0 : i32
        %parallel_loop3A_402 = arith.index_cast %parallel_loop3A_401 : i32 to index
        %parallel_loop3A_403 = arith.index_cast %parallel_loop3A_388 : i32 to index
        %parallel_loop3A_404 = arith.constant 0 : index
        %parallel_loop3A_405 = tpu.vector_load %arg7[%parallel_loop3A_402, %parallel_loop3A_403, %parallel_loop3A_404] {strides = array<i32>} : memref<2x81x128xf32, #tpu.memory_space<vmem>>, vector<16xf32>,
        tpu.vector_store %arg7[%parallel_loop3A_402, %parallel_loop3A_403, %parallel_loop3A_404], %parallel_loop3A_400 {strides = array<i32>} : memref<2x81x128xf32, #tpu.memory_space<vmem>>, vector<16xf32>,
        %parallel_loop3A_406 = arith.constant 0 : i32
        %parallel_loop3A_407 = arith.index_cast %parallel_loop3A_406 : i32 to index
        %parallel_loop3A_408 = arith.index_cast %parallel_loop3A_388 : i32 to index
        %parallel_loop3A_409 = arith.constant 16 : index
        %parallel_loop3A_410 = tpu.vector_load %arg6[%parallel_loop3A_407, %parallel_loop3A_408, %parallel_loop3A_409] {strides = array<i32>} : memref<2x81x128xi32, #tpu.memory_space<vmem>>, vector<16xi32>,
        %parallel_loop3A_411 = arith.constant 7 : i32
        %parallel_loop3A_412 = vector.broadcast %parallel_loop3A_411 : i32 to vector<16xi32>
        %parallel_loop3A_413 = arith.shrui %parallel_loop3A_410, %parallel_loop3A_412 : vector<16xi32>
        %parallel_loop3A_414 = arith.constant 127 : i32
        %parallel_loop3A_415 = vector.broadcast %parallel_loop3A_414 : i32 to vector<16xi32>
        %parallel_loop3A_416 = arith.andi %parallel_loop3A_410, %parallel_loop3A_415 : vector<16xi32>
        %parallel_loop3A_417 = tpu.vector_load_idx %arg5[%parallel_loop3A_413, %parallel_loop3A_416] : memref<640x128xf32, #tpu.memory_space<vmem>>[vector<16xi32>, vector<16xi32>], vector<16xf32>,
        %parallel_loop3A_418 = arith.constant 0 : i32
        %parallel_loop3A_419 = arith.index_cast %parallel_loop3A_418 : i32 to index
        %parallel_loop3A_420 = arith.index_cast %parallel_loop3A_388 : i32 to index
        %parallel_loop3A_421 = arith.constant 16 : index
        %parallel_loop3A_422 = tpu.vector_load %arg7[%parallel_loop3A_419, %parallel_loop3A_420, %parallel_loop3A_421] {strides = array<i32>} : memref<2x81x128xf32, #tpu.memory_space<vmem>>, vector<16xf32>,
        tpu.vector_store %arg7[%parallel_loop3A_419, %parallel_loop3A_420, %parallel_loop3A_421], %parallel_loop3A_417 {strides = array<i32>} : memref<2x81x128xf32, #tpu.memory_space<vmem>>, vector<16xf32>,
        %parallel_loop3A_423 = arith.constant 0 : i32
        %parallel_loop3A_424 = arith.index_cast %parallel_loop3A_423 : i32 to index
        %parallel_loop3A_425 = arith.index_cast %parallel_loop3A_388 : i32 to index
        %parallel_loop3A_426 = arith.constant 32 : index
        %parallel_loop3A_427 = tpu.vector_load %arg6[%parallel_loop3A_424, %parallel_loop3A_425, %parallel_loop3A_426] {strides = array<i32>} : memref<2x81x128xi32, #tpu.memory_space<vmem>>, vector<16xi32>,
        %parallel_loop3A_428 = arith.constant 7 : i32
        %parallel_loop3A_429 = vector.broadcast %parallel_loop3A_428 : i32 to vector<16xi32>
        %parallel_loop3A_430 = arith.shrui %parallel_loop3A_427, %parallel_loop3A_429 : vector<16xi32>
        %parallel_loop3A_431 = arith.constant 127 : i32
        %parallel_loop3A_432 = vector.broadcast %parallel_loop3A_431 : i32 to vector<16xi32>
        %parallel_loop3A_433 = arith.andi %parallel_loop3A_427, %parallel_loop3A_432 : vector<16xi32>
        %parallel_loop3A_434 = tpu.vector_load_idx %arg5[%parallel_loop3A_430, %parallel_loop3A_433] : memref<640x128xf32, #tpu.memory_space<vmem>>[vector<16xi32>, vector<16xi32>], vector<16xf32>,
        %parallel_loop3A_435 = arith.constant 0 : i32
        %parallel_loop3A_436 = arith.index_cast %parallel_loop3A_435 : i32 to index
        %parallel_loop3A_437 = arith.index_cast %parallel_loop3A_388 : i32 to index
        %parallel_loop3A_438 = arith.constant 32 : index
        %parallel_loop3A_439 = tpu.vector_load %arg7[%parallel_loop3A_436, %parallel_loop3A_437, %parallel_loop3A_438] {strides = array<i32>} : memref<2x81x128xf32, #tpu.memory_space<vmem>>, vector<16xf32>,
        tpu.vector_store %arg7[%parallel_loop3A_436, %parallel_loop3A_437, %parallel_loop3A_438], %parallel_loop3A_434 {strides = array<i32>} : memref<2x81x128xf32, #tpu.memory_space<vmem>>, vector<16xf32>,
        %parallel_loop3A_440 = arith.constant 0 : i32
        %parallel_loop3A_441 = arith.index_cast %parallel_loop3A_440 : i32 to index
        %parallel_loop3A_442 = arith.index_cast %parallel_loop3A_388 : i32 to index
        %parallel_loop3A_443 = arith.constant 48 : index
        %parallel_loop3A_444 = tpu.vector_load %arg6[%parallel_loop3A_441, %parallel_loop3A_442, %parallel_loop3A_443] {strides = array<i32>} : memref<2x81x128xi32, #tpu.memory_space<vmem>>, vector<16xi32>,
        %parallel_loop3A_445 = arith.constant 7 : i32
        %parallel_loop3A_446 = vector.broadcast %parallel_loop3A_445 : i32 to vector<16xi32>
        %parallel_loop3A_447 = arith.shrui %parallel_loop3A_444, %parallel_loop3A_446 : vector<16xi32>
        %parallel_loop3A_448 = arith.constant 127 : i32
        %parallel_loop3A_449 = vector.broadcast %parallel_loop3A_448 : i32 to vector<16xi32>
        %parallel_loop3A_450 = arith.andi %parallel_loop3A_444, %parallel_loop3A_449 : vector<16xi32>
        %parallel_loop3A_451 = tpu.vector_load_idx %arg5[%parallel_loop3A_447, %parallel_loop3A_450] : memref<640x128xf32, #tpu.memory_space<vmem>>[vector<16xi32>, vector<16xi32>], vector<16xf32>,
        %parallel_loop3A_452 = arith.constant 0 : i32
        %parallel_loop3A_453 = arith.index_cast %parallel_loop3A_452 : i32 to index
        %parallel_loop3A_454 = arith.index_cast %parallel_loop3A_388 : i32 to index
        %parallel_loop3A_455 = arith.constant 48 : index
        %parallel_loop3A_456 = tpu.vector_load %arg7[%parallel_loop3A_453, %parallel_loop3A_454, %parallel_loop3A_455] {strides = array<i32>} : memref<2x81x128xf32, #tpu.memory_space<vmem>>, vector<16xf32>,
        tpu.vector_store %arg7[%parallel_loop3A_453, %parallel_loop3A_454, %parallel_loop3A_455], %parallel_loop3A_451 {strides = array<i32>} : memref<2x81x128xf32, #tpu.memory_space<vmem>>, vector<16xf32>,
        %parallel_loop3A_457 = arith.constant 0 : i32
        %parallel_loop3A_458 = arith.index_cast %parallel_loop3A_457 : i32 to index
        %parallel_loop3A_459 = arith.index_cast %parallel_loop3A_388 : i32 to index
        %parallel_loop3A_460 = arith.constant 64 : index
        %parallel_loop3A_461 = tpu.vector_load %arg6[%parallel_loop3A_458, %parallel_loop3A_459, %parallel_loop3A_460] {strides = array<i32>} : memref<2x81x128xi32, #tpu.memory_space<vmem>>, vector<16xi32>,
        %parallel_loop3A_462 = arith.constant 7 : i32
        %parallel_loop3A_463 = vector.broadcast %parallel_loop3A_462 : i32 to vector<16xi32>
        %parallel_loop3A_464 = arith.shrui %parallel_loop3A_461, %parallel_loop3A_463 : vector<16xi32>
        %parallel_loop3A_465 = arith.constant 127 : i32
        %parallel_loop3A_466 = vector.broadcast %parallel_loop3A_465 : i32 to vector<16xi32>
        %parallel_loop3A_467 = arith.andi %parallel_loop3A_461, %parallel_loop3A_466 : vector<16xi32>
        %parallel_loop3A_468 = tpu.vector_load_idx %arg5[%parallel_loop3A_464, %parallel_loop3A_467] : memref<640x128xf32, #tpu.memory_space<vmem>>[vector<16xi32>, vector<16xi32>], vector<16xf32>,
        %parallel_loop3A_469 = arith.constant 0 : i32
        %parallel_loop3A_470 = arith.index_cast %parallel_loop3A_469 : i32 to index
        %parallel_loop3A_471 = arith.index_cast %parallel_loop3A_388 : i32 to index
        %parallel_loop3A_472 = arith.constant 64 : index
        %parallel_loop3A_473 = tpu.vector_load %arg7[%parallel_loop3A_470, %parallel_loop3A_471, %parallel_loop3A_472] {strides = array<i32>} : memref<2x81x128xf32, #tpu.memory_space<vmem>>, vector<16xf32>,
        tpu.vector_store %arg7[%parallel_loop3A_470, %parallel_loop3A_471, %parallel_loop3A_472], %parallel_loop3A_468 {strides = array<i32>} : memref<2x81x128xf32, #tpu.memory_space<vmem>>, vector<16xf32>,
        %parallel_loop3A_474 = arith.constant 0 : i32
        %parallel_loop3A_475 = arith.index_cast %parallel_loop3A_474 : i32 to index
        %parallel_loop3A_476 = arith.index_cast %parallel_loop3A_388 : i32 to index
        %parallel_loop3A_477 = arith.constant 80 : index
        %parallel_loop3A_478 = tpu.vector_load %arg6[%parallel_loop3A_475, %parallel_loop3A_476, %parallel_loop3A_477] {strides = array<i32>} : memref<2x81x128xi32, #tpu.memory_space<vmem>>, vector<16xi32>,
        %parallel_loop3A_479 = arith.constant 7 : i32
        %parallel_loop3A_480 = vector.broadcast %parallel_loop3A_479 : i32 to vector<16xi32>
        %parallel_loop3A_481 = arith.shrui %parallel_loop3A_478, %parallel_loop3A_480 : vector<16xi32>
        %parallel_loop3A_482 = arith.constant 127 : i32
        %parallel_loop3A_483 = vector.broadcast %parallel_loop3A_482 : i32 to vector<16xi32>
        %parallel_loop3A_484 = arith.andi %parallel_loop3A_478, %parallel_loop3A_483 : vector<16xi32>
        %parallel_loop3A_485 = tpu.vector_load_idx %arg5[%parallel_loop3A_481, %parallel_loop3A_484] : memref<640x128xf32, #tpu.memory_space<vmem>>[vector<16xi32>, vector<16xi32>], vector<16xf32>,
        %parallel_loop3A_486 = arith.constant 0 : i32
        %parallel_loop3A_487 = arith.index_cast %parallel_loop3A_486 : i32 to index
        %parallel_loop3A_488 = arith.index_cast %parallel_loop3A_388 : i32 to index
        %parallel_loop3A_489 = arith.constant 80 : index
        %parallel_loop3A_490 = tpu.vector_load %arg7[%parallel_loop3A_487, %parallel_loop3A_488, %parallel_loop3A_489] {strides = array<i32>} : memref<2x81x128xf32, #tpu.memory_space<vmem>>, vector<16xf32>,
        tpu.vector_store %arg7[%parallel_loop3A_487, %parallel_loop3A_488, %parallel_loop3A_489], %parallel_loop3A_485 {strides = array<i32>} : memref<2x81x128xf32, #tpu.memory_space<vmem>>, vector<16xf32>,
        %parallel_loop3A_491 = arith.constant 0 : i32
        %parallel_loop3A_492 = arith.index_cast %parallel_loop3A_491 : i32 to index
        %parallel_loop3A_493 = arith.index_cast %parallel_loop3A_388 : i32 to index
        %parallel_loop3A_494 = arith.constant 96 : index
        %parallel_loop3A_495 = tpu.vector_load %arg6[%parallel_loop3A_492, %parallel_loop3A_493, %parallel_loop3A_494] {strides = array<i32>} : memref<2x81x128xi32, #tpu.memory_space<vmem>>, vector<16xi32>,
        %parallel_loop3A_496 = arith.constant 7 : i32
        %parallel_loop3A_497 = vector.broadcast %parallel_loop3A_496 : i32 to vector<16xi32>
        %parallel_loop3A_498 = arith.shrui %parallel_loop3A_495, %parallel_loop3A_497 : vector<16xi32>
        %parallel_loop3A_499 = arith.constant 127 : i32
        %parallel_loop3A_500 = vector.broadcast %parallel_loop3A_499 : i32 to vector<16xi32>
        %parallel_loop3A_501 = arith.andi %parallel_loop3A_495, %parallel_loop3A_500 : vector<16xi32>
        %parallel_loop3A_502 = tpu.vector_load_idx %arg5[%parallel_loop3A_498, %parallel_loop3A_501] : memref<640x128xf32, #tpu.memory_space<vmem>>[vector<16xi32>, vector<16xi32>], vector<16xf32>,
        %parallel_loop3A_503 = arith.constant 0 : i32
        %parallel_loop3A_504 = arith.index_cast %parallel_loop3A_503 : i32 to index
        %parallel_loop3A_505 = arith.index_cast %parallel_loop3A_388 : i32 to index
        %parallel_loop3A_506 = arith.constant 96 : index
        %parallel_loop3A_507 = tpu.vector_load %arg7[%parallel_loop3A_504, %parallel_loop3A_505, %parallel_loop3A_506] {strides = array<i32>} : memref<2x81x128xf32, #tpu.memory_space<vmem>>, vector<16xf32>,
        tpu.vector_store %arg7[%parallel_loop3A_504, %parallel_loop3A_505, %parallel_loop3A_506], %parallel_loop3A_502 {strides = array<i32>} : memref<2x81x128xf32, #tpu.memory_space<vmem>>, vector<16xf32>,
        %parallel_loop3A_508 = arith.constant 0 : i32
        %parallel_loop3A_509 = arith.index_cast %parallel_loop3A_508 : i32 to index
        %parallel_loop3A_510 = arith.index_cast %parallel_loop3A_388 : i32 to index
        %parallel_loop3A_511 = arith.constant 112 : index
        %parallel_loop3A_512 = tpu.vector_load %arg6[%parallel_loop3A_509, %parallel_loop3A_510, %parallel_loop3A_511] {strides = array<i32>} : memref<2x81x128xi32, #tpu.memory_space<vmem>>, vector<16xi32>,
        %parallel_loop3A_513 = arith.constant 7 : i32
        %parallel_loop3A_514 = vector.broadcast %parallel_loop3A_513 : i32 to vector<16xi32>
        %parallel_loop3A_515 = arith.shrui %parallel_loop3A_512, %parallel_loop3A_514 : vector<16xi32>
        %parallel_loop3A_516 = arith.constant 127 : i32
        %parallel_loop3A_517 = vector.broadcast %parallel_loop3A_516 : i32 to vector<16xi32>
        %parallel_loop3A_518 = arith.andi %parallel_loop3A_512, %parallel_loop3A_517 : vector<16xi32>
        %parallel_loop3A_519 = tpu.vector_load_idx %arg5[%parallel_loop3A_515, %parallel_loop3A_518] : memref<640x128xf32, #tpu.memory_space<vmem>>[vector<16xi32>, vector<16xi32>], vector<16xf32>,
        %parallel_loop3A_520 = arith.constant 0 : i32
        %parallel_loop3A_521 = arith.index_cast %parallel_loop3A_520 : i32 to index
        %parallel_loop3A_522 = arith.index_cast %parallel_loop3A_388 : i32 to index
        %parallel_loop3A_523 = arith.constant 112 : index
        %parallel_loop3A_524 = tpu.vector_load %arg7[%parallel_loop3A_521, %parallel_loop3A_522, %parallel_loop3A_523] {strides = array<i32>} : memref<2x81x128xf32, #tpu.memory_space<vmem>>, vector<16xf32>,
        tpu.vector_store %arg7[%parallel_loop3A_521, %parallel_loop3A_522, %parallel_loop3A_523], %parallel_loop3A_519 {strides = array<i32>} : memref<2x81x128xf32, #tpu.memory_space<vmem>>, vector<16xf32>,
      } {sc.loop_unroll_factor = 4 : i64, sc.parallel_access}
      %dma_start3A_301 = arith.constant 0 : i32
      %dma_start3A_302 = arith.constant 0 : i32
      %dma_start3A_303 = arith.constant 0 : i32
      %dma_start3A_304 = tpu.memref_slice %arg7[%dma_start3A_301, %dma_start3A_302, %dma_start3A_303] : memref<2x81x128xf32, #tpu.memory_space<vmem>> -> memref<1x80x128xf32, #tpu.memory_space<vmem>>
      %dma_start3A_305 = tpu.memref_squeeze %dma_start3A_304 : memref<1x80x128xf32, #tpu.memory_space<vmem>> -> memref<80x128xf32, #tpu.memory_space<vmem>>
      %dma_start3A_306 = arith.constant 160 : i32
      %dma_start3A_307 = arith.constant 0 : i32
      %dma_start3A_308 = tpu.memref_slice %arg4[%select_n3A, %add3A_122, %dma_start3A_306, %select_n3A_111, %dma_start3A_307] : memref<4x24x321x8x128xf32, #tpu.memory_space<hbm>> -> memref<1x1x80x1x128xf32, #tpu.memory_space<hbm>>
      %dma_start3A_309 = tpu.memref_squeeze %dma_start3A_308 : memref<1x1x80x1x128xf32, #tpu.memory_space<hbm>> -> memref<80x128xf32, #tpu.memory_space<hbm>>
      %dma_start3A_310 = arith.constant 160 : i32
      %dma_start3A_311 = arith.constant 0 : i32
      %dma_start3A_312 = tpu.memref_slice %arg4[%select_n3A, %add3A_122, %dma_start3A_310, %select_n3A_111, %dma_start3A_311] : memref<4x24x321x8x128xf32, #tpu.memory_space<hbm>> -> memref<1x1x80x1x128xf32, #tpu.memory_space<hbm>>
      %dma_start3A_313 = tpu.memref_squeeze %dma_start3A_312 : memref<1x1x80x1x128xf32, #tpu.memory_space<hbm>> -> memref<80x128xf32, #tpu.memory_space<hbm>>
      %dma_start3A_314 = arith.constant 0 : i32
      %dma_start3A_315 = arith.constant 0 : i32
      %dma_start3A_316 = tpu.memref_slice %arg7[%dma_start3A_301, %dma_start3A_314, %dma_start3A_315] : memref<2x81x128xf32, #tpu.memory_space<vmem>> -> memref<1x80x128xf32, #tpu.memory_space<vmem>>
      %dma_start3A_317 = tpu.memref_squeeze %dma_start3A_316 : memref<1x80x128xf32, #tpu.memory_space<vmem>> -> memref<80x128xf32, #tpu.memory_space<vmem>>
      tpu.enqueue_dma source(%dma_start3A_317 : memref<80x128xf32, #tpu.memory_space<vmem>>) target(%dma_start3A_313 : memref<80x128xf32, #tpu.memory_space<hbm>>) target_semaphore(%arg10 : memref<!tpu.dma_semaphore, #tpu.memory_space<semaphore_mem>>)
      %lt3A = arith.constant 23 : i32
      %lt3A_318 = arith.cmpi slt, %scan3A_87, %lt3A : i32
      %convert_element_type3A_319 = arith.extui %lt3A_318 : i1 to i32
      %cond3A_320 = arith.constant 0 : i32
      %cond3A_321 = arith.cmpi ne, %convert_element_type3A_319, %cond3A_320 : i32
      scf.if %cond3A_321 {
        %dma_start3A_388 = arith.constant 0 : i32
        %dma_start3A_389 = arith.constant 0 : i32
        %dma_start3A_390 = arith.constant 0 : i32
        %dma_start3A_391 = tpu.memref_slice %arg6[%dma_start3A_388, %dma_start3A_389, %dma_start3A_390] : memref<2x81x128xi32, #tpu.memory_space<vmem>> -> memref<1x80x128xi32, #tpu.memory_space<vmem>>
        %dma_start3A_392 = tpu.memref_squeeze %dma_start3A_391 : memref<1x80x128xi32, #tpu.memory_space<vmem>> -> memref<80x128xi32, #tpu.memory_space<vmem>>
        %dma_start3A_393 = arith.constant 0 : i32
        %dma_start3A_394 = arith.constant 0 : i32
        %dma_start3A_395 = tpu.memref_slice %arg3[%rem3A_117, %dma_start3A_393, %dma_start3A_394] : memref<3x321x128xi32, #tpu.memory_space<hbm>> -> memref<1x80x128xi32, #tpu.memory_space<hbm>>
        %dma_start3A_396 = tpu.memref_squeeze %dma_start3A_395 : memref<1x80x128xi32, #tpu.memory_space<hbm>> -> memref<80x128xi32, #tpu.memory_space<hbm>>
        %dma_start3A_397 = arith.constant 0 : i32
        %dma_start3A_398 = arith.constant 0 : i32
        %dma_start3A_399 = tpu.memref_slice %arg6[%dma_start3A_388, %dma_start3A_397, %dma_start3A_398] : memref<2x81x128xi32, #tpu.memory_space<vmem>> -> memref<1x80x128xi32, #tpu.memory_space<vmem>>
        %dma_start3A_400 = tpu.memref_squeeze %dma_start3A_399 : memref<1x80x128xi32, #tpu.memory_space<vmem>> -> memref<80x128xi32, #tpu.memory_space<vmem>>
        %dma_start3A_401 = arith.constant 0 : i32
        %dma_start3A_402 = arith.constant 0 : i32
        %dma_start3A_403 = tpu.memref_slice %arg3[%rem3A_117, %dma_start3A_401, %dma_start3A_402] : memref<3x321x128xi32, #tpu.memory_space<hbm>> -> memref<1x80x128xi32, #tpu.memory_space<hbm>>
        %dma_start3A_404 = tpu.memref_squeeze %dma_start3A_403 : memref<1x80x128xi32, #tpu.memory_space<hbm>> -> memref<80x128xi32, #tpu.memory_space<hbm>>
        tpu.enqueue_dma source(%dma_start3A_404 : memref<80x128xi32, #tpu.memory_space<hbm>>) target(%dma_start3A_400 : memref<80x128xi32, #tpu.memory_space<vmem>>) target_semaphore(%arg8 : memref<!tpu.dma_semaphore, #tpu.memory_space<semaphore_mem>>)
      } else {
      }
      %dma_wait3A_322 = arith.constant 0 : i32
      %dma_wait3A_323 = arith.constant 1 : i32
      %dma_wait3A_324 = arith.constant 0 : i32
      %dma_wait3A_325 = arith.constant 0 : i32
      %dma_wait3A_326 = tpu.memref_slice %arg6[%dma_wait3A_323, %dma_wait3A_324, %dma_wait3A_325] : memref<2x81x128xi32, #tpu.memory_space<vmem>> -> memref<1x81x128xi32, #tpu.memory_space<vmem>>
      %dma_wait3A_327 = tpu.memref_squeeze %dma_wait3A_326 : memref<1x81x128xi32, #tpu.memory_space<vmem>> -> memref<81x128xi32, #tpu.memory_space<vmem>>
      %dma_wait3A_328 = arith.constant 0 : i32
      %dma_wait3A_329 = arith.constant 0 : i32
      %dma_wait3A_330 = tpu.memref_slice %arg3[%dma_wait3A_322, %dma_wait3A_328, %dma_wait3A_329] : memref<3x321x128xi32, #tpu.memory_space<hbm>> -> memref<1x81x128xi32, #tpu.memory_space<hbm>>
      %dma_wait3A_331 = tpu.memref_squeeze %dma_wait3A_330 : memref<1x81x128xi32, #tpu.memory_space<hbm>> -> memref<81x128xi32, #tpu.memory_space<hbm>>
      %dma_wait3A_332 = arith.constant 0 : i32
      %dma_wait3A_333 = arith.constant 0 : i32
      %dma_wait3A_334 = tpu.memref_slice %arg6[%dma_wait3A_323, %dma_wait3A_332, %dma_wait3A_333] : memref<2x81x128xi32, #tpu.memory_space<vmem>> -> memref<1x81x128xi32, #tpu.memory_space<vmem>>
      %dma_wait3A_335 = tpu.memref_squeeze %dma_wait3A_334 : memref<1x81x128xi32, #tpu.memory_space<vmem>> -> memref<81x128xi32, #tpu.memory_space<vmem>>
      %dma_wait3A_336 = arith.constant 0 : i32
      %dma_wait3A_337 = arith.constant 0 : i32
      %dma_wait3A_338 = tpu.memref_slice %arg3[%dma_wait3A_322, %dma_wait3A_336, %dma_wait3A_337] : memref<3x321x128xi32, #tpu.memory_space<hbm>> -> memref<1x81x128xi32, #tpu.memory_space<hbm>>
      %dma_wait3A_339 = tpu.memref_squeeze %dma_wait3A_338 : memref<1x81x128xi32, #tpu.memory_space<hbm>> -> memref<81x128xi32, #tpu.memory_space<hbm>>
      tpu.wait_dma2 semaphore(%arg9 : memref<!tpu.dma_semaphore, #tpu.memory_space<semaphore_mem>>) src(%dma_wait3A_339 : memref<81x128xi32, #tpu.memory_space<hbm>>) dst(%dma_wait3A_335 : memref<81x128xi32, #tpu.memory_space<vmem>>)
      %dma_wait3A_340 = arith.constant 1 : i32
      %dma_wait3A_341 = arith.constant 0 : i32
      %dma_wait3A_342 = arith.constant 0 : i32
      %dma_wait3A_343 = arith.constant 0 : i32
      %dma_wait3A_344 = arith.constant 0 : i32
      %dma_wait3A_345 = arith.constant 0 : i32
      %dma_wait3A_346 = tpu.memref_slice %arg7[%dma_wait3A_340, %dma_wait3A_344, %dma_wait3A_345] : memref<2x81x128xf32, #tpu.memory_space<vmem>> -> memref<1x80x128xf32, #tpu.memory_space<vmem>>
      %dma_wait3A_347 = tpu.memref_squeeze %dma_wait3A_346 : memref<1x80x128xf32, #tpu.memory_space<vmem>> -> memref<80x128xf32, #tpu.memory_space<vmem>>
      %dma_wait3A_348 = arith.constant 0 : i32
      %dma_wait3A_349 = arith.constant 0 : i32
      %dma_wait3A_350 = tpu.memref_slice %arg4[%dma_wait3A_341, %dma_wait3A_342, %dma_wait3A_348, %dma_wait3A_343, %dma_wait3A_349] : memref<4x24x321x8x128xf32, #tpu.memory_space<hbm>> -> memref<1x1x80x1x128xf32, #tpu.memory_space<hbm>>
      %dma_wait3A_351 = tpu.memref_squeeze %dma_wait3A_350 : memref<1x1x80x1x128xf32, #tpu.memory_space<hbm>> -> memref<80x128xf32, #tpu.memory_space<hbm>>
      %dma_wait3A_352 = arith.constant 0 : i32
      %dma_wait3A_353 = arith.constant 0 : i32
      %dma_wait3A_354 = tpu.memref_slice %arg4[%dma_wait3A_341, %dma_wait3A_342, %dma_wait3A_352, %dma_wait3A_343, %dma_wait3A_353] : memref<4x24x321x8x128xf32, #tpu.memory_space<hbm>> -> memref<1x1x80x1x128xf32, #tpu.memory_space<hbm>>
      %dma_wait3A_355 = tpu.memref_squeeze %dma_wait3A_354 : memref<1x1x80x1x128xf32, #tpu.memory_space<hbm>> -> memref<80x128xf32, #tpu.memory_space<hbm>>
      %dma_wait3A_356 = arith.constant 0 : i32
      %dma_wait3A_357 = arith.constant 0 : i32
      %dma_wait3A_358 = tpu.memref_slice %arg7[%dma_wait3A_340, %dma_wait3A_356, %dma_wait3A_357] : memref<2x81x128xf32, #tpu.memory_space<vmem>> -> memref<1x80x128xf32, #tpu.memory_space<vmem>>
      %dma_wait3A_359 = tpu.memref_squeeze %dma_wait3A_358 : memref<1x80x128xf32, #tpu.memory_space<vmem>> -> memref<80x128xf32, #tpu.memory_space<vmem>>
      tpu.wait_dma2 semaphore(%arg11 : memref<!tpu.dma_semaphore, #tpu.memory_space<semaphore_mem>>) src(%dma_wait3A_359 : memref<80x128xf32, #tpu.memory_space<vmem>>) dst(%dma_wait3A_355 : memref<80x128xf32, #tpu.memory_space<hbm>>)
      %parallel_loop3A_360 = arith.constant 0 : i32
      %parallel_loop3A_361 = arith.constant 81 : i32
      %parallel_loop3A_362 = arith.constant 1 : i32
      scf.for %parallel_loop3A_388 = %parallel_loop3A_360 to %parallel_loop3A_361 step %parallel_loop3A_362  : i32 {
        %parallel_loop3A_389 = arith.constant 1 : i32
        %parallel_loop3A_390 = arith.index_cast %parallel_loop3A_389 : i32 to index
        %parallel_loop3A_391 = arith.index_cast %parallel_loop3A_388 : i32 to index
        %parallel_loop3A_392 = arith.constant 0 : index
        %parallel_loop3A_393 = tpu.vector_load %arg6[%parallel_loop3A_390, %parallel_loop3A_391, %parallel_loop3A_392] {strides = array<i32>} : memref<2x81x128xi32, #tpu.memory_space<vmem>>, vector<16xi32>,
        %parallel_loop3A_394 = arith.constant 7 : i32
        %parallel_loop3A_395 = vector.broadcast %parallel_loop3A_394 : i32 to vector<16xi32>
        %parallel_loop3A_396 = arith.shrui %parallel_loop3A_393, %parallel_loop3A_395 : vector<16xi32>
        %parallel_loop3A_397 = arith.constant 127 : i32
        %parallel_loop3A_398 = vector.broadcast %parallel_loop3A_397 : i32 to vector<16xi32>
        %parallel_loop3A_399 = arith.andi %parallel_loop3A_393, %parallel_loop3A_398 : vector<16xi32>
        %parallel_loop3A_400 = tpu.vector_load_idx %arg5[%parallel_loop3A_396, %parallel_loop3A_399] : memref<640x128xf32, #tpu.memory_space<vmem>>[vector<16xi32>, vector<16xi32>], vector<16xf32>,
        %parallel_loop3A_401 = arith.constant 1 : i32
        %parallel_loop3A_402 = arith.index_cast %parallel_loop3A_401 : i32 to index
        %parallel_loop3A_403 = arith.index_cast %parallel_loop3A_388 : i32 to index
        %parallel_loop3A_404 = arith.constant 0 : index
        %parallel_loop3A_405 = tpu.vector_load %arg7[%parallel_loop3A_402, %parallel_loop3A_403, %parallel_loop3A_404] {strides = array<i32>} : memref<2x81x128xf32, #tpu.memory_space<vmem>>, vector<16xf32>,
        tpu.vector_store %arg7[%parallel_loop3A_402, %parallel_loop3A_403, %parallel_loop3A_404], %parallel_loop3A_400 {strides = array<i32>} : memref<2x81x128xf32, #tpu.memory_space<vmem>>, vector<16xf32>,
        %parallel_loop3A_406 = arith.constant 1 : i32
        %parallel_loop3A_407 = arith.index_cast %parallel_loop3A_406 : i32 to index
        %parallel_loop3A_408 = arith.index_cast %parallel_loop3A_388 : i32 to index
        %parallel_loop3A_409 = arith.constant 16 : index
        %parallel_loop3A_410 = tpu.vector_load %arg6[%parallel_loop3A_407, %parallel_loop3A_408, %parallel_loop3A_409] {strides = array<i32>} : memref<2x81x128xi32, #tpu.memory_space<vmem>>, vector<16xi32>,
        %parallel_loop3A_411 = arith.constant 7 : i32
        %parallel_loop3A_412 = vector.broadcast %parallel_loop3A_411 : i32 to vector<16xi32>
        %parallel_loop3A_413 = arith.shrui %parallel_loop3A_410, %parallel_loop3A_412 : vector<16xi32>
        %parallel_loop3A_414 = arith.constant 127 : i32
        %parallel_loop3A_415 = vector.broadcast %parallel_loop3A_414 : i32 to vector<16xi32>
        %parallel_loop3A_416 = arith.andi %parallel_loop3A_410, %parallel_loop3A_415 : vector<16xi32>
        %parallel_loop3A_417 = tpu.vector_load_idx %arg5[%parallel_loop3A_413, %parallel_loop3A_416] : memref<640x128xf32, #tpu.memory_space<vmem>>[vector<16xi32>, vector<16xi32>], vector<16xf32>,
        %parallel_loop3A_418 = arith.constant 1 : i32
        %parallel_loop3A_419 = arith.index_cast %parallel_loop3A_418 : i32 to index
        %parallel_loop3A_420 = arith.index_cast %parallel_loop3A_388 : i32 to index
        %parallel_loop3A_421 = arith.constant 16 : index
        %parallel_loop3A_422 = tpu.vector_load %arg7[%parallel_loop3A_419, %parallel_loop3A_420, %parallel_loop3A_421] {strides = array<i32>} : memref<2x81x128xf32, #tpu.memory_space<vmem>>, vector<16xf32>,
        tpu.vector_store %arg7[%parallel_loop3A_419, %parallel_loop3A_420, %parallel_loop3A_421], %parallel_loop3A_417 {strides = array<i32>} : memref<2x81x128xf32, #tpu.memory_space<vmem>>, vector<16xf32>,
        %parallel_loop3A_423 = arith.constant 1 : i32
        %parallel_loop3A_424 = arith.index_cast %parallel_loop3A_423 : i32 to index
        %parallel_loop3A_425 = arith.index_cast %parallel_loop3A_388 : i32 to index
        %parallel_loop3A_426 = arith.constant 32 : index
        %parallel_loop3A_427 = tpu.vector_load %arg6[%parallel_loop3A_424, %parallel_loop3A_425, %parallel_loop3A_426] {strides = array<i32>} : memref<2x81x128xi32, #tpu.memory_space<vmem>>, vector<16xi32>,
        %parallel_loop3A_428 = arith.constant 7 : i32
        %parallel_loop3A_429 = vector.broadcast %parallel_loop3A_428 : i32 to vector<16xi32>
        %parallel_loop3A_430 = arith.shrui %parallel_loop3A_427, %parallel_loop3A_429 : vector<16xi32>
        %parallel_loop3A_431 = arith.constant 127 : i32
        %parallel_loop3A_432 = vector.broadcast %parallel_loop3A_431 : i32 to vector<16xi32>
        %parallel_loop3A_433 = arith.andi %parallel_loop3A_427, %parallel_loop3A_432 : vector<16xi32>
        %parallel_loop3A_434 = tpu.vector_load_idx %arg5[%parallel_loop3A_430, %parallel_loop3A_433] : memref<640x128xf32, #tpu.memory_space<vmem>>[vector<16xi32>, vector<16xi32>], vector<16xf32>,
        %parallel_loop3A_435 = arith.constant 1 : i32
        %parallel_loop3A_436 = arith.index_cast %parallel_loop3A_435 : i32 to index
        %parallel_loop3A_437 = arith.index_cast %parallel_loop3A_388 : i32 to index
        %parallel_loop3A_438 = arith.constant 32 : index
        %parallel_loop3A_439 = tpu.vector_load %arg7[%parallel_loop3A_436, %parallel_loop3A_437, %parallel_loop3A_438] {strides = array<i32>} : memref<2x81x128xf32, #tpu.memory_space<vmem>>, vector<16xf32>,
        tpu.vector_store %arg7[%parallel_loop3A_436, %parallel_loop3A_437, %parallel_loop3A_438], %parallel_loop3A_434 {strides = array<i32>} : memref<2x81x128xf32, #tpu.memory_space<vmem>>, vector<16xf32>,
        %parallel_loop3A_440 = arith.constant 1 : i32
        %parallel_loop3A_441 = arith.index_cast %parallel_loop3A_440 : i32 to index
        %parallel_loop3A_442 = arith.index_cast %parallel_loop3A_388 : i32 to index
        %parallel_loop3A_443 = arith.constant 48 : index
        %parallel_loop3A_444 = tpu.vector_load %arg6[%parallel_loop3A_441, %parallel_loop3A_442, %parallel_loop3A_443] {strides = array<i32>} : memref<2x81x128xi32, #tpu.memory_space<vmem>>, vector<16xi32>,
        %parallel_loop3A_445 = arith.constant 7 : i32
        %parallel_loop3A_446 = vector.broadcast %parallel_loop3A_445 : i32 to vector<16xi32>
        %parallel_loop3A_447 = arith.shrui %parallel_loop3A_444, %parallel_loop3A_446 : vector<16xi32>
        %parallel_loop3A_448 = arith.constant 127 : i32
        %parallel_loop3A_449 = vector.broadcast %parallel_loop3A_448 : i32 to vector<16xi32>
        %parallel_loop3A_450 = arith.andi %parallel_loop3A_444, %parallel_loop3A_449 : vector<16xi32>
        %parallel_loop3A_451 = tpu.vector_load_idx %arg5[%parallel_loop3A_447, %parallel_loop3A_450] : memref<640x128xf32, #tpu.memory_space<vmem>>[vector<16xi32>, vector<16xi32>], vector<16xf32>,
        %parallel_loop3A_452 = arith.constant 1 : i32
        %parallel_loop3A_453 = arith.index_cast %parallel_loop3A_452 : i32 to index
        %parallel_loop3A_454 = arith.index_cast %parallel_loop3A_388 : i32 to index
        %parallel_loop3A_455 = arith.constant 48 : index
        %parallel_loop3A_456 = tpu.vector_load %arg7[%parallel_loop3A_453, %parallel_loop3A_454, %parallel_loop3A_455] {strides = array<i32>} : memref<2x81x128xf32, #tpu.memory_space<vmem>>, vector<16xf32>,
        tpu.vector_store %arg7[%parallel_loop3A_453, %parallel_loop3A_454, %parallel_loop3A_455], %parallel_loop3A_451 {strides = array<i32>} : memref<2x81x128xf32, #tpu.memory_space<vmem>>, vector<16xf32>,
        %parallel_loop3A_457 = arith.constant 1 : i32
        %parallel_loop3A_458 = arith.index_cast %parallel_loop3A_457 : i32 to index
        %parallel_loop3A_459 = arith.index_cast %parallel_loop3A_388 : i32 to index
        %parallel_loop3A_460 = arith.constant 64 : index
        %parallel_loop3A_461 = tpu.vector_load %arg6[%parallel_loop3A_458, %parallel_loop3A_459, %parallel_loop3A_460] {strides = array<i32>} : memref<2x81x128xi32, #tpu.memory_space<vmem>>, vector<16xi32>,
        %parallel_loop3A_462 = arith.constant 7 : i32
        %parallel_loop3A_463 = vector.broadcast %parallel_loop3A_462 : i32 to vector<16xi32>
        %parallel_loop3A_464 = arith.shrui %parallel_loop3A_461, %parallel_loop3A_463 : vector<16xi32>
        %parallel_loop3A_465 = arith.constant 127 : i32
        %parallel_loop3A_466 = vector.broadcast %parallel_loop3A_465 : i32 to vector<16xi32>
        %parallel_loop3A_467 = arith.andi %parallel_loop3A_461, %parallel_loop3A_466 : vector<16xi32>
        %parallel_loop3A_468 = tpu.vector_load_idx %arg5[%parallel_loop3A_464, %parallel_loop3A_467] : memref<640x128xf32, #tpu.memory_space<vmem>>[vector<16xi32>, vector<16xi32>], vector<16xf32>,
        %parallel_loop3A_469 = arith.constant 1 : i32
        %parallel_loop3A_470 = arith.index_cast %parallel_loop3A_469 : i32 to index
        %parallel_loop3A_471 = arith.index_cast %parallel_loop3A_388 : i32 to index
        %parallel_loop3A_472 = arith.constant 64 : index
        %parallel_loop3A_473 = tpu.vector_load %arg7[%parallel_loop3A_470, %parallel_loop3A_471, %parallel_loop3A_472] {strides = array<i32>} : memref<2x81x128xf32, #tpu.memory_space<vmem>>, vector<16xf32>,
        tpu.vector_store %arg7[%parallel_loop3A_470, %parallel_loop3A_471, %parallel_loop3A_472], %parallel_loop3A_468 {strides = array<i32>} : memref<2x81x128xf32, #tpu.memory_space<vmem>>, vector<16xf32>,
        %parallel_loop3A_474 = arith.constant 1 : i32
        %parallel_loop3A_475 = arith.index_cast %parallel_loop3A_474 : i32 to index
        %parallel_loop3A_476 = arith.index_cast %parallel_loop3A_388 : i32 to index
        %parallel_loop3A_477 = arith.constant 80 : index
        %parallel_loop3A_478 = tpu.vector_load %arg6[%parallel_loop3A_475, %parallel_loop3A_476, %parallel_loop3A_477] {strides = array<i32>} : memref<2x81x128xi32, #tpu.memory_space<vmem>>, vector<16xi32>,
        %parallel_loop3A_479 = arith.constant 7 : i32
        %parallel_loop3A_480 = vector.broadcast %parallel_loop3A_479 : i32 to vector<16xi32>
        %parallel_loop3A_481 = arith.shrui %parallel_loop3A_478, %parallel_loop3A_480 : vector<16xi32>
        %parallel_loop3A_482 = arith.constant 127 : i32
        %parallel_loop3A_483 = vector.broadcast %parallel_loop3A_482 : i32 to vector<16xi32>
        %parallel_loop3A_484 = arith.andi %parallel_loop3A_478, %parallel_loop3A_483 : vector<16xi32>
        %parallel_loop3A_485 = tpu.vector_load_idx %arg5[%parallel_loop3A_481, %parallel_loop3A_484] : memref<640x128xf32, #tpu.memory_space<vmem>>[vector<16xi32>, vector<16xi32>], vector<16xf32>,
        %parallel_loop3A_486 = arith.constant 1 : i32
        %parallel_loop3A_487 = arith.index_cast %parallel_loop3A_486 : i32 to index
        %parallel_loop3A_488 = arith.index_cast %parallel_loop3A_388 : i32 to index
        %parallel_loop3A_489 = arith.constant 80 : index
        %parallel_loop3A_490 = tpu.vector_load %arg7[%parallel_loop3A_487, %parallel_loop3A_488, %parallel_loop3A_489] {strides = array<i32>} : memref<2x81x128xf32, #tpu.memory_space<vmem>>, vector<16xf32>,
        tpu.vector_store %arg7[%parallel_loop3A_487, %parallel_loop3A_488, %parallel_loop3A_489], %parallel_loop3A_485 {strides = array<i32>} : memref<2x81x128xf32, #tpu.memory_space<vmem>>, vector<16xf32>,
        %parallel_loop3A_491 = arith.constant 1 : i32
        %parallel_loop3A_492 = arith.index_cast %parallel_loop3A_491 : i32 to index
        %parallel_loop3A_493 = arith.index_cast %parallel_loop3A_388 : i32 to index
        %parallel_loop3A_494 = arith.constant 96 : index
        %parallel_loop3A_495 = tpu.vector_load %arg6[%parallel_loop3A_492, %parallel_loop3A_493, %parallel_loop3A_494] {strides = array<i32>} : memref<2x81x128xi32, #tpu.memory_space<vmem>>, vector<16xi32>,
        %parallel_loop3A_496 = arith.constant 7 : i32
        %parallel_loop3A_497 = vector.broadcast %parallel_loop3A_496 : i32 to vector<16xi32>
        %parallel_loop3A_498 = arith.shrui %parallel_loop3A_495, %parallel_loop3A_497 : vector<16xi32>
        %parallel_loop3A_499 = arith.constant 127 : i32
        %parallel_loop3A_500 = vector.broadcast %parallel_loop3A_499 : i32 to vector<16xi32>
        %parallel_loop3A_501 = arith.andi %parallel_loop3A_495, %parallel_loop3A_500 : vector<16xi32>
        %parallel_loop3A_502 = tpu.vector_load_idx %arg5[%parallel_loop3A_498, %parallel_loop3A_501] : memref<640x128xf32, #tpu.memory_space<vmem>>[vector<16xi32>, vector<16xi32>], vector<16xf32>,
        %parallel_loop3A_503 = arith.constant 1 : i32
        %parallel_loop3A_504 = arith.index_cast %parallel_loop3A_503 : i32 to index
        %parallel_loop3A_505 = arith.index_cast %parallel_loop3A_388 : i32 to index
        %parallel_loop3A_506 = arith.constant 96 : index
        %parallel_loop3A_507 = tpu.vector_load %arg7[%parallel_loop3A_504, %parallel_loop3A_505, %parallel_loop3A_506] {strides = array<i32>} : memref<2x81x128xf32, #tpu.memory_space<vmem>>, vector<16xf32>,
        tpu.vector_store %arg7[%parallel_loop3A_504, %parallel_loop3A_505, %parallel_loop3A_506], %parallel_loop3A_502 {strides = array<i32>} : memref<2x81x128xf32, #tpu.memory_space<vmem>>, vector<16xf32>,
        %parallel_loop3A_508 = arith.constant 1 : i32
        %parallel_loop3A_509 = arith.index_cast %parallel_loop3A_508 : i32 to index
        %parallel_loop3A_510 = arith.index_cast %parallel_loop3A_388 : i32 to index
        %parallel_loop3A_511 = arith.constant 112 : index
        %parallel_loop3A_512 = tpu.vector_load %arg6[%parallel_loop3A_509, %parallel_loop3A_510, %parallel_loop3A_511] {strides = array<i32>} : memref<2x81x128xi32, #tpu.memory_space<vmem>>, vector<16xi32>,
        %parallel_loop3A_513 = arith.constant 7 : i32
        %parallel_loop3A_514 = vector.broadcast %parallel_loop3A_513 : i32 to vector<16xi32>
        %parallel_loop3A_515 = arith.shrui %parallel_loop3A_512, %parallel_loop3A_514 : vector<16xi32>
        %parallel_loop3A_516 = arith.constant 127 : i32
        %parallel_loop3A_517 = vector.broadcast %parallel_loop3A_516 : i32 to vector<16xi32>
        %parallel_loop3A_518 = arith.andi %parallel_loop3A_512, %parallel_loop3A_517 : vector<16xi32>
        %parallel_loop3A_519 = tpu.vector_load_idx %arg5[%parallel_loop3A_515, %parallel_loop3A_518] : memref<640x128xf32, #tpu.memory_space<vmem>>[vector<16xi32>, vector<16xi32>], vector<16xf32>,
        %parallel_loop3A_520 = arith.constant 1 : i32
        %parallel_loop3A_521 = arith.index_cast %parallel_loop3A_520 : i32 to index
        %parallel_loop3A_522 = arith.index_cast %parallel_loop3A_388 : i32 to index
        %parallel_loop3A_523 = arith.constant 112 : index
        %parallel_loop3A_524 = tpu.vector_load %arg7[%parallel_loop3A_521, %parallel_loop3A_522, %parallel_loop3A_523] {strides = array<i32>} : memref<2x81x128xf32, #tpu.memory_space<vmem>>, vector<16xf32>,
        tpu.vector_store %arg7[%parallel_loop3A_521, %parallel_loop3A_522, %parallel_loop3A_523], %parallel_loop3A_519 {strides = array<i32>} : memref<2x81x128xf32, #tpu.memory_space<vmem>>, vector<16xf32>,
      } {sc.loop_unroll_factor = 4 : i64, sc.parallel_access}
      %dma_start3A_363 = arith.constant 1 : i32
      %dma_start3A_364 = arith.constant 0 : i32
      %dma_start3A_365 = arith.constant 0 : i32
      %dma_start3A_366 = tpu.memref_slice %arg7[%dma_start3A_363, %dma_start3A_364, %dma_start3A_365] : memref<2x81x128xf32, #tpu.memory_space<vmem>> -> memref<1x81x128xf32, #tpu.memory_space<vmem>>
      %dma_start3A_367 = tpu.memref_squeeze %dma_start3A_366 : memref<1x81x128xf32, #tpu.memory_space<vmem>> -> memref<81x128xf32, #tpu.memory_space<vmem>>
      %dma_start3A_368 = arith.constant 240 : i32
      %dma_start3A_369 = arith.constant 0 : i32
      %dma_start3A_370 = tpu.memref_slice %arg4[%select_n3A, %add3A_122, %dma_start3A_368, %select_n3A_111, %dma_start3A_369] : memref<4x24x321x8x128xf32, #tpu.memory_space<hbm>> -> memref<1x1x81x1x128xf32, #tpu.memory_space<hbm>>
      %dma_start3A_371 = tpu.memref_squeeze %dma_start3A_370 : memref<1x1x81x1x128xf32, #tpu.memory_space<hbm>> -> memref<81x128xf32, #tpu.memory_space<hbm>>
      %dma_start3A_372 = arith.constant 240 : i32
      %dma_start3A_373 = arith.constant 0 : i32
      %dma_start3A_374 = tpu.memref_slice %arg4[%select_n3A, %add3A_122, %dma_start3A_372, %select_n3A_111, %dma_start3A_373] : memref<4x24x321x8x128xf32, #tpu.memory_space<hbm>> -> memref<1x1x81x1x128xf32, #tpu.memory_space<hbm>>
      %dma_start3A_375 = tpu.memref_squeeze %dma_start3A_374 : memref<1x1x81x1x128xf32, #tpu.memory_space<hbm>> -> memref<81x128xf32, #tpu.memory_space<hbm>>
      %dma_start3A_376 = arith.constant 0 : i32
      %dma_start3A_377 = arith.constant 0 : i32
      %dma_start3A_378 = tpu.memref_slice %arg7[%dma_start3A_363, %dma_start3A_376, %dma_start3A_377] : memref<2x81x128xf32, #tpu.memory_space<vmem>> -> memref<1x81x128xf32, #tpu.memory_space<vmem>>
      %dma_start3A_379 = tpu.memref_squeeze %dma_start3A_378 : memref<1x81x128xf32, #tpu.memory_space<vmem>> -> memref<81x128xf32, #tpu.memory_space<vmem>>
      tpu.enqueue_dma source(%dma_start3A_379 : memref<81x128xf32, #tpu.memory_space<vmem>>) target(%dma_start3A_375 : memref<81x128xf32, #tpu.memory_space<hbm>>) target_semaphore(%arg11 : memref<!tpu.dma_semaphore, #tpu.memory_space<semaphore_mem>>)
      %eq3A_380 = arith.constant 2 : i32
      %eq3A_381 = arith.cmpi eq, %rem3A_113, %eq3A_380 : i32
      %lt3A_382 = arith.constant 7 : i32
      %lt3A_383 = arith.cmpi slt, %select_n3A_111, %lt3A_382 : i32
      %and3A_384 = arith.andi %eq3A_381, %lt3A_383 : i1
      %convert_element_type3A_385 = arith.extui %and3A_384 : i1 to i32
      %cond3A_386 = arith.constant 0 : i32
      %cond3A_387 = arith.cmpi ne, %convert_element_type3A_385, %cond3A_386 : i32
      scf.if %cond3A_387 {
        %add3A_388 = arith.constant 1 : i32
        %add3A_389 = arith.addi %select_n3A_111, %add3A_388 : i32
        %dma_start3A_390 = arith.constant 0 : i32
        %dma_start3A_391 = arith.constant 0 : i32
        %dma_start3A_392 = tpu.memref_slice %arg2[%add3A, %dma_start3A_390, %add3A_389, %dma_start3A_391] : memref<32x640x8x128xf32, #tpu.memory_space<hbm>> -> memref<1x640x1x128xf32, #tpu.memory_space<hbm>>
        %dma_start3A_393 = tpu.memref_squeeze %dma_start3A_392 : memref<1x640x1x128xf32, #tpu.memory_space<hbm>> -> memref<640x128xf32, #tpu.memory_space<hbm>>
        %dma_start3A_394 = arith.constant 0 : i32
        %dma_start3A_395 = arith.constant 0 : i32
        %dma_start3A_396 = tpu.memref_slice %arg2[%add3A, %dma_start3A_394, %add3A_389, %dma_start3A_395] : memref<32x640x8x128xf32, #tpu.memory_space<hbm>> -> memref<1x640x1x128xf32, #tpu.memory_space<hbm>>
        %dma_start3A_397 = tpu.memref_squeeze %dma_start3A_396 : memref<1x640x1x128xf32, #tpu.memory_space<hbm>> -> memref<640x128xf32, #tpu.memory_space<hbm>>
        tpu.enqueue_dma source(%dma_start3A_397 : memref<640x128xf32, #tpu.memory_space<hbm>>) target(%arg5 : memref<640x128xf32, #tpu.memory_space<vmem>>) target_semaphore(%arg12 : memref<!tpu.dma_semaphore, #tpu.memory_space<semaphore_mem>>)
      } else {
      }
    }
    %scan3A_47 = arith.constant 24 : i32
    %dma_wait3A = arith.constant 0 : i32
    %dma_wait3A_48 = arith.constant 0 : i32
    %dma_wait3A_49 = arith.constant 0 : i32
    %dma_wait3A_50 = arith.constant 0 : i32
    %dma_wait3A_51 = arith.constant 0 : i32
    %dma_wait3A_52 = arith.constant 0 : i32
    %dma_wait3A_53 = tpu.memref_slice %arg7[%dma_wait3A, %dma_wait3A_51, %dma_wait3A_52] : memref<2x81x128xf32, #tpu.memory_space<vmem>> -> memref<1x80x128xf32, #tpu.memory_space<vmem>>
    %dma_wait3A_54 = tpu.memref_squeeze %dma_wait3A_53 : memref<1x80x128xf32, #tpu.memory_space<vmem>> -> memref<80x128xf32, #tpu.memory_space<vmem>>
    %dma_wait3A_55 = arith.constant 0 : i32
    %dma_wait3A_56 = arith.constant 0 : i32
    %dma_wait3A_57 = tpu.memref_slice %arg4[%dma_wait3A_48, %dma_wait3A_49, %dma_wait3A_55, %dma_wait3A_50, %dma_wait3A_56] : memref<4x24x321x8x128xf32, #tpu.memory_space<hbm>> -> memref<1x1x80x1x128xf32, #tpu.memory_space<hbm>>
    %dma_wait3A_58 = tpu.memref_squeeze %dma_wait3A_57 : memref<1x1x80x1x128xf32, #tpu.memory_space<hbm>> -> memref<80x128xf32, #tpu.memory_space<hbm>>
    %dma_wait3A_59 = arith.constant 0 : i32
    %dma_wait3A_60 = arith.constant 0 : i32
    %dma_wait3A_61 = tpu.memref_slice %arg4[%dma_wait3A_48, %dma_wait3A_49, %dma_wait3A_59, %dma_wait3A_50, %dma_wait3A_60] : memref<4x24x321x8x128xf32, #tpu.memory_space<hbm>> -> memref<1x1x80x1x128xf32, #tpu.memory_space<hbm>>
    %dma_wait3A_62 = tpu.memref_squeeze %dma_wait3A_61 : memref<1x1x80x1x128xf32, #tpu.memory_space<hbm>> -> memref<80x128xf32, #tpu.memory_space<hbm>>
    %dma_wait3A_63 = arith.constant 0 : i32
    %dma_wait3A_64 = arith.constant 0 : i32
    %dma_wait3A_65 = tpu.memref_slice %arg7[%dma_wait3A, %dma_wait3A_63, %dma_wait3A_64] : memref<2x81x128xf32, #tpu.memory_space<vmem>> -> memref<1x80x128xf32, #tpu.memory_space<vmem>>
    %dma_wait3A_66 = tpu.memref_squeeze %dma_wait3A_65 : memref<1x80x128xf32, #tpu.memory_space<vmem>> -> memref<80x128xf32, #tpu.memory_space<vmem>>
    tpu.wait_dma2 semaphore(%arg10 : memref<!tpu.dma_semaphore, #tpu.memory_space<semaphore_mem>>) src(%dma_wait3A_66 : memref<80x128xf32, #tpu.memory_space<vmem>>) dst(%dma_wait3A_62 : memref<80x128xf32, #tpu.memory_space<hbm>>)
    %dma_wait3A_67 = arith.constant 1 : i32
    %dma_wait3A_68 = arith.constant 0 : i32
    %dma_wait3A_69 = arith.constant 0 : i32
    %dma_wait3A_70 = arith.constant 0 : i32
    %dma_wait3A_71 = arith.constant 0 : i32
    %dma_wait3A_72 = arith.constant 0 : i32
    %dma_wait3A_73 = tpu.memref_slice %arg7[%dma_wait3A_67, %dma_wait3A_71, %dma_wait3A_72] : memref<2x81x128xf32, #tpu.memory_space<vmem>> -> memref<1x81x128xf32, #tpu.memory_space<vmem>>
    %dma_wait3A_74 = tpu.memref_squeeze %dma_wait3A_73 : memref<1x81x128xf32, #tpu.memory_space<vmem>> -> memref<81x128xf32, #tpu.memory_space<vmem>>
    %dma_wait3A_75 = arith.constant 0 : i32
    %dma_wait3A_76 = arith.constant 0 : i32
    %dma_wait3A_77 = tpu.memref_slice %arg4[%dma_wait3A_68, %dma_wait3A_69, %dma_wait3A_75, %dma_wait3A_70, %dma_wait3A_76] : memref<4x24x321x8x128xf32, #tpu.memory_space<hbm>> -> memref<1x1x81x1x128xf32, #tpu.memory_space<hbm>>
    %dma_wait3A_78 = tpu.memref_squeeze %dma_wait3A_77 : memref<1x1x81x1x128xf32, #tpu.memory_space<hbm>> -> memref<81x128xf32, #tpu.memory_space<hbm>>
    %dma_wait3A_79 = arith.constant 0 : i32
    %dma_wait3A_80 = arith.constant 0 : i32
    %dma_wait3A_81 = tpu.memref_slice %arg4[%dma_wait3A_68, %dma_wait3A_69, %dma_wait3A_79, %dma_wait3A_70, %dma_wait3A_80] : memref<4x24x321x8x128xf32, #tpu.memory_space<hbm>> -> memref<1x1x81x1x128xf32, #tpu.memory_space<hbm>>
    %dma_wait3A_82 = tpu.memref_squeeze %dma_wait3A_81 : memref<1x1x81x1x128xf32, #tpu.memory_space<hbm>> -> memref<81x128xf32, #tpu.memory_space<hbm>>
    %dma_wait3A_83 = arith.constant 0 : i32
    %dma_wait3A_84 = arith.constant 0 : i32
    %dma_wait3A_85 = tpu.memref_slice %arg7[%dma_wait3A_67, %dma_wait3A_83, %dma_wait3A_84] : memref<2x81x128xf32, #tpu.memory_space<vmem>> -> memref<1x81x128xf32, #tpu.memory_space<vmem>>
    %dma_wait3A_86 = tpu.memref_squeeze %dma_wait3A_85 : memref<1x81x128xf32, #tpu.memory_space<vmem>> -> memref<81x128xf32, #tpu.memory_space<vmem>>
    tpu.wait_dma2 semaphore(%arg11 : memref<!tpu.dma_semaphore, #tpu.memory_space<semaphore_mem>>) src(%dma_wait3A_86 : memref<81x128xf32, #tpu.memory_space<vmem>>) dst(%dma_wait3A_82 : memref<81x128xf32, #tpu.memory_space<hbm>>)
    return
  }
}

</mosaic_0001>

<sc_bundles>
// kernel: kernel.3.cloned.1.call-start
scs
__scs_entry_jumppad:
0x0: {  	(pc) =	sbr.rel $0x88, $3  }
0x1: {  	(tag) =	ssettag $0x0;
	lr =	simm.s32 $0x1  }
0x2: {  	[smem:$0x3F9F] =	sst lr;
	_ =	strace $0xD0000000  }
0x3: {  	_ = 	snop  }
0x4: {  	_ = 	snop  }
0x5: {  	_ = 	snop  }
0x6: {  	_ = 	snop  }
0x7: {  	_ = 	snop  }
__scs_overlays_trampoline_lowered:
0x8: {  	[smem:$0x3FAE] =	sst s0  }
0x9: {  	[smem:$0x3FAF] =	sst s1  }
0xa: {  	[smem:$0x3FB0] =	sst s2  }
0xb: {  	[smem:$0x3FB1] =	sst s3  }
0xc: {  	[smem:$0x3FB2] =	sst s4  }
0xd: {  	[smem:$0x3FB3] =	sst s5  }
0xe: {  	[smem:$0x3FB4] =	sst s6  }
0xf: {  	[smem:$0x3FB5] =	sst s7  }
0x10: {  	[smem:$0x3FB6] =	sst s8  }
0x11: {  	[smem:$0x3FB7] =	sst s9;
	s0 =	simm.s32 @!p0 $0x0  }
0x12: {  	s1 =	sld [smem:$0x3F9D];
	s0 =	simm.s32 @p0 $0x1  }
0x13: {  	[smem:$0x3FB8] =	sst s0;
	s0 =	simm.s32 @!p1 $0x0  }
0x14: {  	s2 =	sld [smem:$0x3F9C];
	s0 =	simm.s32 @p1 $0x1  }
0x15: {  	[smem:$0x3FB9] =	sst s0;
	s0 =	simm.s32 @!p2 $0x0  }
0x16: {  	s3 =	sld [smem:$0x3FDB];
	s0 =	simm.s32 @p2 $0x1  }
0x17: {  	s4 =	simm.s32 $0x1BF5;
	[smem:$0x3FBB] =	sst s0  }
0x18: {  	s0 =	sld [smem:$0x3F9E];
	_ =	swait.ge [sflag:s4], $0x0  }
0x19: {  	s7 =	sld [smem:$0x3F9F]  }
0x1a: {  	s8 =	sadd.s32 $0xFFFFE003, lr  }
0x1b: {  	s9 =	sadd.s32 $0xFFFFFEF7, lr;
	s5 =	simm.s32 $0xFFFFFFFF;
	p2 =	slt.u32 s8, $0xFFFFF086  }
0x1c: {  	p1 =	slt.u32 s9, $0xF7A;
	s5 =	simm.s32 @!p2 $0x0  }
0x1d: {  	s5 =	simm.s32 @p1 $0x1;
	p0 =	seq.s32 s7, s2  }
0x1e: {  	s7 =	smul.u32 @!p0 $0xF7A, s2;
	p2 =	seq.s32 @!p0 s5, $0x0  }
0x1f: {  	s9 =	smul.u32 $0xF7A, s1;
	s8 =	simm.s32 @!p0 $0x1BF5;
	p2 =	por !p2, p0  }
0x20: {  	[sflag:s8] =	ssyncset.s32 @!p0 $0xFFFFF086;
	s6 =	sadd.s32 @!p0 s3, s7;
	s7 =	simm.s32 @!p0 $0x108  }
0x21: {  	s3 =	sadd.s32 s3, s9;
	s6 =	sadd.s32 @!p0 $0x88, s6;
	s7 =	simm.s32 @p2 $0x1082  }
0x22: {  	[simem:s7], [sflag:s8] =	dma.local @!p0 [hbm:s6], $0xF7A  }
0x23: {  	s9 =	sor.u32 $0xD0000000, s2;
	s6 =	simm.s32 $0x108;
	_ =	swait.ge @!p0 [sflag:s8], $0x0  }
0x24: {  	s3 =	sadd.s32 $0x88, s3;
	s6 =	simm.s32 @!p1 $0x1082;
	[sflag:s4] =	ssyncset.s32 $0xFFFFF086  }
0x25: {  	[simem:s6], [sflag:s4] =	dma.local [hbm:s3], $0xF7A  }
0x26: {  	[smem:$0x3F9F] =	sst s1;
	(tag) =	ssettag s2;
	_ =	strace s9  }
0x27: {  	s1 =	sld [smem:$0x3FAF]  }
0x28: {  	s2 =	sld [smem:$0x3FB0]  }
0x29: {  	s4 =	sld [smem:$0x3FB2]  }
0x2a: {  	p0 =	seq.s32 s5, $0x0;
	s5 =	sld [smem:$0x3FB3]  }
0x2b: {  	s6 =	sld [smem:$0x3FB4]  }
0x2c: {  	s7 =	sld [smem:$0x3FB5]  }
0x2d: {  	s3 =	simm.s32 $0x108;
	s8 =	sld [smem:$0x3FB6]  }
0x2e: {  	s3 =	simm.s32 @!p0 $0x1082;
	s9 =	sld [smem:$0x3FB7]  }
0x2f: {  	lr =	sadd.s32 s0, s3;
	s0 =	sld [smem:$0x3FAE]  }
0x30: {  	s3 =	sld [smem:$0x3FB1]  }
0x31: {  	[smem:$0x3FBA] =	sst s10  }
0x32: {  	s10 =	sld [smem:$0x3FB8];
	_ =	sdelay $0x3  }
0x33: {  	p0 =	seq.s32 s10, $0x1;
	s10 =	sld [smem:$0x3FBA];
	_ =	sdelay $0x3  }
0x34: {  	[smem:$0x3FBA] =	sst s10  }
0x35: {  	s10 =	sld [smem:$0x3FB9];
	_ =	sdelay $0x3  }
0x36: {  	p1 =	seq.s32 s10, $0x1;
	s10 =	sld [smem:$0x3FBA];
	_ =	sdelay $0x3  }
0x37: {  	[smem:$0x3FBA] =	sst s10  }
0x38: {  	s10 =	sld [smem:$0x3FBB]  }
0x39: {  	_ = 	snop;
	(pc) =	sbr.ind lr, $3  }
0x3a: {  	_ = 	snop  }
0x3b: {  	_ = 	snop  }
0x3c: {  	p2 =	seq.s32 s10, $0x1;
	s10 =	sld [smem:$0x3FBA]  }
0x3d: {  	_ =	shalt  }
0x3e: {  	_ =	shalt  }
0x3f: {  	_ =	shalt  }
0x40: {  	_ =	shalt  }
0x41: {  	_ =	shalt  }
0x42: {  	_ =	shalt  }
0x43: {  	_ =	shalt  }
0x44: {  	_ =	shalt  }
0x45: {  	_ =	shalt  }
0x46: {  	_ =	shalt  }
0x47: {  	_ =	shalt  }
0x48: {  	_ =	shalt  }
0x49: {  	_ =	shalt  }
0x4a: {  	_ =	shalt  }
0x4b: {  	_ =	shalt  }
0x4c: {  	_ =	shalt  }
0x4d: {  	_ =	shalt  }
0x4e: {  	_ =	shalt  }
0x4f: {  	_ =	shalt  }
0x50: {  	_ =	shalt  }
0x51: {  	_ =	shalt  }
0x52: {  	_ =	shalt  }
0x53: {  	_ =	shalt  }
0x54: {  	_ =	shalt  }
0x55: {  	_ =	shalt  }
0x56: {  	_ =	shalt  }
0x57: {  	_ =	shalt  }
0x58: {  	_ =	shalt  }
0x59: {  	_ =	shalt  }
0x5a: {  	_ =	shalt  }
0x5b: {  	_ =	shalt  }
0x5c: {  	_ =	shalt  }
0x5d: {  	_ =	shalt  }
0x5e: {  	_ =	shalt  }
0x5f: {  	_ =	shalt  }
0x60: {  	_ =	shalt  }
0x61: {  	_ =	shalt  }
0x62: {  	_ =	shalt  }
0x63: {  	_ =	shalt  }
0x64: {  	_ =	shalt  }
0x65: {  	_ =	shalt  }
0x66: {  	_ =	shalt  }
0x67: {  	_ =	shalt  }
0x68: {  	_ =	shalt  }
0x69: {  	_ =	shalt  }
0x6a: {  	_ =	shalt  }
0x6b: {  	_ =	shalt  }
0x6c: {  	_ =	shalt  }
0x6d: {  	_ =	shalt  }
0x6e: {  	_ =	shalt  }
0x6f: {  	_ =	shalt  }
0x70: {  	_ =	shalt  }
0x71: {  	_ =	shalt  }
0x72: {  	_ =	shalt  }
0x73: {  	_ =	shalt  }
0x74: {  	_ =	shalt  }
0x75: {  	_ =	shalt  }
0x76: {  	_ =	shalt  }
0x77: {  	_ =	shalt  }
0x78: {  	_ =	shalt  }
0x79: {  	_ =	shalt  }
0x7a: {  	_ =	shalt  }
0x7b: {  	_ =	shalt  }
0x7c: {  	_ =	shalt  }
0x7d: {  	_ =	shalt  }
0x7e: {  	_ =	shalt  }
0x7f: {  	_ =	shalt  }
0x80: {  	_ =	shalt  }
0x81: {  	_ =	shalt  }
0x82: {  	_ =	shalt  }
0x83: {  	_ =	shalt  }
0x84: {  	_ =	shalt  }
0x85: {  	_ =	shalt  }
0x86: {  	_ =	shalt  }
0x87: {  	_ =	shalt  }
.Lfunc_end0:
.L_simem_size_0:
called_computation_lowered:
.L_overlay_start_0:
0x88: {  	s2 =	sld [smem:$0x3FD9]  }
0x89: {  	s3 =	sld [smem:$0x3FFE];
	_ =	sdelay $0x1  }
0x8a: {  	s1 =	srdreg.scid  }
0x8b: {  	s0 =	sand.u32 $0x1, s1  }
0x8c: {  	s17 =	sshll.u32 s0, $0xA;
	s2 =	sadd.s32 s3, s2  }
0x8d: {  	s2 =	sadd.s32 s2, s17  }
0x8e: {  	[smem:$0x3FC6] =	sst s2  }
0x8f: {  	_ = 	snop  }
0x90: {  	s2 =	sld [smem:$0x3FC9]  }
0x91: {  	s18 =	sld [smem:$0x3FD0];
	(tm) =	ssettm $0x1  }
0x92: {  	s4 =	sld [smem:$0x3FFB];
	_ =	sdelay $0x3  }
0x93: {  	_ =	strace s4  }
0x94: {  	s4 =	sld [smem:$0x3FFC];
	_ =	sdelay $0x3  }
0x95: {  	_ =	strace s4  }
0x96: {  	s4 =	sld [smem:$0x3FFD];
	_ =	sdelay $0x3  }
0x97: {  	_ =	strace s4  }
0x98: {  	_ =	strace $0x8FFFFFFF  }
0x99: {  	s19 =	sld [smem:$0x3FDB];
	_ =	sdelay $0x1  }
0x9a: {  	s5 =	simm.s32 $_scs_section_size  }
0x9b: {  	s6 =	simm.s32 $_size__tile_overlayer_lowered;
	s7 =	simm.s32 $_tile_overlayer_lowered  }
0x9c: {  	s22 =	simm.s32 $0x1BFF;
	s21 =	sshll.u32 s7, $0x1;
	s4 =	sadd.s32 s5, s19  }
0x9d: {  	s8 =	simm.s32 $0x0;
	s20 =	sshll.u32 s6, $0x1;
	s6 =	sadd.s32 s21, s4  }
0x9e: {  	[timem:s8], [sflag:s22] =	dma.local [hbm:s6], s20  }
0x9f: {  	_ =	swait.ge [sflag:s22], s20  }
0xa0: {  	s5 =	ssub.s32 $0x0, s20;
	[sflag:s22] =	ssyncset.done $0x0  }
0xa1: {  	[sflag:s22] =	ssyncadd.s32 s5;
	_ =	sdelay $0x1  }
0xa2: {  	s23 =	simm.s32 $0x1B8B  }
0xa3: {  	_ =	swait.ge [sflag:s23], $0x1  }
0xa4: {  	[sflag:s23] =	ssyncset.done $0x0  }
0xa5: {  	s25 =	simm.s32 $0x1B8E;
	s24 =	sld [smem:$0x3FFE];
	[sflag:s23] =	ssyncadd.s32 $0xFFFFFFFF  }
0xa6: {  	s26 =	simm.s32 $execute0_lowered;
	[smem:$0x3FD2] =	sst s25  }
0xa7: {  	s6 =	sshll.u32 s26, $0x1;
	_ =	strace $0x80000046;
	[dreg:$0x1] =	wrdreg $0xFFFFFFFF  }
0xa8: {  	s28 =	simm.s32 $_size_execute0_lowered;
	s4 =	sadd.s32 s4, s6;
	[dreg:$0x0] =	wrdreg $0x0  }
0xa9: {  	s6 =	sshll.u32 s28, $0x1;
	[dreg:$0x2] =	wrdreg s4  }
0xaa: {  	[dreg:$0x3] =	wrdreg s6  }
0xab: {  	[dreg:$0x4] =	wrdreg $0xC0  }
0xac: {  	_ =	task [dreg:s8], $0x5FFFF  }
0xad: {  	[dreg:$0x1] =	wrdreg $0xFFFFFFFF  }
0xae: {  	[dreg:$0x0] =	wrdreg $0x60  }
0xaf: {  	[dreg:$0x2] =	wrdreg s2  }
0xb0: {  	[dreg:$0x3] =	wrdreg s18  }
0xb1: {  	[dreg:$0x4] =	wrdreg s24  }
0xb2: {  	[dreg:$0x5] =	wrdreg $0x9  }
0xb3: {  	_ =	task.clear_ibuf [dreg:s8], $0x6FFFF;
	_ =	strace $0x90000046  }
0xb4: {  	s29 =	simm.s32 $0x9;
	_ =	strace $0x80000048  }
0xb5: {  	_ =	swait.ge [sflag:s29], $0x1  }
0xb6: {  	[sflag:s29] =	ssyncadd.s32 $0xFFFFFFFF  }
0xb7: {  	_ =	strace $0x90000048  }
0xb8: {  	_ =	sfence  }
0xb9: {  	s30 =	sld [smem:$0x0];
	_ =	sdelay $0x2  }
0xba: {  	s31 =	sshll.u32 s1, $0xD;
	s1 =	sshrl.u32 s1, $0x2  }
0xbb: {  	s3 =	sand.u32 $0x4000, s31;
	s1 =	sadd.s32 s1, s30  }
0xbc: {  	s0 =	sor.u32 s3, s0;
	s1 =	sshll.u32 s1, $0x11  }
0xbd: {  	s0 =	sor.u32 s1, s0  }
0xbe: {  	s0 =	sadd.s32 $0x8F2B, s0  }
0xbf: {  	[sflag:s0] =	ssyncadd.remote.s32 $0x1  }
0xc0: {  	_ =	sfence.sel $0xFFFF  }
0xc1: {  	[dreg:$0x0] =	wrdreg $0xFFFFFFFF;
	(pc) =	sbr.abs _section_cstart, $3  }
0xc2: {  	[dreg:$0x1] =	wrdreg $0xFFFFFFFF  }
0xc3: {  	_ =	task.clear_ibuf [dreg:s8], $0x2FFFF;
	_ =	strace $0x9FFFFFFF  }
0xc4: {  	(tm) =	ssettm $0x7FFFFFFF  }
0xc5: {  	_ =	shalt  }
tec
execute0_lowered:
.L_overlay_start_1:
0x0: {  	(tag) =	ssettag $0x1  }
0x1: {  	s2 =	rddreg [dreg:$0x0]  }
0x2: {  	s3 =	rddreg [dreg:$0x1]  }
0x3: {  	s0 =	rddreg [dreg:$0x2]  }
0x4: {  	s1 =	srdreg.scid;
	s9 =	stileid.u32;
	s4 =	simm.s32 $0x0  }
0x5: {  	s11 =	simm.s32 $0x80;
	s12 =	simm.s32 $0x400;
	s13 =	simm.s32 $0x14000  }
0x6: {  	s14 =	simm.s32 $0x16880;
	s15 =	simm.s32 $0x1;
	s16 =	simm.s32 $0x19100  }
0x7: {  	s17 =	simm.s32 $0x2;
	s18 =	simm.s32 $0x1B980;
	s19 =	simm.s32 $0x3  }
0x8: {  	s20 =	simm.s32 $0x4;
	s1 =	sand.u32 $0x1, s1;
	s5 =	sshll.u32 s9, $0x1  }
0x9: {  	s21 =	simm.s32 $0x0;
	s6 =	ssub.s32 $0x2, s1;
	s1 =	sor.u32 s1, s5  }
0xa: {  	[smem:$0x7FF] =	sst s4;
	s7 =	sshrl.u32 s6, $0x1;
	s8 =	smul.u32 $0xA0000, s1  }
0xb: {  	s30 =	sshrl.u32 s9, $0x2;
	_ =	strace $0x80000047;
	s29 =	ssub.s32 s6, s7  }
0xc: {  	s5 =	sadd.s32 $0x400, s0;
	s31 =	sshrl.u32 s8, $0x3;
	s0 =	smax.u32 s29, $0x1  }
0xd: {  	s6 =	sand.u32 $0x7, s1;
	s1 =	sadd.s32 s2, s31;
	[dreg:$0x5] =	wrdreg s0  }
0xe: {  	s9 =	smul.u32 $0x786000, s30;
	s8 =	sor.u32 $0x80, s8;
	[dreg:$0x4] =	wrdreg s1  }
.LBB2_1:
0xf: {  	s0 =	rddreg [dreg:$0x4]  }
0x10: {  	[tilespmem:s4], [sflag:$0x5] =	stream.strided.gather [hbm4b:s0+s11], $0x14000, s12, s11, $0x38;
	[tilespmem:$0x1E200] =	vst v63  }
0x11: {  	s22 =	simm.s32 $0x0  }
0x12: {  	[tilespmem:s13], [sflag:$0x1] =	stream.linear.gather [hbm4b:s3+s4], $0x2800, $0x38;
	[tilespmem:$0x1E200] =	vst v63  }
.LBB2_2:
0x13: {  	s1 =	smul.u32 $0xAB, s22;
	_ =	sdelay $0x1  }
0x14: {  	s0 =	sshrl.u32 s1, $0x9  }
0x15: {  	s25 =	sand.u32 $0x7F, s0  }
0x16: {  	s0 =	smul.u32 $0x3, s25;
	_ =	sdelay $0x1  }
0x17: {  	s23 =	ssub.s32 s22, s0  }
0x18: {  	s0 =	sand.u32 $0xFF, s23  }
0x19: {  	p0 =	sne.s32 s0, $0x0;
	s7 =	smul.u32 $0xA080, s0  }
0x1a: {  	s10 =	simm.s32 @!p0 $0x5  }
0x1b: {  	_ =	swait.ge @!p0 [sflag:s10], $0x14000;
	s7 =	sshrl.u32 s7, $0x3  }
0x1c: {  	[sflag:s10] =	ssyncset.done @!p0 $0x0;
	s29 =	sadd.s32 s3, s7  }
0x1d: {  	[sflag:s10] =	ssyncadd.s32 @!p0 $0xFFFEC000;
	s7 =	sadd.s32 $0x500, s29  }
0x1e: {  	[tilespmem:s14], [sflag:$0x2] =	stream.linear.gather [hbm4b:s7+s4], $0x2800, $0x38;
	[tilespmem:$0x1E200] =	vst v63  }
0x1f: {  	_ =	swait.ge [sflag:s15], $0x2800  }
0x20: {  	p0 =	seq.s32 s22, $0x0;
	[sflag:s15] =	ssyncset.done $0x0  }
0x21: {  	s7 =	simm.s32 @!p0 $0x3;
	[sflag:s15] =	ssyncadd.s32 $0xFFFFD800  }
0x22: {  	_ =	swait.ge @!p0 [sflag:s7], $0x2800  }
0x23: {  	[sflag:s7] =	ssyncset.done @!p0 $0x0  }
0x24: {  	s24 =	simm.s32 $0x14100;
	[sflag:s7] =	ssyncadd.s32 @!p0 $0xFFFFD800  }
0x25: {  	v0 =	vld [tilespmem:s24+$0x80]  }
0x26: {  	v1 =	vld [tilespmem:s24+$0xFFFFFF80]  }
0x27: {  	v2 =	vld [tilespmem:s24+$0x0];
	_ =	sdelay $0x2  }
0x28: {  	v3 =	vld [tilespmem:s24+$0xFFFFFF00];
	_ =	sdelay $0x2  }
0x29: {  	v0 =	vld.idx.msk [tilespmem:v0+s4+$0x0], $0xffff  }
0x2a: {  	v1 =	vld.idx.msk [tilespmem:v1+s4+$0x0], $0xffff  }
0x2b: {  	v2 =	vld.idx.msk [tilespmem:v2+s4+$0x0], $0xffff;
	_ =	sdelay $0x1  }
0x2c: {  	s26 =	simm.s32 $0x19200  }
0x2d: {  	v3 =	vld.idx.msk [tilespmem:v3+s4+$0x0], $0xffff;
	[tilespmem:s26+$0x80] =	vst v0  }
0x2e: {  	[tilespmem:s26+$0xFFFFFF80] =	vst v1;
	v0 =	vld [tilespmem:s24+$0x90]  }
0x2f: {  	[tilespmem:s26+$0x0] =	vst v2;
	v1 =	vld [tilespmem:s24+$0xFFFFFF90]  }
0x30: {  	v2 =	vld [tilespmem:s24+$0x10];
	_ =	sdelay $0x1  }
0x31: {  	[tilespmem:s26+$0xFFFFFF00] =	vst v3  }
0x32: {  	v3 =	vld [tilespmem:s24+$0xFFFFFF10];
	_ =	sdelay $0x2  }
0x33: {  	v0 =	vld.idx.msk [tilespmem:v0+s4+$0x0], $0xffff  }
0x34: {  	v1 =	vld.idx.msk [tilespmem:v1+s4+$0x0], $0xffff  }
0x35: {  	v2 =	vld.idx.msk [tilespmem:v2+s4+$0x0], $0xffff;
	_ =	sdelay $0x2  }
0x36: {  	v3 =	vld.idx.msk [tilespmem:v3+s4+$0x0], $0xffff;
	[tilespmem:s26+$0x90] =	vst v0  }
0x37: {  	[tilespmem:s26+$0xFFFFFF90] =	vst v1;
	v0 =	vld [tilespmem:s24+$0xA0]  }
0x38: {  	[tilespmem:s26+$0x10] =	vst v2;
	v1 =	vld [tilespmem:s24+$0xFFFFFFA0]  }
0x39: {  	v2 =	vld [tilespmem:s24+$0x20];
	_ =	sdelay $0x1  }
0x3a: {  	[tilespmem:s26+$0xFFFFFF10] =	vst v3  }
0x3b: {  	v3 =	vld [tilespmem:s24+$0xFFFFFF20]  }
0x3c: {  	s30 =	simm.s32 $0x14300  }
0x3d: {  	v4 =	vld [tilespmem:s30+$0x80]  }
0x3e: {  	v0 =	vld.idx.msk [tilespmem:v0+s4+$0x0], $0xffff  }
0x3f: {  	v1 =	vld.idx.msk [tilespmem:v1+s4+$0x0], $0xffff  }
0x40: {  	v2 =	vld.idx.msk [tilespmem:v2+s4+$0x0], $0xffff;
	_ =	sdelay $0x1  }
0x41: {  	v5 =	vld [tilespmem:s30+$0xFFFFFF80]  }
0x42: {  	v3 =	vld.idx.msk [tilespmem:v3+s4+$0x0], $0xffff;
	[tilespmem:s26+$0xA0] =	vst v0  }
0x43: {  	[tilespmem:s26+$0xFFFFFFA0] =	vst v1;
	v0 =	vld [tilespmem:s24+$0xB0]  }
0x44: {  	[tilespmem:s26+$0x20] =	vst v2;
	v1 =	vld [tilespmem:s24+$0xFFFFFFB0]  }
0x45: {  	v2 =	vld [tilespmem:s24+$0x30];
	_ =	sdelay $0x1  }
0x46: {  	v4 =	vld.idx.msk [tilespmem:v4+s4+$0x0], $0xffff;
	[tilespmem:s26+$0xFFFFFF20] =	vst v3  }
0x47: {  	v3 =	vld [tilespmem:s24+$0xFFFFFF30]  }
0x48: {  	v5 =	vld.idx.msk [tilespmem:v5+s4+$0x0], $0xffff  }
0x49: {  	v6 =	vld [tilespmem:s30+$0x0]  }
0x4a: {  	v0 =	vld.idx.msk [tilespmem:v0+s4+$0x0], $0xffff  }
0x4b: {  	s31 =	simm.s32 $0x19400;
	v1 =	vld.idx.msk [tilespmem:v1+s4+$0x0], $0xffff  }
0x4c: {  	[tilespmem:s31+$0x80] =	vst v4;
	v2 =	vld.idx.msk [tilespmem:v2+s4+$0x0], $0xffff  }
0x4d: {  	[tilespmem:s31+$0xFFFFFF80] =	vst v5;
	v4 =	vld [tilespmem:s30+$0x90]  }
0x4e: {  	v5 =	vld [tilespmem:s30+$0xFFFFFF90]  }
0x4f: {  	v3 =	vld.idx.msk [tilespmem:v3+s4+$0x0], $0xffff;
	[tilespmem:s26+$0xB0] =	vst v0  }
0x50: {  	[tilespmem:s26+$0xFFFFFFB0] =	vst v1;
	v0 =	vld [tilespmem:s24+$0xC0]  }
0x51: {  	[tilespmem:s26+$0x30] =	vst v2;
	v1 =	vld [tilespmem:s24+$0xFFFFFFC0]  }
0x52: {  	v2 =	vld [tilespmem:s24+$0x40]  }
0x53: {  	v7 =	vld [tilespmem:s30+$0xFFFFFF00]  }
0x54: {  	v6 =	vld.idx.msk [tilespmem:v6+s4+$0x0], $0xffff  }
0x55: {  	v4 =	vld.idx.msk [tilespmem:v4+s4+$0x0], $0xffff;
	[tilespmem:s26+$0xFFFFFF30] =	vst v3  }
0x56: {  	v3 =	vld [tilespmem:s24+$0xFFFFFF40]  }
0x57: {  	v5 =	vld.idx.msk [tilespmem:v5+s4+$0x0], $0xffff  }
0x58: {  	v0 =	vld.idx.msk [tilespmem:v0+s4+$0x0], $0xffff  }
0x59: {  	v1 =	vld.idx.msk [tilespmem:v1+s4+$0x0], $0xffff  }
0x5a: {  	[tilespmem:s31+$0x0] =	vst v6;
	v2 =	vld.idx.msk [tilespmem:v2+s4+$0x0], $0xffff  }
0x5b: {  	[tilespmem:s31+$0x90] =	vst v4  }
0x5c: {  	v7 =	vld.idx.msk [tilespmem:v7+s4+$0x0], $0xffff;
	[tilespmem:s31+$0xFFFFFF90] =	vst v5  }
0x5d: {  	v5 =	vld [tilespmem:s30+$0xA0];
	[tilespmem:s26+$0xC0] =	vst v0  }
0x5e: {  	[tilespmem:s26+$0xFFFFFFC0] =	vst v1;
	v1 =	vld.idx.msk [tilespmem:v3+s4+$0x0], $0xffff  }
0x5f: {  	[tilespmem:s26+$0x40] =	vst v2;
	v2 =	vld [tilespmem:s30+$0x10]  }
0x60: {  	v0 =	vld [tilespmem:s24+$0xD0]  }
0x61: {  	v3 =	vld [tilespmem:s24+$0xFFFFFFD0]  }
0x62: {  	[tilespmem:s31+$0xFFFFFF00] =	vst v7;
	v6 =	vld [tilespmem:s24+$0x50]  }
0x63: {  	[tilespmem:s26+$0xFFFFFF40] =	vst v1;
	v1 =	vld [tilespmem:s30+$0xFFFFFF10]  }
0x64: {  	v7 =	vld [tilespmem:s24+$0xFFFFFF50];
	_ =	sdelay $0x1  }
0x65: {  	v5 =	vld.idx.msk [tilespmem:v5+s4+$0x0], $0xffff  }
0x66: {  	v2 =	vld.idx.msk [tilespmem:v2+s4+$0x0], $0xffff  }
0x67: {  	v0 =	vld.idx.msk [tilespmem:v0+s4+$0x0], $0xffff  }
0x68: {  	v3 =	vld.idx.msk [tilespmem:v3+s4+$0x0], $0xffff  }
0x69: {  	v6 =	vld.idx.msk [tilespmem:v6+s4+$0x0], $0xffff  }
0x6a: {  	v1 =	vld.idx.msk [tilespmem:v1+s4+$0x0], $0xffff  }
0x6b: {  	v4 =	vld.idx.msk [tilespmem:v7+s4+$0x0], $0xffff  }
0x6c: {  	[tilespmem:s31+$0x10] =	vst v2;
	v7 =	vld [tilespmem:s30+$0xFFFFFFA0]  }
0x6d: {  	[tilespmem:s26+$0xD0] =	vst v0;
	v2 =	vld [tilespmem:s30+$0x20]  }
0x6e: {  	[tilespmem:s26+$0xFFFFFFD0] =	vst v3;
	v0 =	vld [tilespmem:s24+$0xE0]  }
0x6f: {  	v3 =	vld [tilespmem:s24+$0xFFFFFFE0];
	[tilespmem:s31+$0xFFFFFF10] =	vst v1  }
0x70: {  	v1 =	vld [tilespmem:s30+$0xFFFFFF20];
	[tilespmem:s26+$0xFFFFFF50] =	vst v4  }
0x71: {  	[tilespmem:s31+$0xA0] =	vst v5;
	v4 =	vld [tilespmem:s24+$0xFFFFFF60]  }
0x72: {  	v5 =	vld [tilespmem:s30+$0xB0];
	[tilespmem:s26+$0x50] =	vst v6  }
0x73: {  	v6 =	vld [tilespmem:s24+$0x60]  }
0x74: {  	v7 =	vld.idx.msk [tilespmem:v7+s4+$0x0], $0xffff  }
0x75: {  	v2 =	vld.idx.msk [tilespmem:v2+s4+$0x0], $0xffff  }
0x76: {  	v0 =	vld.idx.msk [tilespmem:v0+s4+$0x0], $0xffff  }
0x77: {  	v3 =	vld.idx.msk [tilespmem:v3+s4+$0x0], $0xffff  }
0x78: {  	v1 =	vld.idx.msk [tilespmem:v1+s4+$0x0], $0xffff  }
0x79: {  	[tilespmem:s31+$0xFFFFFFA0] =	vst v7;
	v4 =	vld.idx.msk [tilespmem:v4+s4+$0x0], $0xffff  }
0x7a: {  	[tilespmem:s31+$0x20] =	vst v2;
	v7 =	vld [tilespmem:s30+$0xFFFFFFB0]  }
0x7b: {  	[tilespmem:s26+$0xE0] =	vst v0;
	v2 =	vld [tilespmem:s30+$0x30]  }
0x7c: {  	v0 =	vld [tilespmem:s24+$0xF0]  }
0x7d: {  	v6 =	vld.idx.msk [tilespmem:v6+s4+$0x0], $0xffff;
	[tilespmem:s31+$0xFFFFFF20] =	vst v1  }
0x7e: {  	[tilespmem:s26+$0xFFFFFFE0] =	vst v3;
	v1 =	vld [tilespmem:s30+$0xFFFFFF30]  }
0x7f: {  	v3 =	vld.idx.msk [tilespmem:v5+s4+$0x0], $0xffff;
	[tilespmem:s26+$0xFFFFFF60] =	vst v4  }
0x80: {  	v8 =	vld [tilespmem:s24+$0xFFFFFF70]  }
0x81: {  	v10 =	vld [tilespmem:s24+$0xFFFFFFF0]  }
0x82: {  	v5 =	vld.idx.msk [tilespmem:v7+s4+$0x0], $0xffff  }
0x83: {  	v2 =	vld.idx.msk [tilespmem:v2+s4+$0x0], $0xffff  }
0x84: {  	[tilespmem:s26+$0x60] =	vst v6;
	v9 =	vld.idx.msk [tilespmem:v0+s4+$0x0], $0xffff  }
0x85: {  	s1 =	sadd.s32 $0xAB, s1;
	v0 =	vld [tilespmem:s24+$0x70]  }
0x86: {  	s1 =	sshrl.u32 s1, $0x9;
	[tilespmem:s31+$0xB0] =	vst v3;
	v4 =	vld.idx.msk [tilespmem:v1+s4+$0x0], $0xffff  }
0x87: {  	s1 =	sand.u32 $0x7F, s1;
	[tilespmem:s31+$0xFFFFFFB0] =	vst v5;
	v5 =	vld [tilespmem:s30+$0xC0]  }
0x88: {  	s1 =	smul.u32 $0x3, s1;
	v1 =	vld.idx.msk [tilespmem:v8+s4+$0x0], $0xffff  }
0x89: {  	s0 =	sshll.u32 s0, $0x3;
	s24 =	sadd.s32 $0x1, s22;
	[tilespmem:s31+$0x30] =	vst v2;
	v2 =	vld.idx.msk [tilespmem:v10+s4+$0x0], $0xffff  }
0x8a: {  	s10 =	simm.s32 $0x14500;
	s7 =	simm.s32 $0x4;
	s1 =	ssub.s32 s24, s1;
	v3 =	vld [tilespmem:s30+$0xFFFFFFC0]  }
0x8b: {  	s28 =	sand.u32 $0xFF, s1;
	s1 =	sor.u32 s6, s0;
	s0 =	simm.s32 $0x19400;
	v6 =	vld [tilespmem:s30+$0x40];
	[tilespmem:s26+$0xF0] =	vst v9  }
.LBB2_3:
0x8c: {  	v7 =	vld [tilespmem:s10+$0x80];
	s7 =	sadd.s32 $0x4, s7;
	[tilespmem:s31+$0xFFFFFF30] =	vst v4  }
0x8d: {  	v4 =	vld [tilespmem:s10+$0xFFFFFF80];
	p1 =	slt.u32 s7, $0x4C;
	[tilespmem:s26+$0xFFFFFF70] =	vst v1  }
0x8e: {  	v1 =	vld [tilespmem:s10+$0x0]  }
0x8f: {  	v8 =	vld [tilespmem:s10+$0xFFFFFF00]  }
0x90: {  	v5 =	vld.idx.msk [tilespmem:v5+s4+$0x0], $0xffff  }
0x91: {  	v9 =	vld [tilespmem:s30+$0xFFFFFF40];
	[tilespmem:s26+$0xFFFFFFF0] =	vst v2  }
0x92: {  	v2 =	vld.idx.msk [tilespmem:v3+s4+$0x0], $0xffff  }
0x93: {  	v3 =	vld.idx.msk [tilespmem:v6+s4+$0x0], $0xffff  }
0x94: {  	v6 =	vld.idx.msk [tilespmem:v7+s4+$0x0], $0xffff  }
0x95: {  	v4 =	vld.idx.msk [tilespmem:v4+s4+$0x0], $0xffff  }
0x96: {  	v1 =	vld.idx.msk [tilespmem:v1+s4+$0x0], $0xffff;
	[tilespmem:s31+$0xC0] =	vst v5  }
0x97: {  	v5 =	vld [tilespmem:s30+$0xD0]  }
0x98: {  	v7 =	vld.idx.msk [tilespmem:v8+s4+$0x0], $0xffff;
	[tilespmem:s31+$0xFFFFFFC0] =	vst v2  }
0x99: {  	s31 =	sadd.s32 $0x200, s31;
	v2 =	vld.idx.msk [tilespmem:v9+s4+$0x0], $0xffff;
	[tilespmem:s0+$0x40] =	vst v3  }
0x9a: {  	[tilespmem:s31+$0x80] =	vst v6;
	v3 =	vld [tilespmem:s30+$0xFFFFFFD0]  }
0x9b: {  	[tilespmem:s31+$0xFFFFFF80] =	vst v4;
	v4 =	vld [tilespmem:s10+$0x90]  }
0x9c: {  	v6 =	vld [tilespmem:s10+$0xFFFFFF90];
	[tilespmem:s31+$0x0] =	vst v1  }
0x9d: {  	v1 =	vld [tilespmem:s10+$0x10]  }
0x9e: {  	[tilespmem:s31+$0xFFFFFF00] =	vst v7;
	v7 =	vld [tilespmem:s30+$0x50]  }
0x9f: {  	[tilespmem:s0+$0xFFFFFF40] =	vst v2;
	v2 =	vld.idx.msk [tilespmem:v5+s4+$0x0], $0xffff  }
0xa0: {  	v5 =	vld [tilespmem:s10+$0xFFFFFF10]  }
0xa1: {  	v8 =	vld [tilespmem:s30+$0xFFFFFF50]  }
0xa2: {  	v3 =	vld.idx.msk [tilespmem:v3+s4+$0x0], $0xffff  }
0xa3: {  	v4 =	vld.idx.msk [tilespmem:v4+s4+$0x0], $0xffff  }
0xa4: {  	v6 =	vld.idx.msk [tilespmem:v6+s4+$0x0], $0xffff  }
0xa5: {  	v1 =	vld.idx.msk [tilespmem:v1+s4+$0x0], $0xffff;
	[tilespmem:s0+$0xD0] =	vst v2  }
0xa6: {  	v2 =	vld [tilespmem:s30+$0xE0]  }
0xa7: {  	v7 =	vld.idx.msk [tilespmem:v7+s4+$0x0], $0xffff  }
0xa8: {  	v5 =	vld.idx.msk [tilespmem:v5+s4+$0x0], $0xffff;
	[tilespmem:s0+$0xFFFFFFD0] =	vst v3  }
0xa9: {  	[tilespmem:s31+$0x90] =	vst v4;
	v3 =	vld.idx.msk [tilespmem:v8+s4+$0x0], $0xffff  }
0xaa: {  	[tilespmem:s31+$0xFFFFFF90] =	vst v6;
	v4 =	vld [tilespmem:s10+$0xA0]  }
0xab: {  	v6 =	vld [tilespmem:s10+$0xFFFFFFA0];
	[tilespmem:s31+$0x10] =	vst v1  }
0xac: {  	v1 =	vld [tilespmem:s10+$0x20]  }
0xad: {  	v8 =	vld [tilespmem:s30+$0xFFFFFFE0];
	[tilespmem:s0+$0x50] =	vst v7  }
0xae: {  	[tilespmem:s31+$0xFFFFFF10] =	vst v5;
	v2 =	vld.idx.msk [tilespmem:v2+s4+$0x0], $0xffff  }
0xaf: {  	v5 =	vld [tilespmem:s10+$0xFFFFFF20];
	[tilespmem:s0+$0xFFFFFF50] =	vst v3  }
0xb0: {  	v3 =	vld [tilespmem:s30+$0xFFFFFF60]  }
0xb1: {  	v7 =	vld [tilespmem:s30+$0x60]  }
0xb2: {  	v4 =	vld.idx.msk [tilespmem:v4+s4+$0x0], $0xffff  }
0xb3: {  	v6 =	vld.idx.msk [tilespmem:v6+s4+$0x0], $0xffff  }
0xb4: {  	v1 =	vld.idx.msk [tilespmem:v1+s4+$0x0], $0xffff;
	[tilespmem:s0+$0xE0] =	vst v2  }
0xb5: {  	v2 =	vld [tilespmem:s30+$0xF0]  }
0xb6: {  	v8 =	vld.idx.msk [tilespmem:v8+s4+$0x0], $0xffff  }
0xb7: {  	v5 =	vld.idx.msk [tilespmem:v5+s4+$0x0], $0xffff  }
0xb8: {  	[tilespmem:s31+$0xA0] =	vst v4;
	v3 =	vld.idx.msk [tilespmem:v3+s4+$0x0], $0xffff  }
0xb9: {  	[tilespmem:s31+$0xFFFFFFA0] =	vst v6;
	v4 =	vld [tilespmem:s10+$0xB0]  }
0xba: {  	v6 =	vld [tilespmem:s10+$0xFFFFFFB0];
	[tilespmem:s31+$0x20] =	vst v1  }
0xbb: {  	v1 =	vld [tilespmem:s10+$0x30]  }
0xbc: {  	[tilespmem:s0+$0xFFFFFFE0] =	vst v8;
	v7 =	vld.idx.msk [tilespmem:v7+s4+$0x0], $0xffff  }
0xbd: {  	[tilespmem:s31+$0xFFFFFF20] =	vst v5;
	v2 =	vld.idx.msk [tilespmem:v2+s4+$0x0], $0xffff  }
0xbe: {  	v5 =	vld [tilespmem:s10+$0xFFFFFF30];
	[tilespmem:s0+$0xFFFFFF60] =	vst v3  }
0xbf: {  	v3 =	vld [tilespmem:s30+$0xFFFFFF70]  }
0xc0: {  	v8 =	vld [tilespmem:s30+$0xFFFFFFF0]  }
0xc1: {  	v9 =	vld.idx.msk [tilespmem:v4+s4+$0x0], $0xffff  }
0xc2: {  	v6 =	vld.idx.msk [tilespmem:v6+s4+$0x0], $0xffff;
	[tilespmem:s0+$0x60] =	vst v7  }
0xc3: {  	v7 =	vld.idx.msk [tilespmem:v1+s4+$0x0], $0xffff;
	[tilespmem:s0+$0xF0] =	vst v2  }
0xc4: {  	v2 =	vld [tilespmem:s30+$0x70];
	s30 =	smov.u32 s10  }
0xc5: {  	v10 =	vld.idx.msk [tilespmem:v0+s4+$0x0], $0xffff  }
0xc6: {  	v4 =	vld.idx.msk [tilespmem:v5+s4+$0x0], $0xffff  }
.Ltmp0:
0xc7: {  	[tilespmem:s31+$0xB0] =	vst v9;
	v1 =	vld.idx.msk [tilespmem:v3+s4+$0x0], $0xffff;
	(pc) =	sbr.rel @p1 .LBB2_3-.Ltmp0, $4  }
0xc8: {  	[tilespmem:s31+$0xFFFFFFB0] =	vst v6;
	v5 =	vld [tilespmem:s10+$0xC0]  }
0xc9: {  	v3 =	vld [tilespmem:s10+$0xFFFFFFC0];
	[tilespmem:s31+$0x30] =	vst v7;
	v0 =	vmov v2  }
0xca: {  	v6 =	vld [tilespmem:s10+$0x40]  }
0xcb: {  	s10 =	sadd.s32 $0x200, s10;
	v2 =	vld.idx.msk [tilespmem:v8+s4+$0x0], $0xffff;
	[tilespmem:s26+$0x70] =	vst v10;
	s26 =	smov.u32 s0;
	s0 =	smov.u32 s31  }
0xcc: {  	[tilespmem:s31+$0xFFFFFF30] =	vst v4  }
0xcd: {  	v4 =	vld [tilespmem:s30+$0xFFFFFF40];
	_ =	sdelay $0x4  }
0xce: {  	v5 =	vld.idx.msk [tilespmem:v5+s4+$0x0], $0xffff  }
0xcf: {  	v6 =	vld.idx.msk [tilespmem:v6+s4+$0x0], $0xffff  }
0xd0: {  	v3 =	vld.idx.msk [tilespmem:v3+s4+$0x0], $0xffff  }
0xd1: {  	v4 =	vld.idx.msk [tilespmem:v4+s4+$0x0], $0xffff;
	_ =	sdelay $0x1  }
0xd2: {  	[tilespmem:s31+$0xC0] =	vst v5  }
0xd3: {  	v5 =	vld [tilespmem:s30+$0xD0];
	[tilespmem:s0+$0x40] =	vst v6  }
0xd4: {  	[tilespmem:s31+$0xFFFFFFC0] =	vst v3;
	v6 =	vld [tilespmem:s30+$0x50]  }
0xd5: {  	[tilespmem:s0+$0xFFFFFF40] =	vst v4;
	v4 =	vld [tilespmem:s30+$0xFFFFFFD0]  }
0xd6: {  	v3 =	vld [tilespmem:s30+$0xFFFFFF50];
	_ =	sdelay $0x4  }
0xd7: {  	v5 =	vld.idx.msk [tilespmem:v5+s4+$0x0], $0xffff  }
0xd8: {  	v6 =	vld.idx.msk [tilespmem:v6+s4+$0x0], $0xffff  }
0xd9: {  	v4 =	vld.idx.msk [tilespmem:v4+s4+$0x0], $0xffff  }
0xda: {  	v3 =	vld.idx.msk [tilespmem:v3+s4+$0x0], $0xffff;
	_ =	sdelay $0x1  }
0xdb: {  	[tilespmem:s0+$0xD0] =	vst v5  }
0xdc: {  	v5 =	vld [tilespmem:s30+$0xE0];
	[tilespmem:s0+$0x50] =	vst v6  }
0xdd: {  	v6 =	vld [tilespmem:s30+$0x60];
	[tilespmem:s0+$0xFFFFFFD0] =	vst v4  }
0xde: {  	[tilespmem:s0+$0xFFFFFF50] =	vst v3;
	v4 =	vld [tilespmem:s30+$0xFFFFFFE0]  }
0xdf: {  	v3 =	vld [tilespmem:s30+$0xFFFFFF60];
	_ =	sdelay $0x4  }
0xe0: {  	v5 =	vld.idx.msk [tilespmem:v5+s4+$0x0], $0xffff  }
0xe1: {  	v6 =	vld.idx.msk [tilespmem:v6+s4+$0x0], $0xffff  }
0xe2: {  	v4 =	vld.idx.msk [tilespmem:v4+s4+$0x0], $0xffff  }
0xe3: {  	v3 =	vld.idx.msk [tilespmem:v3+s4+$0x0], $0xffff;
	_ =	sdelay $0x1  }
0xe4: {  	[tilespmem:s0+$0xE0] =	vst v5  }
0xe5: {  	v5 =	vld [tilespmem:s30+$0xF0];
	[tilespmem:s0+$0x60] =	vst v6  }
0xe6: {  	v6 =	vld [tilespmem:s30+$0x70];
	[tilespmem:s0+$0xFFFFFFE0] =	vst v4  }
0xe7: {  	[tilespmem:s0+$0xFFFFFF60] =	vst v3;
	v4 =	vld [tilespmem:s30+$0xFFFFFFF0]  }
0xe8: {  	v3 =	vld [tilespmem:s30+$0xFFFFFF70];
	_ =	sdelay $0x3  }
0xe9: {  	v0 =	vld.idx.msk [tilespmem:v0+s4+$0x0], $0xffff  }
0xea: {  	v5 =	vld.idx.msk [tilespmem:v5+s4+$0x0], $0xffff  }
0xeb: {  	[tilespmem:s26+$0xFFFFFFF0] =	vst v2;
	v2 =	vld.idx.msk [tilespmem:v6+s4+$0x0], $0xffff  }
0xec: {  	[tilespmem:s26+$0xFFFFFF70] =	vst v1;
	v1 =	vld.idx.msk [tilespmem:v4+s4+$0x0], $0xffff  }
0xed: {  	v3 =	vld.idx.msk [tilespmem:v3+s4+$0x0], $0xffff  }
0xee: {  	s1 =	smul.u32 $0x50400, s1;
	s25 =	sshll.u32 s25, $0x7;
	[tilespmem:s26+$0x70] =	vst v0  }
0xef: {  	s7 =	sadd.s32 s9, s25;
	[tilespmem:s0+$0xF0] =	vst v5  }
0xf0: {  	s1 =	sadd.s32 s1, s7;
	[tilespmem:s0+$0x70] =	vst v2  }
0xf1: {  	s1 =	sshrl.u32 s1, $0x3;
	[tilespmem:s0+$0xFFFFFFF0] =	vst v1  }
0xf2: {  	s26 =	sadd.s32 s5, s1;
	[tilespmem:s0+$0xFFFFFF70] =	vst v3  }
0xf3: {  	[hbm4b:s26+s11] =	stream.strided.scatter [tilespmem:s16], [sflag:$0x3], $0x2800, s12, s11, $0x38;
	[tilespmem:$0x1E200] =	vst v63  }
0xf4: {  	s7 =	sadd.s32 $0xA00, s29  }
0xf5: {  	[tilespmem:s13], [sflag:$0x1] =	stream.linear.gather [hbm4b:s7+s4], $0x2800, $0x38;
	[tilespmem:$0x1E200] =	vst v63  }
0xf6: {  	_ =	swait.ge [sflag:s17], $0x2800  }
0xf7: {  	[sflag:s17] =	ssyncset.done $0x0  }
0xf8: {  	s0 =	simm.s32 @!p0 $0x4;
	[sflag:s17] =	ssyncadd.s32 $0xFFFFD800  }
0xf9: {  	_ =	swait.ge @!p0 [sflag:s0], $0x2880  }
0xfa: {  	[sflag:s0] =	ssyncset.done @!p0 $0x0  }
0xfb: {  	s10 =	simm.s32 $0x16A70;
	[sflag:s0] =	ssyncadd.s32 @!p0 $0xFFFFD780  }
0xfc: {  	v0 =	vld [tilespmem:s10+$0xFFFFFF90]  }
0xfd: {  	v1 =	vld [tilespmem:s10+$0xFFFFFE90]  }
0xfe: {  	v2 =	vld [tilespmem:s10+$0xFFFFFF10];
	_ =	sdelay $0x2  }
0xff: {  	v3 =	vld [tilespmem:s10+$0xFFFFFE10];
	_ =	sdelay $0x2  }
0x100: {  	v0 =	vld.idx.msk [tilespmem:v0+s4+$0x0], $0xffff  }
0x101: {  	v1 =	vld.idx.msk [tilespmem:v1+s4+$0x0], $0xffff  }
0x102: {  	v2 =	vld.idx.msk [tilespmem:v2+s4+$0x0], $0xffff;
	_ =	sdelay $0x1  }
0x103: {  	s30 =	simm.s32 $0x1BB70  }
0x104: {  	v3 =	vld.idx.msk [tilespmem:v3+s4+$0x0], $0xffff;
	[tilespmem:s30+$0xFFFFFF90] =	vst v0  }
0x105: {  	[tilespmem:s30+$0xFFFFFE90] =	vst v1;
	v0 =	vld [tilespmem:s10+$0xFFFFFFA0]  }
0x106: {  	[tilespmem:s30+$0xFFFFFF10] =	vst v2;
	v1 =	vld [tilespmem:s10+$0xFFFFFEA0]  }
0x107: {  	v2 =	vld [tilespmem:s10+$0xFFFFFF20];
	_ =	sdelay $0x1  }
0x108: {  	[tilespmem:s30+$0xFFFFFE10] =	vst v3  }
0x109: {  	v3 =	vld [tilespmem:s10+$0xFFFFFE20];
	_ =	sdelay $0x2  }
0x10a: {  	v0 =	vld.idx.msk [tilespmem:v0+s4+$0x0], $0xffff  }
0x10b: {  	v1 =	vld.idx.msk [tilespmem:v1+s4+$0x0], $0xffff  }
0x10c: {  	v2 =	vld.idx.msk [tilespmem:v2+s4+$0x0], $0xffff;
	_ =	sdelay $0x2  }
0x10d: {  	v3 =	vld.idx.msk [tilespmem:v3+s4+$0x0], $0xffff;
	[tilespmem:s30+$0xFFFFFFA0] =	vst v0  }
0x10e: {  	[tilespmem:s30+$0xFFFFFEA0] =	vst v1;
	v0 =	vld [tilespmem:s10+$0xFFFFFFB0]  }
0x10f: {  	[tilespmem:s30+$0xFFFFFF20] =	vst v2;
	v1 =	vld [tilespmem:s10+$0xFFFFFEB0]  }
0x110: {  	v2 =	vld [tilespmem:s10+$0xFFFFFF30];
	_ =	sdelay $0x1  }
0x111: {  	[tilespmem:s30+$0xFFFFFE20] =	vst v3  }
0x112: {  	v3 =	vld [tilespmem:s10+$0xFFFFFE30]  }
0x113: {  	s31 =	simm.s32 $0x16C70  }
0x114: {  	v4 =	vld [tilespmem:s31+$0xFFFFFF90]  }
0x115: {  	v0 =	vld.idx.msk [tilespmem:v0+s4+$0x0], $0xffff  }
0x116: {  	v1 =	vld.idx.msk [tilespmem:v1+s4+$0x0], $0xffff  }
0x117: {  	v2 =	vld.idx.msk [tilespmem:v2+s4+$0x0], $0xffff;
	_ =	sdelay $0x1  }
0x118: {  	v5 =	vld [tilespmem:s31+$0xFFFFFE90]  }
0x119: {  	v3 =	vld.idx.msk [tilespmem:v3+s4+$0x0], $0xffff;
	[tilespmem:s30+$0xFFFFFFB0] =	vst v0  }
0x11a: {  	[tilespmem:s30+$0xFFFFFEB0] =	vst v1;
	v0 =	vld [tilespmem:s10+$0xFFFFFFC0]  }
0x11b: {  	[tilespmem:s30+$0xFFFFFF30] =	vst v2;
	v1 =	vld [tilespmem:s10+$0xFFFFFEC0]  }
0x11c: {  	v2 =	vld [tilespmem:s10+$0xFFFFFF40];
	_ =	sdelay $0x1  }
0x11d: {  	v4 =	vld.idx.msk [tilespmem:v4+s4+$0x0], $0xffff;
	[tilespmem:s30+$0xFFFFFE30] =	vst v3  }
0x11e: {  	v3 =	vld [tilespmem:s10+$0xFFFFFE40]  }
0x11f: {  	v5 =	vld.idx.msk [tilespmem:v5+s4+$0x0], $0xffff  }
0x120: {  	v6 =	vld [tilespmem:s31+$0xFFFFFF10]  }
0x121: {  	v0 =	vld.idx.msk [tilespmem:v0+s4+$0x0], $0xffff  }
0x122: {  	s0 =	simm.s32 $0x1BD70;
	v1 =	vld.idx.msk [tilespmem:v1+s4+$0x0], $0xffff  }
0x123: {  	[tilespmem:s0+$0xFFFFFF90] =	vst v4;
	v2 =	vld.idx.msk [tilespmem:v2+s4+$0x0], $0xffff  }
0x124: {  	[tilespmem:s0+$0xFFFFFE90] =	vst v5;
	v4 =	vld [tilespmem:s31+$0xFFFFFFA0]  }
0x125: {  	v5 =	vld [tilespmem:s31+$0xFFFFFEA0]  }
0x126: {  	v3 =	vld.idx.msk [tilespmem:v3+s4+$0x0], $0xffff;
	[tilespmem:s30+$0xFFFFFFC0] =	vst v0  }
0x127: {  	[tilespmem:s30+$0xFFFFFEC0] =	vst v1;
	v0 =	vld [tilespmem:s10+$0xFFFFFFD0]  }
0x128: {  	[tilespmem:s30+$0xFFFFFF40] =	vst v2;
	v1 =	vld [tilespmem:s10+$0xFFFFFED0]  }
0x129: {  	v2 =	vld [tilespmem:s10+$0xFFFFFF50]  }
0x12a: {  	v7 =	vld [tilespmem:s31+$0xFFFFFE10]  }
0x12b: {  	v6 =	vld.idx.msk [tilespmem:v6+s4+$0x0], $0xffff  }
0x12c: {  	v4 =	vld.idx.msk [tilespmem:v4+s4+$0x0], $0xffff;
	[tilespmem:s30+$0xFFFFFE40] =	vst v3  }
0x12d: {  	v3 =	vld [tilespmem:s10+$0xFFFFFE50]  }
0x12e: {  	v5 =	vld.idx.msk [tilespmem:v5+s4+$0x0], $0xffff  }
0x12f: {  	v0 =	vld.idx.msk [tilespmem:v0+s4+$0x0], $0xffff  }
0x130: {  	v1 =	vld.idx.msk [tilespmem:v1+s4+$0x0], $0xffff  }
0x131: {  	[tilespmem:s0+$0xFFFFFF10] =	vst v6;
	v2 =	vld.idx.msk [tilespmem:v2+s4+$0x0], $0xffff  }
0x132: {  	[tilespmem:s0+$0xFFFFFFA0] =	vst v4  }
0x133: {  	v7 =	vld.idx.msk [tilespmem:v7+s4+$0x0], $0xffff;
	[tilespmem:s0+$0xFFFFFEA0] =	vst v5  }
0x134: {  	v5 =	vld [tilespmem:s31+$0xFFFFFFB0];
	[tilespmem:s30+$0xFFFFFFD0] =	vst v0  }
0x135: {  	[tilespmem:s30+$0xFFFFFED0] =	vst v1;
	v1 =	vld.idx.msk [tilespmem:v3+s4+$0x0], $0xffff  }
0x136: {  	[tilespmem:s30+$0xFFFFFF50] =	vst v2;
	v2 =	vld [tilespmem:s31+$0xFFFFFF20]  }
0x137: {  	v0 =	vld [tilespmem:s10+$0xFFFFFFE0]  }
0x138: {  	v3 =	vld [tilespmem:s10+$0xFFFFFEE0]  }
0x139: {  	[tilespmem:s0+$0xFFFFFE10] =	vst v7;
	v6 =	vld [tilespmem:s10+$0xFFFFFF60]  }
0x13a: {  	[tilespmem:s30+$0xFFFFFE50] =	vst v1;
	v1 =	vld [tilespmem:s31+$0xFFFFFE20]  }
0x13b: {  	v7 =	vld [tilespmem:s10+$0xFFFFFE60];
	_ =	sdelay $0x1  }
0x13c: {  	v5 =	vld.idx.msk [tilespmem:v5+s4+$0x0], $0xffff  }
0x13d: {  	v2 =	vld.idx.msk [tilespmem:v2+s4+$0x0], $0xffff  }
0x13e: {  	v0 =	vld.idx.msk [tilespmem:v0+s4+$0x0], $0xffff  }
0x13f: {  	v3 =	vld.idx.msk [tilespmem:v3+s4+$0x0], $0xffff  }
0x140: {  	v6 =	vld.idx.msk [tilespmem:v6+s4+$0x0], $0xffff  }
0x141: {  	v1 =	vld.idx.msk [tilespmem:v1+s4+$0x0], $0xffff  }
0x142: {  	v4 =	vld.idx.msk [tilespmem:v7+s4+$0x0], $0xffff  }
0x143: {  	[tilespmem:s0+$0xFFFFFF20] =	vst v2;
	v7 =	vld [tilespmem:s31+$0xFFFFFEB0]  }
0x144: {  	[tilespmem:s30+$0xFFFFFFE0] =	vst v0;
	v2 =	vld [tilespmem:s31+$0xFFFFFF30]  }
0x145: {  	[tilespmem:s30+$0xFFFFFEE0] =	vst v3;
	v0 =	vld [tilespmem:s10+$0xFFFFFFF0]  }
0x146: {  	v3 =	vld [tilespmem:s10+$0xFFFFFEF0];
	[tilespmem:s0+$0xFFFFFE20] =	vst v1  }
0x147: {  	v1 =	vld [tilespmem:s31+$0xFFFFFE30];
	[tilespmem:s30+$0xFFFFFE60] =	vst v4  }
0x148: {  	[tilespmem:s0+$0xFFFFFFB0] =	vst v5;
	v4 =	vld [tilespmem:s10+$0xFFFFFE70]  }
0x149: {  	v5 =	vld [tilespmem:s31+$0xFFFFFFC0];
	[tilespmem:s30+$0xFFFFFF60] =	vst v6  }
0x14a: {  	v6 =	vld [tilespmem:s10+$0xFFFFFF70]  }
0x14b: {  	v7 =	vld.idx.msk [tilespmem:v7+s4+$0x0], $0xffff  }
0x14c: {  	v2 =	vld.idx.msk [tilespmem:v2+s4+$0x0], $0xffff  }
0x14d: {  	v0 =	vld.idx.msk [tilespmem:v0+s4+$0x0], $0xffff  }
0x14e: {  	v3 =	vld.idx.msk [tilespmem:v3+s4+$0x0], $0xffff  }
0x14f: {  	v1 =	vld.idx.msk [tilespmem:v1+s4+$0x0], $0xffff  }
0x150: {  	[tilespmem:s0+$0xFFFFFEB0] =	vst v7;
	v4 =	vld.idx.msk [tilespmem:v4+s4+$0x0], $0xffff  }
0x151: {  	[tilespmem:s0+$0xFFFFFF30] =	vst v2;
	v7 =	vld [tilespmem:s31+$0xFFFFFEC0]  }
0x152: {  	[tilespmem:s30+$0xFFFFFFF0] =	vst v0;
	v2 =	vld [tilespmem:s31+$0xFFFFFF40]  }
0x153: {  	v0 =	vld [tilespmem:s10+$0x0]  }
0x154: {  	v6 =	vld.idx.msk [tilespmem:v6+s4+$0x0], $0xffff;
	[tilespmem:s0+$0xFFFFFE30] =	vst v1  }
0x155: {  	[tilespmem:s30+$0xFFFFFEF0] =	vst v3;
	v1 =	vld [tilespmem:s31+$0xFFFFFE40]  }
0x156: {  	v3 =	vld.idx.msk [tilespmem:v5+s4+$0x0], $0xffff;
	[tilespmem:s30+$0xFFFFFE70] =	vst v4  }
0x157: {  	v4 =	vld [tilespmem:s10+$0xFFFFFE80]  }
0x158: {  	v9 =	vld [tilespmem:s10+$0xFFFFFF00]  }
0x159: {  	v5 =	vld.idx.msk [tilespmem:v7+s4+$0x0], $0xffff  }
0x15a: {  	v2 =	vld.idx.msk [tilespmem:v2+s4+$0x0], $0xffff  }
0x15b: {  	[tilespmem:s30+$0xFFFFFF70] =	vst v6;
	v8 =	vld.idx.msk [tilespmem:v0+s4+$0x0], $0xffff  }
0x15c: {  	v0 =	vld [tilespmem:s10+$0xFFFFFF80]  }
0x15d: {  	[tilespmem:s0+$0xFFFFFFC0] =	vst v3;
	v6 =	vld.idx.msk [tilespmem:v1+s4+$0x0], $0xffff  }
0x15e: {  	[tilespmem:s0+$0xFFFFFEC0] =	vst v5;
	v5 =	vld [tilespmem:s31+$0xFFFFFFD0]  }
0x15f: {  	v1 =	vld.idx.msk [tilespmem:v4+s4+$0x0], $0xffff  }
0x160: {  	[tilespmem:s0+$0xFFFFFF40] =	vst v2;
	v2 =	vld.idx.msk [tilespmem:v9+s4+$0x0], $0xffff  }
0x161: {  	v3 =	vld [tilespmem:s31+$0xFFFFFED0]  }
0x162: {  	s1 =	simm.s32 $0x1BD70;
	s7 =	simm.s32 $0x4;
	s10 =	simm.s32 $0x16E70;
	v4 =	vld [tilespmem:s31+$0xFFFFFF50];
	[tilespmem:s30+$0x0] =	vst v8  }
.LBB2_5:
0x163: {  	v7 =	vld [tilespmem:s10+$0xFFFFFF90];
	s7 =	sadd.s32 $0x4, s7;
	[tilespmem:s0+$0xFFFFFE40] =	vst v6  }
0x164: {  	v6 =	vld [tilespmem:s10+$0xFFFFFE90];
	p0 =	slt.u32 s7, $0x4C;
	[tilespmem:s30+$0xFFFFFE80] =	vst v1  }
0x165: {  	v1 =	vld [tilespmem:s10+$0xFFFFFF10]  }
0x166: {  	v8 =	vld [tilespmem:s10+$0xFFFFFE10]  }
0x167: {  	v5 =	vld.idx.msk [tilespmem:v5+s4+$0x0], $0xffff  }
0x168: {  	v9 =	vld [tilespmem:s31+$0xFFFFFE50];
	[tilespmem:s30+$0xFFFFFF00] =	vst v2  }
0x169: {  	v2 =	vld.idx.msk [tilespmem:v3+s4+$0x0], $0xffff  }
0x16a: {  	v3 =	vld.idx.msk [tilespmem:v4+s4+$0x0], $0xffff  }
0x16b: {  	v4 =	vld.idx.msk [tilespmem:v7+s4+$0x0], $0xffff  }
0x16c: {  	v6 =	vld.idx.msk [tilespmem:v6+s4+$0x0], $0xffff  }
0x16d: {  	v1 =	vld.idx.msk [tilespmem:v1+s4+$0x0], $0xffff;
	[tilespmem:s0+$0xFFFFFFD0] =	vst v5  }
0x16e: {  	v5 =	vld [tilespmem:s31+$0xFFFFFFE0]  }
0x16f: {  	v7 =	vld.idx.msk [tilespmem:v8+s4+$0x0], $0xffff;
	[tilespmem:s0+$0xFFFFFED0] =	vst v2  }
0x170: {  	s0 =	sadd.s32 $0x200, s0;
	v2 =	vld.idx.msk [tilespmem:v9+s4+$0x0], $0xffff;
	[tilespmem:s1+$0xFFFFFF50] =	vst v3  }
0x171: {  	[tilespmem:s0+$0xFFFFFF90] =	vst v4;
	v3 =	vld [tilespmem:s31+$0xFFFFFEE0]  }
0x172: {  	[tilespmem:s0+$0xFFFFFE90] =	vst v6;
	v4 =	vld [tilespmem:s10+$0xFFFFFFA0]  }
0x173: {  	v6 =	vld [tilespmem:s10+$0xFFFFFEA0];
	[tilespmem:s0+$0xFFFFFF10] =	vst v1  }
0x174: {  	v1 =	vld [tilespmem:s10+$0xFFFFFF20]  }
0x175: {  	[tilespmem:s0+$0xFFFFFE10] =	vst v7;
	v7 =	vld [tilespmem:s31+$0xFFFFFF60]  }
0x176: {  	[tilespmem:s1+$0xFFFFFE50] =	vst v2;
	v2 =	vld.idx.msk [tilespmem:v5+s4+$0x0], $0xffff  }
0x177: {  	v5 =	vld [tilespmem:s10+$0xFFFFFE20]  }
0x178: {  	v8 =	vld [tilespmem:s31+$0xFFFFFE60]  }
0x179: {  	v3 =	vld.idx.msk [tilespmem:v3+s4+$0x0], $0xffff  }
0x17a: {  	v4 =	vld.idx.msk [tilespmem:v4+s4+$0x0], $0xffff  }
0x17b: {  	v6 =	vld.idx.msk [tilespmem:v6+s4+$0x0], $0xffff  }
0x17c: {  	v1 =	vld.idx.msk [tilespmem:v1+s4+$0x0], $0xffff;
	[tilespmem:s1+$0xFFFFFFE0] =	vst v2  }
0x17d: {  	v2 =	vld [tilespmem:s31+$0xFFFFFFF0]  }
0x17e: {  	v7 =	vld.idx.msk [tilespmem:v7+s4+$0x0], $0xffff  }
0x17f: {  	v5 =	vld.idx.msk [tilespmem:v5+s4+$0x0], $0xffff;
	[tilespmem:s1+$0xFFFFFEE0] =	vst v3  }
0x180: {  	[tilespmem:s0+$0xFFFFFFA0] =	vst v4;
	v3 =	vld.idx.msk [tilespmem:v8+s4+$0x0], $0xffff  }
0x181: {  	[tilespmem:s0+$0xFFFFFEA0] =	vst v6;
	v4 =	vld [tilespmem:s10+$0xFFFFFFB0]  }
0x182: {  	v6 =	vld [tilespmem:s10+$0xFFFFFEB0];
	[tilespmem:s0+$0xFFFFFF20] =	vst v1  }
0x183: {  	v1 =	vld [tilespmem:s10+$0xFFFFFF30]  }
0x184: {  	v8 =	vld [tilespmem:s31+$0xFFFFFEF0];
	[tilespmem:s1+$0xFFFFFF60] =	vst v7  }
0x185: {  	[tilespmem:s0+$0xFFFFFE20] =	vst v5;
	v2 =	vld.idx.msk [tilespmem:v2+s4+$0x0], $0xffff  }
0x186: {  	v5 =	vld [tilespmem:s10+$0xFFFFFE30];
	[tilespmem:s1+$0xFFFFFE60] =	vst v3  }
0x187: {  	v3 =	vld [tilespmem:s31+$0xFFFFFE70]  }
0x188: {  	v7 =	vld [tilespmem:s31+$0xFFFFFF70]  }
0x189: {  	v4 =	vld.idx.msk [tilespmem:v4+s4+$0x0], $0xffff  }
0x18a: {  	v6 =	vld.idx.msk [tilespmem:v6+s4+$0x0], $0xffff  }
0x18b: {  	v1 =	vld.idx.msk [tilespmem:v1+s4+$0x0], $0xffff;
	[tilespmem:s1+$0xFFFFFFF0] =	vst v2  }
0x18c: {  	v2 =	vld [tilespmem:s31+$0x0]  }
0x18d: {  	v8 =	vld.idx.msk [tilespmem:v8+s4+$0x0], $0xffff  }
0x18e: {  	v5 =	vld.idx.msk [tilespmem:v5+s4+$0x0], $0xffff  }
0x18f: {  	[tilespmem:s0+$0xFFFFFFB0] =	vst v4;
	v3 =	vld.idx.msk [tilespmem:v3+s4+$0x0], $0xffff  }
0x190: {  	[tilespmem:s0+$0xFFFFFEB0] =	vst v6;
	v4 =	vld [tilespmem:s10+$0xFFFFFFC0]  }
0x191: {  	v6 =	vld [tilespmem:s10+$0xFFFFFEC0];
	[tilespmem:s0+$0xFFFFFF30] =	vst v1  }
0x192: {  	v1 =	vld [tilespmem:s10+$0xFFFFFF40]  }
0x193: {  	[tilespmem:s1+$0xFFFFFEF0] =	vst v8;
	v7 =	vld.idx.msk [tilespmem:v7+s4+$0x0], $0xffff  }
0x194: {  	[tilespmem:s0+$0xFFFFFE30] =	vst v5;
	v2 =	vld.idx.msk [tilespmem:v2+s4+$0x0], $0xffff  }
0x195: {  	v5 =	vld [tilespmem:s10+$0xFFFFFE40];
	[tilespmem:s1+$0xFFFFFE70] =	vst v3  }
0x196: {  	v3 =	vld [tilespmem:s31+$0xFFFFFE80]  }
0x197: {  	v8 =	vld [tilespmem:s31+$0xFFFFFF00]  }
0x198: {  	v4 =	vld.idx.msk [tilespmem:v4+s4+$0x0], $0xffff  }
0x199: {  	v9 =	vld.idx.msk [tilespmem:v6+s4+$0x0], $0xffff;
	[tilespmem:s1+$0xFFFFFF70] =	vst v7  }
0x19a: {  	v7 =	vld.idx.msk [tilespmem:v1+s4+$0x0], $0xffff;
	[tilespmem:s1+$0x0] =	vst v2  }
0x19b: {  	v2 =	vld [tilespmem:s31+$0xFFFFFF80];
	s31 =	smov.u32 s10  }
0x19c: {  	v10 =	vld.idx.msk [tilespmem:v0+s4+$0x0], $0xffff  }
0x19d: {  	v6 =	vld.idx.msk [tilespmem:v5+s4+$0x0], $0xffff  }
.Ltmp1:
0x19e: {  	[tilespmem:s0+$0xFFFFFFC0] =	vst v4;
	v1 =	vld.idx.msk [tilespmem:v3+s4+$0x0], $0xffff;
	(pc) =	sbr.rel @p0 .LBB2_5-.Ltmp1, $4  }
0x19f: {  	[tilespmem:s0+$0xFFFFFEC0] =	vst v9;
	v5 =	vld [tilespmem:s10+$0xFFFFFFD0]  }
0x1a0: {  	v3 =	vld [tilespmem:s10+$0xFFFFFED0];
	[tilespmem:s0+$0xFFFFFF40] =	vst v7;
	v0 =	vmov v2  }
0x1a1: {  	v4 =	vld [tilespmem:s10+$0xFFFFFF50]  }
0x1a2: {  	s10 =	sadd.s32 $0x200, s10;
	v2 =	vld.idx.msk [tilespmem:v8+s4+$0x0], $0xffff;
	[tilespmem:s30+$0xFFFFFF80] =	vst v10;
	s30 =	smov.u32 s1;
	s1 =	smov.u32 s0  }
0x1a3: {  	[tilespmem:s0+$0xFFFFFE40] =	vst v6  }
0x1a4: {  	v6 =	vld [tilespmem:s31+$0xFFFFFE50];
	_ =	sdelay $0x4  }
0x1a5: {  	v5 =	vld.idx.msk [tilespmem:v5+s4+$0x0], $0xffff  }
0x1a6: {  	v3 =	vld.idx.msk [tilespmem:v3+s4+$0x0], $0xffff  }
0x1a7: {  	v4 =	vld.idx.msk [tilespmem:v4+s4+$0x0], $0xffff  }
0x1a8: {  	v6 =	vld.idx.msk [tilespmem:v6+s4+$0x0], $0xffff;
	_ =	sdelay $0x1  }
0x1a9: {  	[tilespmem:s0+$0xFFFFFFD0] =	vst v5  }
0x1aa: {  	v5 =	vld [tilespmem:s31+$0xFFFFFFE0];
	[tilespmem:s0+$0xFFFFFED0] =	vst v3  }
0x1ab: {  	[tilespmem:s1+$0xFFFFFF50] =	vst v4;
	v4 =	vld [tilespmem:s31+$0xFFFFFEE0]  }
0x1ac: {  	[tilespmem:s1+$0xFFFFFE50] =	vst v6;
	v6 =	vld [tilespmem:s31+$0xFFFFFF60]  }
0x1ad: {  	v3 =	vld [tilespmem:s31+$0xFFFFFE60];
	_ =	sdelay $0x4  }
0x1ae: {  	v5 =	vld.idx.msk [tilespmem:v5+s4+$0x0], $0xffff  }
0x1af: {  	v4 =	vld.idx.msk [tilespmem:v4+s4+$0x0], $0xffff  }
0x1b0: {  	v6 =	vld.idx.msk [tilespmem:v6+s4+$0x0], $0xffff  }
0x1b1: {  	v3 =	vld.idx.msk [tilespmem:v3+s4+$0x0], $0xffff;
	_ =	sdelay $0x1  }
0x1b2: {  	[tilespmem:s1+$0xFFFFFFE0] =	vst v5  }
0x1b3: {  	v5 =	vld [tilespmem:s31+$0xFFFFFFF0];
	[tilespmem:s1+$0xFFFFFEE0] =	vst v4  }
0x1b4: {  	v4 =	vld [tilespmem:s31+$0xFFFFFEF0];
	[tilespmem:s1+$0xFFFFFF60] =	vst v6  }
0x1b5: {  	[tilespmem:s1+$0xFFFFFE60] =	vst v3;
	v6 =	vld [tilespmem:s31+$0xFFFFFF70]  }
0x1b6: {  	v3 =	vld [tilespmem:s31+$0xFFFFFE70];
	_ =	sdelay $0x4  }
0x1b7: {  	v5 =	vld.idx.msk [tilespmem:v5+s4+$0x0], $0xffff  }
0x1b8: {  	v4 =	vld.idx.msk [tilespmem:v4+s4+$0x0], $0xffff  }
0x1b9: {  	v6 =	vld.idx.msk [tilespmem:v6+s4+$0x0], $0xffff  }
0x1ba: {  	v3 =	vld.idx.msk [tilespmem:v3+s4+$0x0], $0xffff;
	_ =	sdelay $0x1  }
0x1bb: {  	[tilespmem:s1+$0xFFFFFFF0] =	vst v5  }
0x1bc: {  	v5 =	vld [tilespmem:s31+$0x0];
	[tilespmem:s1+$0xFFFFFEF0] =	vst v4  }
0x1bd: {  	v4 =	vld [tilespmem:s31+$0xFFFFFF00];
	[tilespmem:s1+$0xFFFFFF70] =	vst v6  }
0x1be: {  	[tilespmem:s1+$0xFFFFFE70] =	vst v3;
	v6 =	vld [tilespmem:s31+$0xFFFFFF80]  }
0x1bf: {  	v3 =	vld [tilespmem:s31+$0xFFFFFE80];
	_ =	sdelay $0x3  }
0x1c0: {  	v0 =	vld.idx.msk [tilespmem:v0+s4+$0x0], $0xffff  }
0x1c1: {  	v5 =	vld.idx.msk [tilespmem:v5+s4+$0x0], $0xffff  }
0x1c2: {  	[tilespmem:s30+$0xFFFFFE80] =	vst v1;
	v1 =	vld.idx.msk [tilespmem:v4+s4+$0x0], $0xffff  }
0x1c3: {  	[tilespmem:s30+$0xFFFFFF00] =	vst v2;
	v2 =	vld.idx.msk [tilespmem:v6+s4+$0x0], $0xffff  }
0x1c4: {  	v3 =	vld.idx.msk [tilespmem:v3+s4+$0x0], $0xffff  }
0x1c5: {  	[tilespmem:s30+$0xFFFFFF80] =	vst v0  }
0x1c6: {  	[tilespmem:s1+$0x0] =	vst v5  }
0x1c7: {  	[tilespmem:s1+$0xFFFFFF00] =	vst v1  }
0x1c8: {  	[tilespmem:s1+$0xFFFFFF80] =	vst v2  }
0x1c9: {  	s7 =	sadd.s32 $0x2800, s26;
	[tilespmem:s1+$0xFFFFFE80] =	vst v3  }
0x1ca: {  	[hbm4b:s7+s11] =	stream.strided.scatter [tilespmem:s18], [sflag:$0x4], $0x2800, s12, s11, $0x38;
	[tilespmem:$0x1E200] =	vst v63  }
0x1cb: {  	s10 =	sadd.s32 $0xF00, s29  }
0x1cc: {  	[tilespmem:s14], [sflag:$0x2] =	stream.linear.gather [hbm4b:s10+s4], $0x2880, $0x38;
	[tilespmem:$0x1E200] =	vst v63  }
0x1cd: {  	_ =	swait.ge [sflag:s15], $0x2800  }
0x1ce: {  	[sflag:s15] =	ssyncset.done $0x0  }
0x1cf: {  	[sflag:s15] =	ssyncadd.s32 $0xFFFFD800  }
0x1d0: {  	_ =	swait.ge [sflag:s19], $0x2800  }
0x1d1: {  	[sflag:s19] =	ssyncset.done $0x0  }
0x1d2: {  	s31 =	simm.s32 $0x14100;
	[sflag:s19] =	ssyncadd.s32 $0xFFFFD800  }
0x1d3: {  	v0 =	vld [tilespmem:s31+$0x80]  }
0x1d4: {  	v1 =	vld [tilespmem:s31+$0xFFFFFF80]  }
0x1d5: {  	v2 =	vld [tilespmem:s31+$0x0];
	_ =	sdelay $0x2  }
0x1d6: {  	v3 =	vld [tilespmem:s31+$0xFFFFFF00];
	_ =	sdelay $0x2  }
0x1d7: {  	v0 =	vld.idx.msk [tilespmem:v0+s4+$0x0], $0xffff  }
0x1d8: {  	v1 =	vld.idx.msk [tilespmem:v1+s4+$0x0], $0xffff  }
0x1d9: {  	v2 =	vld.idx.msk [tilespmem:v2+s4+$0x0], $0xffff;
	_ =	sdelay $0x1  }
0x1da: {  	s29 =	simm.s32 $0x19200  }
0x1db: {  	v3 =	vld.idx.msk [tilespmem:v3+s4+$0x0], $0xffff;
	[tilespmem:s29+$0x80] =	vst v0  }
0x1dc: {  	[tilespmem:s29+$0xFFFFFF80] =	vst v1;
	v0 =	vld [tilespmem:s31+$0x90]  }
0x1dd: {  	[tilespmem:s29+$0x0] =	vst v2;
	v1 =	vld [tilespmem:s31+$0xFFFFFF90]  }
0x1de: {  	v2 =	vld [tilespmem:s31+$0x10];
	_ =	sdelay $0x1  }
0x1df: {  	[tilespmem:s29+$0xFFFFFF00] =	vst v3  }
0x1e0: {  	v3 =	vld [tilespmem:s31+$0xFFFFFF10];
	_ =	sdelay $0x2  }
0x1e1: {  	v0 =	vld.idx.msk [tilespmem:v0+s4+$0x0], $0xffff  }
0x1e2: {  	v1 =	vld.idx.msk [tilespmem:v1+s4+$0x0], $0xffff  }
0x1e3: {  	v2 =	vld.idx.msk [tilespmem:v2+s4+$0x0], $0xffff;
	_ =	sdelay $0x2  }
0x1e4: {  	v3 =	vld.idx.msk [tilespmem:v3+s4+$0x0], $0xffff;
	[tilespmem:s29+$0x90] =	vst v0  }
0x1e5: {  	[tilespmem:s29+$0xFFFFFF90] =	vst v1;
	v0 =	vld [tilespmem:s31+$0xA0]  }
0x1e6: {  	[tilespmem:s29+$0x10] =	vst v2;
	v1 =	vld [tilespmem:s31+$0xFFFFFFA0]  }
0x1e7: {  	v2 =	vld [tilespmem:s31+$0x20];
	_ =	sdelay $0x1  }
0x1e8: {  	[tilespmem:s29+$0xFFFFFF10] =	vst v3  }
0x1e9: {  	v3 =	vld [tilespmem:s31+$0xFFFFFF20]  }
0x1ea: {  	s30 =	simm.s32 $0x14300  }
0x1eb: {  	v4 =	vld [tilespmem:s30+$0x80]  }
0x1ec: {  	v0 =	vld.idx.msk [tilespmem:v0+s4+$0x0], $0xffff  }
0x1ed: {  	v1 =	vld.idx.msk [tilespmem:v1+s4+$0x0], $0xffff  }
0x1ee: {  	v2 =	vld.idx.msk [tilespmem:v2+s4+$0x0], $0xffff;
	_ =	sdelay $0x1  }
0x1ef: {  	v5 =	vld [tilespmem:s30+$0xFFFFFF80]  }
0x1f0: {  	v3 =	vld.idx.msk [tilespmem:v3+s4+$0x0], $0xffff;
	[tilespmem:s29+$0xA0] =	vst v0  }
0x1f1: {  	[tilespmem:s29+$0xFFFFFFA0] =	vst v1;
	v0 =	vld [tilespmem:s31+$0xB0]  }
0x1f2: {  	[tilespmem:s29+$0x20] =	vst v2;
	v1 =	vld [tilespmem:s31+$0xFFFFFFB0]  }
0x1f3: {  	v2 =	vld [tilespmem:s31+$0x30];
	_ =	sdelay $0x1  }
0x1f4: {  	v4 =	vld.idx.msk [tilespmem:v4+s4+$0x0], $0xffff;
	[tilespmem:s29+$0xFFFFFF20] =	vst v3  }
0x1f5: {  	v3 =	vld [tilespmem:s31+$0xFFFFFF30]  }
0x1f6: {  	v5 =	vld.idx.msk [tilespmem:v5+s4+$0x0], $0xffff  }
0x1f7: {  	v6 =	vld [tilespmem:s30+$0x0]  }
0x1f8: {  	v0 =	vld.idx.msk [tilespmem:v0+s4+$0x0], $0xffff  }
0x1f9: {  	s0 =	simm.s32 $0x19400;
	v1 =	vld.idx.msk [tilespmem:v1+s4+$0x0], $0xffff  }
0x1fa: {  	[tilespmem:s0+$0x80] =	vst v4;
	v2 =	vld.idx.msk [tilespmem:v2+s4+$0x0], $0xffff  }
0x1fb: {  	[tilespmem:s0+$0xFFFFFF80] =	vst v5;
	v4 =	vld [tilespmem:s30+$0x90]  }
0x1fc: {  	v5 =	vld [tilespmem:s30+$0xFFFFFF90]  }
0x1fd: {  	v3 =	vld.idx.msk [tilespmem:v3+s4+$0x0], $0xffff;
	[tilespmem:s29+$0xB0] =	vst v0  }
0x1fe: {  	[tilespmem:s29+$0xFFFFFFB0] =	vst v1;
	v0 =	vld [tilespmem:s31+$0xC0]  }
0x1ff: {  	[tilespmem:s29+$0x30] =	vst v2;
	v1 =	vld [tilespmem:s31+$0xFFFFFFC0]  }
0x200: {  	v2 =	vld [tilespmem:s31+$0x40]  }
0x201: {  	v7 =	vld [tilespmem:s30+$0xFFFFFF00]  }
0x202: {  	v6 =	vld.idx.msk [tilespmem:v6+s4+$0x0], $0xffff  }
0x203: {  	v4 =	vld.idx.msk [tilespmem:v4+s4+$0x0], $0xffff;
	[tilespmem:s29+$0xFFFFFF30] =	vst v3  }
0x204: {  	v3 =	vld [tilespmem:s31+$0xFFFFFF40]  }
0x205: {  	v5 =	vld.idx.msk [tilespmem:v5+s4+$0x0], $0xffff  }
0x206: {  	v0 =	vld.idx.msk [tilespmem:v0+s4+$0x0], $0xffff  }
0x207: {  	v1 =	vld.idx.msk [tilespmem:v1+s4+$0x0], $0xffff  }
0x208: {  	[tilespmem:s0+$0x0] =	vst v6;
	v2 =	vld.idx.msk [tilespmem:v2+s4+$0x0], $0xffff  }
0x209: {  	[tilespmem:s0+$0x90] =	vst v4  }
0x20a: {  	v7 =	vld.idx.msk [tilespmem:v7+s4+$0x0], $0xffff;
	[tilespmem:s0+$0xFFFFFF90] =	vst v5  }
0x20b: {  	v5 =	vld [tilespmem:s30+$0xA0];
	[tilespmem:s29+$0xC0] =	vst v0  }
0x20c: {  	[tilespmem:s29+$0xFFFFFFC0] =	vst v1;
	v1 =	vld.idx.msk [tilespmem:v3+s4+$0x0], $0xffff  }
0x20d: {  	[tilespmem:s29+$0x40] =	vst v2;
	v2 =	vld [tilespmem:s30+$0x10]  }
0x20e: {  	v0 =	vld [tilespmem:s31+$0xD0]  }
0x20f: {  	v3 =	vld [tilespmem:s31+$0xFFFFFFD0]  }
0x210: {  	[tilespmem:s0+$0xFFFFFF00] =	vst v7;
	v6 =	vld [tilespmem:s31+$0x50]  }
0x211: {  	[tilespmem:s29+$0xFFFFFF40] =	vst v1;
	v1 =	vld [tilespmem:s30+$0xFFFFFF10]  }
0x212: {  	v7 =	vld [tilespmem:s31+$0xFFFFFF50];
	_ =	sdelay $0x1  }
0x213: {  	v5 =	vld.idx.msk [tilespmem:v5+s4+$0x0], $0xffff  }
0x214: {  	v2 =	vld.idx.msk [tilespmem:v2+s4+$0x0], $0xffff  }
0x215: {  	v0 =	vld.idx.msk [tilespmem:v0+s4+$0x0], $0xffff  }
0x216: {  	v3 =	vld.idx.msk [tilespmem:v3+s4+$0x0], $0xffff  }
0x217: {  	v6 =	vld.idx.msk [tilespmem:v6+s4+$0x0], $0xffff  }
0x218: {  	v1 =	vld.idx.msk [tilespmem:v1+s4+$0x0], $0xffff  }
0x219: {  	v4 =	vld.idx.msk [tilespmem:v7+s4+$0x0], $0xffff  }
0x21a: {  	[tilespmem:s0+$0x10] =	vst v2;
	v7 =	vld [tilespmem:s30+$0xFFFFFFA0]  }
0x21b: {  	[tilespmem:s29+$0xD0] =	vst v0;
	v2 =	vld [tilespmem:s30+$0x20]  }
0x21c: {  	[tilespmem:s29+$0xFFFFFFD0] =	vst v3;
	v0 =	vld [tilespmem:s31+$0xE0]  }
0x21d: {  	v3 =	vld [tilespmem:s31+$0xFFFFFFE0];
	[tilespmem:s0+$0xFFFFFF10] =	vst v1  }
0x21e: {  	v1 =	vld [tilespmem:s30+$0xFFFFFF20];
	[tilespmem:s29+$0xFFFFFF50] =	vst v4  }
0x21f: {  	[tilespmem:s0+$0xA0] =	vst v5;
	v4 =	vld [tilespmem:s31+$0xFFFFFF60]  }
0x220: {  	v5 =	vld [tilespmem:s30+$0xB0];
	[tilespmem:s29+$0x50] =	vst v6  }
0x221: {  	v6 =	vld [tilespmem:s31+$0x60]  }
0x222: {  	v7 =	vld.idx.msk [tilespmem:v7+s4+$0x0], $0xffff  }
0x223: {  	v2 =	vld.idx.msk [tilespmem:v2+s4+$0x0], $0xffff  }
0x224: {  	v0 =	vld.idx.msk [tilespmem:v0+s4+$0x0], $0xffff  }
0x225: {  	v3 =	vld.idx.msk [tilespmem:v3+s4+$0x0], $0xffff  }
0x226: {  	v1 =	vld.idx.msk [tilespmem:v1+s4+$0x0], $0xffff  }
0x227: {  	[tilespmem:s0+$0xFFFFFFA0] =	vst v7;
	v4 =	vld.idx.msk [tilespmem:v4+s4+$0x0], $0xffff  }
0x228: {  	[tilespmem:s0+$0x20] =	vst v2;
	v7 =	vld [tilespmem:s30+$0xFFFFFFB0]  }
0x229: {  	[tilespmem:s29+$0xE0] =	vst v0;
	v2 =	vld [tilespmem:s30+$0x30]  }
0x22a: {  	v0 =	vld [tilespmem:s31+$0xF0]  }
0x22b: {  	v6 =	vld.idx.msk [tilespmem:v6+s4+$0x0], $0xffff;
	[tilespmem:s0+$0xFFFFFF20] =	vst v1  }
0x22c: {  	[tilespmem:s29+$0xFFFFFFE0] =	vst v3;
	v1 =	vld [tilespmem:s30+$0xFFFFFF30]  }
0x22d: {  	v3 =	vld.idx.msk [tilespmem:v5+s4+$0x0], $0xffff;
	[tilespmem:s29+$0xFFFFFF60] =	vst v4  }
0x22e: {  	v4 =	vld [tilespmem:s31+$0xFFFFFF70]  }
0x22f: {  	v9 =	vld [tilespmem:s31+$0xFFFFFFF0]  }
0x230: {  	v5 =	vld.idx.msk [tilespmem:v7+s4+$0x0], $0xffff  }
0x231: {  	v2 =	vld.idx.msk [tilespmem:v2+s4+$0x0], $0xffff  }
0x232: {  	[tilespmem:s29+$0x60] =	vst v6;
	v8 =	vld.idx.msk [tilespmem:v0+s4+$0x0], $0xffff  }
0x233: {  	v0 =	vld [tilespmem:s31+$0x70]  }
0x234: {  	[tilespmem:s0+$0xB0] =	vst v3;
	v6 =	vld.idx.msk [tilespmem:v1+s4+$0x0], $0xffff  }
0x235: {  	[tilespmem:s0+$0xFFFFFFB0] =	vst v5;
	v5 =	vld [tilespmem:s30+$0xC0]  }
0x236: {  	v1 =	vld.idx.msk [tilespmem:v4+s4+$0x0], $0xffff  }
0x237: {  	[tilespmem:s0+$0x30] =	vst v2;
	v2 =	vld.idx.msk [tilespmem:v9+s4+$0x0], $0xffff  }
0x238: {  	v3 =	vld [tilespmem:s30+$0xFFFFFFC0]  }
0x239: {  	s1 =	simm.s32 $0x19400;
	s7 =	simm.s32 $0x4;
	s10 =	simm.s32 $0x14500;
	v4 =	vld [tilespmem:s30+$0x40];
	[tilespmem:s29+$0xF0] =	vst v8  }
.LBB2_7:
0x23a: {  	v7 =	vld [tilespmem:s10+$0x80];
	s7 =	sadd.s32 $0x4, s7;
	[tilespmem:s0+$0xFFFFFF30] =	vst v6  }
0x23b: {  	v6 =	vld [tilespmem:s10+$0xFFFFFF80];
	p0 =	slt.u32 s7, $0x4C;
	[tilespmem:s29+$0xFFFFFF70] =	vst v1  }
0x23c: {  	v1 =	vld [tilespmem:s10+$0x0]  }
0x23d: {  	v8 =	vld [tilespmem:s10+$0xFFFFFF00]  }
0x23e: {  	v5 =	vld.idx.msk [tilespmem:v5+s4+$0x0], $0xffff  }
0x23f: {  	v9 =	vld [tilespmem:s30+$0xFFFFFF40];
	[tilespmem:s29+$0xFFFFFFF0] =	vst v2  }
0x240: {  	v2 =	vld.idx.msk [tilespmem:v3+s4+$0x0], $0xffff  }
0x241: {  	v3 =	vld.idx.msk [tilespmem:v4+s4+$0x0], $0xffff  }
0x242: {  	v4 =	vld.idx.msk [tilespmem:v7+s4+$0x0], $0xffff  }
0x243: {  	v6 =	vld.idx.msk [tilespmem:v6+s4+$0x0], $0xffff  }
0x244: {  	v1 =	vld.idx.msk [tilespmem:v1+s4+$0x0], $0xffff;
	[tilespmem:s0+$0xC0] =	vst v5  }
0x245: {  	v5 =	vld [tilespmem:s30+$0xD0]  }
0x246: {  	v7 =	vld.idx.msk [tilespmem:v8+s4+$0x0], $0xffff;
	[tilespmem:s0+$0xFFFFFFC0] =	vst v2  }
0x247: {  	s0 =	sadd.s32 $0x200, s0;
	v2 =	vld.idx.msk [tilespmem:v9+s4+$0x0], $0xffff;
	[tilespmem:s1+$0x40] =	vst v3  }
0x248: {  	[tilespmem:s0+$0x80] =	vst v4;
	v3 =	vld [tilespmem:s30+$0xFFFFFFD0]  }
0x249: {  	[tilespmem:s0+$0xFFFFFF80] =	vst v6;
	v4 =	vld [tilespmem:s10+$0x90]  }
0x24a: {  	v6 =	vld [tilespmem:s10+$0xFFFFFF90];
	[tilespmem:s0+$0x0] =	vst v1  }
0x24b: {  	v1 =	vld [tilespmem:s10+$0x10]  }
0x24c: {  	[tilespmem:s0+$0xFFFFFF00] =	vst v7;
	v7 =	vld [tilespmem:s30+$0x50]  }
0x24d: {  	[tilespmem:s1+$0xFFFFFF40] =	vst v2;
	v2 =	vld.idx.msk [tilespmem:v5+s4+$0x0], $0xffff  }
0x24e: {  	v5 =	vld [tilespmem:s10+$0xFFFFFF10]  }
0x24f: {  	v8 =	vld [tilespmem:s30+$0xFFFFFF50]  }
0x250: {  	v3 =	vld.idx.msk [tilespmem:v3+s4+$0x0], $0xffff  }
0x251: {  	v4 =	vld.idx.msk [tilespmem:v4+s4+$0x0], $0xffff  }
0x252: {  	v6 =	vld.idx.msk [tilespmem:v6+s4+$0x0], $0xffff  }
0x253: {  	v1 =	vld.idx.msk [tilespmem:v1+s4+$0x0], $0xffff;
	[tilespmem:s1+$0xD0] =	vst v2  }
0x254: {  	v2 =	vld [tilespmem:s30+$0xE0]  }
0x255: {  	v7 =	vld.idx.msk [tilespmem:v7+s4+$0x0], $0xffff  }
0x256: {  	v5 =	vld.idx.msk [tilespmem:v5+s4+$0x0], $0xffff;
	[tilespmem:s1+$0xFFFFFFD0] =	vst v3  }
0x257: {  	[tilespmem:s0+$0x90] =	vst v4;
	v3 =	vld.idx.msk [tilespmem:v8+s4+$0x0], $0xffff  }
0x258: {  	[tilespmem:s0+$0xFFFFFF90] =	vst v6;
	v4 =	vld [tilespmem:s10+$0xA0]  }
0x259: {  	v6 =	vld [tilespmem:s10+$0xFFFFFFA0];
	[tilespmem:s0+$0x10] =	vst v1  }
0x25a: {  	v1 =	vld [tilespmem:s10+$0x20]  }
0x25b: {  	v8 =	vld [tilespmem:s30+$0xFFFFFFE0];
	[tilespmem:s1+$0x50] =	vst v7  }
0x25c: {  	[tilespmem:s0+$0xFFFFFF10] =	vst v5;
	v2 =	vld.idx.msk [tilespmem:v2+s4+$0x0], $0xffff  }
0x25d: {  	v5 =	vld [tilespmem:s10+$0xFFFFFF20];
	[tilespmem:s1+$0xFFFFFF50] =	vst v3  }
0x25e: {  	v3 =	vld [tilespmem:s30+$0xFFFFFF60]  }
0x25f: {  	v7 =	vld [tilespmem:s30+$0x60]  }
0x260: {  	v4 =	vld.idx.msk [tilespmem:v4+s4+$0x0], $0xffff  }
0x261: {  	v6 =	vld.idx.msk [tilespmem:v6+s4+$0x0], $0xffff  }
0x262: {  	v1 =	vld.idx.msk [tilespmem:v1+s4+$0x0], $0xffff;
	[tilespmem:s1+$0xE0] =	vst v2  }
0x263: {  	v2 =	vld [tilespmem:s30+$0xF0]  }
0x264: {  	v8 =	vld.idx.msk [tilespmem:v8+s4+$0x0], $0xffff  }
0x265: {  	v5 =	vld.idx.msk [tilespmem:v5+s4+$0x0], $0xffff  }
0x266: {  	[tilespmem:s0+$0xA0] =	vst v4;
	v3 =	vld.idx.msk [tilespmem:v3+s4+$0x0], $0xffff  }
0x267: {  	[tilespmem:s0+$0xFFFFFFA0] =	vst v6;
	v4 =	vld [tilespmem:s10+$0xB0]  }
0x268: {  	v6 =	vld [tilespmem:s10+$0xFFFFFFB0];
	[tilespmem:s0+$0x20] =	vst v1  }
0x269: {  	v1 =	vld [tilespmem:s10+$0x30]  }
0x26a: {  	[tilespmem:s1+$0xFFFFFFE0] =	vst v8;
	v7 =	vld.idx.msk [tilespmem:v7+s4+$0x0], $0xffff  }
0x26b: {  	[tilespmem:s0+$0xFFFFFF20] =	vst v5;
	v2 =	vld.idx.msk [tilespmem:v2+s4+$0x0], $0xffff  }
0x26c: {  	v5 =	vld [tilespmem:s10+$0xFFFFFF30];
	[tilespmem:s1+$0xFFFFFF60] =	vst v3  }
0x26d: {  	v3 =	vld [tilespmem:s30+$0xFFFFFF70]  }
0x26e: {  	v8 =	vld [tilespmem:s30+$0xFFFFFFF0]  }
0x26f: {  	v4 =	vld.idx.msk [tilespmem:v4+s4+$0x0], $0xffff  }
0x270: {  	v9 =	vld.idx.msk [tilespmem:v6+s4+$0x0], $0xffff;
	[tilespmem:s1+$0x60] =	vst v7  }
0x271: {  	v7 =	vld.idx.msk [tilespmem:v1+s4+$0x0], $0xffff;
	[tilespmem:s1+$0xF0] =	vst v2  }
0x272: {  	v2 =	vld [tilespmem:s30+$0x70];
	s30 =	smov.u32 s10  }
0x273: {  	v10 =	vld.idx.msk [tilespmem:v0+s4+$0x0], $0xffff  }
0x274: {  	v6 =	vld.idx.msk [tilespmem:v5+s4+$0x0], $0xffff  }
.Ltmp2:
0x275: {  	[tilespmem:s0+$0xB0] =	vst v4;
	v1 =	vld.idx.msk [tilespmem:v3+s4+$0x0], $0xffff;
	(pc) =	sbr.rel @p0 .LBB2_7-.Ltmp2, $4  }
0x276: {  	[tilespmem:s0+$0xFFFFFFB0] =	vst v9;
	v5 =	vld [tilespmem:s10+$0xC0]  }
0x277: {  	v3 =	vld [tilespmem:s10+$0xFFFFFFC0];
	[tilespmem:s0+$0x30] =	vst v7;
	v0 =	vmov v2  }
0x278: {  	v4 =	vld [tilespmem:s10+$0x40]  }
0x279: {  	s10 =	sadd.s32 $0x200, s10;
	v2 =	vld.idx.msk [tilespmem:v8+s4+$0x0], $0xffff;
	[tilespmem:s29+$0x70] =	vst v10;
	s29 =	smov.u32 s1;
	s1 =	smov.u32 s0  }
0x27a: {  	[tilespmem:s0+$0xFFFFFF30] =	vst v6  }
0x27b: {  	v6 =	vld [tilespmem:s30+$0xFFFFFF40];
	_ =	sdelay $0x4  }
0x27c: {  	v5 =	vld.idx.msk [tilespmem:v5+s4+$0x0], $0xffff  }
0x27d: {  	v3 =	vld.idx.msk [tilespmem:v3+s4+$0x0], $0xffff  }
0x27e: {  	v4 =	vld.idx.msk [tilespmem:v4+s4+$0x0], $0xffff  }
0x27f: {  	v6 =	vld.idx.msk [tilespmem:v6+s4+$0x0], $0xffff;
	_ =	sdelay $0x1  }
0x280: {  	[tilespmem:s0+$0xC0] =	vst v5  }
0x281: {  	v5 =	vld [tilespmem:s30+$0xD0];
	[tilespmem:s0+$0xFFFFFFC0] =	vst v3  }
0x282: {  	[tilespmem:s1+$0x40] =	vst v4;
	v4 =	vld [tilespmem:s30+$0xFFFFFFD0]  }
0x283: {  	[tilespmem:s1+$0xFFFFFF40] =	vst v6;
	v6 =	vld [tilespmem:s30+$0x50]  }
0x284: {  	v3 =	vld [tilespmem:s30+$0xFFFFFF50];
	_ =	sdelay $0x4  }
0x285: {  	v5 =	vld.idx.msk [tilespmem:v5+s4+$0x0], $0xffff  }
0x286: {  	v4 =	vld.idx.msk [tilespmem:v4+s4+$0x0], $0xffff  }
0x287: {  	v6 =	vld.idx.msk [tilespmem:v6+s4+$0x0], $0xffff  }
0x288: {  	v3 =	vld.idx.msk [tilespmem:v3+s4+$0x0], $0xffff;
	_ =	sdelay $0x1  }
0x289: {  	[tilespmem:s1+$0xD0] =	vst v5  }
0x28a: {  	v5 =	vld [tilespmem:s30+$0xE0];
	[tilespmem:s1+$0xFFFFFFD0] =	vst v4  }
0x28b: {  	v4 =	vld [tilespmem:s30+$0xFFFFFFE0];
	[tilespmem:s1+$0x50] =	vst v6  }
0x28c: {  	[tilespmem:s1+$0xFFFFFF50] =	vst v3;
	v6 =	vld [tilespmem:s30+$0x60]  }
0x28d: {  	v3 =	vld [tilespmem:s30+$0xFFFFFF60];
	_ =	sdelay $0x4  }
0x28e: {  	v5 =	vld.idx.msk [tilespmem:v5+s4+$0x0], $0xffff  }
0x28f: {  	v4 =	vld.idx.msk [tilespmem:v4+s4+$0x0], $0xffff  }
0x290: {  	v6 =	vld.idx.msk [tilespmem:v6+s4+$0x0], $0xffff  }
0x291: {  	v3 =	vld.idx.msk [tilespmem:v3+s4+$0x0], $0xffff;
	_ =	sdelay $0x1  }
0x292: {  	[tilespmem:s1+$0xE0] =	vst v5  }
0x293: {  	v5 =	vld [tilespmem:s30+$0xF0];
	[tilespmem:s1+$0xFFFFFFE0] =	vst v4  }
0x294: {  	v4 =	vld [tilespmem:s30+$0xFFFFFFF0];
	[tilespmem:s1+$0x60] =	vst v6  }
0x295: {  	[tilespmem:s1+$0xFFFFFF60] =	vst v3;
	v6 =	vld [tilespmem:s30+$0x70]  }
0x296: {  	v3 =	vld [tilespmem:s30+$0xFFFFFF70];
	_ =	sdelay $0x3  }
0x297: {  	v0 =	vld.idx.msk [tilespmem:v0+s4+$0x0], $0xffff  }
0x298: {  	v5 =	vld.idx.msk [tilespmem:v5+s4+$0x0], $0xffff  }
0x299: {  	[tilespmem:s29+$0xFFFFFF70] =	vst v1;
	v1 =	vld.idx.msk [tilespmem:v4+s4+$0x0], $0xffff  }
0x29a: {  	[tilespmem:s29+$0xFFFFFFF0] =	vst v2;
	v2 =	vld.idx.msk [tilespmem:v6+s4+$0x0], $0xffff  }
0x29b: {  	v3 =	vld.idx.msk [tilespmem:v3+s4+$0x0], $0xffff  }
0x29c: {  	[tilespmem:s29+$0x70] =	vst v0  }
0x29d: {  	[tilespmem:s1+$0xF0] =	vst v5  }
0x29e: {  	[tilespmem:s1+$0xFFFFFFF0] =	vst v1  }
0x29f: {  	p0 =	seq.s32 s22, $0x17;
	[tilespmem:s1+$0x70] =	vst v2  }
0x2a0: {  	s30 =	sadd.s32 $0x5000, s26;
	[tilespmem:s1+$0xFFFFFF70] =	vst v3;
	s1 =	smul.u32 @!p0 $0x1410, s28  }
0x2a1: {  	[hbm4b:s30+s11] =	stream.strided.scatter [tilespmem:s16], [sflag:$0x3], $0x2800, s12, s11, $0x38;
	[tilespmem:$0x1E200] =	vst v63  }
0x2a2: {  	s7 =	simm.s32 @!p0 $0x14000;
	s0 =	sadd.s32 @!p0 s3, s1;
	s1 =	simm.s32 @!p0 $0x0  }
0x2a3: {  	[tilespmem:s7], [sflag:$0x1] =	stream.linear.gather @!p0 [hbm4b:s0+s1], $0x2800, $0x38;
	[tilespmem:$0x1E200] =	vst v63  }
0x2a4: {  	_ =	swait.ge [sflag:s17], $0x2880  }
0x2a5: {  	[sflag:s17] =	ssyncset.done $0x0  }
0x2a6: {  	[sflag:s17] =	ssyncadd.s32 $0xFFFFD780  }
0x2a7: {  	_ =	swait.ge [sflag:s20], $0x2800  }
0x2a8: {  	[sflag:s20] =	ssyncset.done $0x0  }
0x2a9: {  	s31 =	simm.s32 $0x16A70;
	[sflag:s20] =	ssyncadd.s32 $0xFFFFD800  }
0x2aa: {  	v0 =	vld [tilespmem:s31+$0xFFFFFF90]  }
0x2ab: {  	v1 =	vld [tilespmem:s31+$0xFFFFFE90]  }
0x2ac: {  	v2 =	vld [tilespmem:s31+$0xFFFFFF10];
	_ =	sdelay $0x2  }
0x2ad: {  	v3 =	vld [tilespmem:s31+$0xFFFFFE10];
	_ =	sdelay $0x2  }
0x2ae: {  	v0 =	vld.idx.msk [tilespmem:v0+s4+$0x0], $0xffff  }
0x2af: {  	v1 =	vld.idx.msk [tilespmem:v1+s4+$0x0], $0xffff  }
0x2b0: {  	v2 =	vld.idx.msk [tilespmem:v2+s4+$0x0], $0xffff;
	_ =	sdelay $0x1  }
0x2b1: {  	s28 =	simm.s32 $0x1BB70  }
0x2b2: {  	v3 =	vld.idx.msk [tilespmem:v3+s4+$0x0], $0xffff;
	[tilespmem:s28+$0xFFFFFF90] =	vst v0  }
0x2b3: {  	[tilespmem:s28+$0xFFFFFE90] =	vst v1;
	v0 =	vld [tilespmem:s31+$0xFFFFFFA0]  }
0x2b4: {  	[tilespmem:s28+$0xFFFFFF10] =	vst v2;
	v1 =	vld [tilespmem:s31+$0xFFFFFEA0]  }
0x2b5: {  	v2 =	vld [tilespmem:s31+$0xFFFFFF20];
	_ =	sdelay $0x1  }
0x2b6: {  	[tilespmem:s28+$0xFFFFFE10] =	vst v3  }
0x2b7: {  	v3 =	vld [tilespmem:s31+$0xFFFFFE20];
	_ =	sdelay $0x2  }
0x2b8: {  	v0 =	vld.idx.msk [tilespmem:v0+s4+$0x0], $0xffff  }
0x2b9: {  	v1 =	vld.idx.msk [tilespmem:v1+s4+$0x0], $0xffff  }
0x2ba: {  	v2 =	vld.idx.msk [tilespmem:v2+s4+$0x0], $0xffff;
	_ =	sdelay $0x2  }
0x2bb: {  	v3 =	vld.idx.msk [tilespmem:v3+s4+$0x0], $0xffff;
	[tilespmem:s28+$0xFFFFFFA0] =	vst v0  }
0x2bc: {  	[tilespmem:s28+$0xFFFFFEA0] =	vst v1;
	v0 =	vld [tilespmem:s31+$0xFFFFFFB0]  }
0x2bd: {  	[tilespmem:s28+$0xFFFFFF20] =	vst v2;
	v1 =	vld [tilespmem:s31+$0xFFFFFEB0]  }
0x2be: {  	v2 =	vld [tilespmem:s31+$0xFFFFFF30];
	_ =	sdelay $0x1  }
0x2bf: {  	[tilespmem:s28+$0xFFFFFE20] =	vst v3  }
0x2c0: {  	v3 =	vld [tilespmem:s31+$0xFFFFFE30]  }
0x2c1: {  	s29 =	simm.s32 $0x16C70  }
0x2c2: {  	v4 =	vld [tilespmem:s29+$0xFFFFFF90]  }
0x2c3: {  	v0 =	vld.idx.msk [tilespmem:v0+s4+$0x0], $0xffff  }
0x2c4: {  	v1 =	vld.idx.msk [tilespmem:v1+s4+$0x0], $0xffff  }
0x2c5: {  	v2 =	vld.idx.msk [tilespmem:v2+s4+$0x0], $0xffff;
	_ =	sdelay $0x1  }
0x2c6: {  	v5 =	vld [tilespmem:s29+$0xFFFFFE90]  }
0x2c7: {  	v3 =	vld.idx.msk [tilespmem:v3+s4+$0x0], $0xffff;
	[tilespmem:s28+$0xFFFFFFB0] =	vst v0  }
0x2c8: {  	[tilespmem:s28+$0xFFFFFEB0] =	vst v1;
	v0 =	vld [tilespmem:s31+$0xFFFFFFC0]  }
0x2c9: {  	[tilespmem:s28+$0xFFFFFF30] =	vst v2;
	v1 =	vld [tilespmem:s31+$0xFFFFFEC0]  }
0x2ca: {  	v2 =	vld [tilespmem:s31+$0xFFFFFF40];
	_ =	sdelay $0x1  }
0x2cb: {  	v4 =	vld.idx.msk [tilespmem:v4+s4+$0x0], $0xffff;
	[tilespmem:s28+$0xFFFFFE30] =	vst v3  }
0x2cc: {  	v3 =	vld [tilespmem:s31+$0xFFFFFE40]  }
0x2cd: {  	v5 =	vld.idx.msk [tilespmem:v5+s4+$0x0], $0xffff  }
0x2ce: {  	v6 =	vld [tilespmem:s29+$0xFFFFFF10]  }
0x2cf: {  	v0 =	vld.idx.msk [tilespmem:v0+s4+$0x0], $0xffff  }
0x2d0: {  	s0 =	simm.s32 $0x1BD70;
	v1 =	vld.idx.msk [tilespmem:v1+s4+$0x0], $0xffff  }
0x2d1: {  	[tilespmem:s0+$0xFFFFFF90] =	vst v4;
	v2 =	vld.idx.msk [tilespmem:v2+s4+$0x0], $0xffff  }
0x2d2: {  	[tilespmem:s0+$0xFFFFFE90] =	vst v5;
	v4 =	vld [tilespmem:s29+$0xFFFFFFA0]  }
0x2d3: {  	v5 =	vld [tilespmem:s29+$0xFFFFFEA0]  }
0x2d4: {  	v3 =	vld.idx.msk [tilespmem:v3+s4+$0x0], $0xffff;
	[tilespmem:s28+$0xFFFFFFC0] =	vst v0  }
0x2d5: {  	[tilespmem:s28+$0xFFFFFEC0] =	vst v1;
	v0 =	vld [tilespmem:s31+$0xFFFFFFD0]  }
0x2d6: {  	[tilespmem:s28+$0xFFFFFF40] =	vst v2;
	v1 =	vld [tilespmem:s31+$0xFFFFFED0]  }
0x2d7: {  	v2 =	vld [tilespmem:s31+$0xFFFFFF50]  }
0x2d8: {  	v7 =	vld [tilespmem:s29+$0xFFFFFE10]  }
0x2d9: {  	v6 =	vld.idx.msk [tilespmem:v6+s4+$0x0], $0xffff  }
0x2da: {  	v4 =	vld.idx.msk [tilespmem:v4+s4+$0x0], $0xffff;
	[tilespmem:s28+$0xFFFFFE40] =	vst v3  }
0x2db: {  	v3 =	vld [tilespmem:s31+$0xFFFFFE50]  }
0x2dc: {  	v5 =	vld.idx.msk [tilespmem:v5+s4+$0x0], $0xffff  }
0x2dd: {  	v0 =	vld.idx.msk [tilespmem:v0+s4+$0x0], $0xffff  }
0x2de: {  	v1 =	vld.idx.msk [tilespmem:v1+s4+$0x0], $0xffff  }
0x2df: {  	[tilespmem:s0+$0xFFFFFF10] =	vst v6;
	v2 =	vld.idx.msk [tilespmem:v2+s4+$0x0], $0xffff  }
0x2e0: {  	[tilespmem:s0+$0xFFFFFFA0] =	vst v4  }
0x2e1: {  	v7 =	vld.idx.msk [tilespmem:v7+s4+$0x0], $0xffff;
	[tilespmem:s0+$0xFFFFFEA0] =	vst v5  }
0x2e2: {  	v5 =	vld [tilespmem:s29+$0xFFFFFFB0];
	[tilespmem:s28+$0xFFFFFFD0] =	vst v0  }
0x2e3: {  	[tilespmem:s28+$0xFFFFFED0] =	vst v1;
	v1 =	vld.idx.msk [tilespmem:v3+s4+$0x0], $0xffff  }
0x2e4: {  	[tilespmem:s28+$0xFFFFFF50] =	vst v2;
	v2 =	vld [tilespmem:s29+$0xFFFFFF20]  }
0x2e5: {  	v0 =	vld [tilespmem:s31+$0xFFFFFFE0]  }
0x2e6: {  	v3 =	vld [tilespmem:s31+$0xFFFFFEE0]  }
0x2e7: {  	[tilespmem:s0+$0xFFFFFE10] =	vst v7;
	v6 =	vld [tilespmem:s31+$0xFFFFFF60]  }
0x2e8: {  	[tilespmem:s28+$0xFFFFFE50] =	vst v1;
	v1 =	vld [tilespmem:s29+$0xFFFFFE20]  }
0x2e9: {  	v7 =	vld [tilespmem:s31+$0xFFFFFE60];
	_ =	sdelay $0x1  }
0x2ea: {  	v5 =	vld.idx.msk [tilespmem:v5+s4+$0x0], $0xffff  }
0x2eb: {  	v2 =	vld.idx.msk [tilespmem:v2+s4+$0x0], $0xffff  }
0x2ec: {  	v0 =	vld.idx.msk [tilespmem:v0+s4+$0x0], $0xffff  }
0x2ed: {  	v3 =	vld.idx.msk [tilespmem:v3+s4+$0x0], $0xffff  }
0x2ee: {  	v6 =	vld.idx.msk [tilespmem:v6+s4+$0x0], $0xffff  }
0x2ef: {  	v1 =	vld.idx.msk [tilespmem:v1+s4+$0x0], $0xffff  }
0x2f0: {  	v4 =	vld.idx.msk [tilespmem:v7+s4+$0x0], $0xffff  }
0x2f1: {  	[tilespmem:s0+$0xFFFFFF20] =	vst v2;
	v7 =	vld [tilespmem:s29+$0xFFFFFEB0]  }
0x2f2: {  	[tilespmem:s28+$0xFFFFFFE0] =	vst v0;
	v2 =	vld [tilespmem:s29+$0xFFFFFF30]  }
0x2f3: {  	[tilespmem:s28+$0xFFFFFEE0] =	vst v3;
	v0 =	vld [tilespmem:s31+$0xFFFFFFF0]  }
0x2f4: {  	v3 =	vld [tilespmem:s31+$0xFFFFFEF0];
	[tilespmem:s0+$0xFFFFFE20] =	vst v1  }
0x2f5: {  	v1 =	vld [tilespmem:s29+$0xFFFFFE30];
	[tilespmem:s28+$0xFFFFFE60] =	vst v4  }
0x2f6: {  	[tilespmem:s0+$0xFFFFFFB0] =	vst v5;
	v4 =	vld [tilespmem:s31+$0xFFFFFE70]  }
0x2f7: {  	v5 =	vld [tilespmem:s29+$0xFFFFFFC0];
	[tilespmem:s28+$0xFFFFFF60] =	vst v6  }
0x2f8: {  	v6 =	vld [tilespmem:s31+$0xFFFFFF70]  }
0x2f9: {  	v7 =	vld.idx.msk [tilespmem:v7+s4+$0x0], $0xffff  }
0x2fa: {  	v2 =	vld.idx.msk [tilespmem:v2+s4+$0x0], $0xffff  }
0x2fb: {  	v0 =	vld.idx.msk [tilespmem:v0+s4+$0x0], $0xffff  }
0x2fc: {  	v3 =	vld.idx.msk [tilespmem:v3+s4+$0x0], $0xffff  }
0x2fd: {  	v1 =	vld.idx.msk [tilespmem:v1+s4+$0x0], $0xffff  }
0x2fe: {  	[tilespmem:s0+$0xFFFFFEB0] =	vst v7;
	v4 =	vld.idx.msk [tilespmem:v4+s4+$0x0], $0xffff  }
0x2ff: {  	[tilespmem:s0+$0xFFFFFF30] =	vst v2;
	v7 =	vld [tilespmem:s29+$0xFFFFFEC0]  }
0x300: {  	[tilespmem:s28+$0xFFFFFFF0] =	vst v0;
	v2 =	vld [tilespmem:s29+$0xFFFFFF40]  }
0x301: {  	v0 =	vld [tilespmem:s31+$0x0]  }
0x302: {  	v6 =	vld.idx.msk [tilespmem:v6+s4+$0x0], $0xffff;
	[tilespmem:s0+$0xFFFFFE30] =	vst v1  }
0x303: {  	[tilespmem:s28+$0xFFFFFEF0] =	vst v3;
	v1 =	vld [tilespmem:s29+$0xFFFFFE40]  }
0x304: {  	v3 =	vld.idx.msk [tilespmem:v5+s4+$0x0], $0xffff;
	[tilespmem:s28+$0xFFFFFE70] =	vst v4  }
0x305: {  	v4 =	vld [tilespmem:s31+$0xFFFFFE80]  }
0x306: {  	v9 =	vld [tilespmem:s31+$0xFFFFFF00]  }
0x307: {  	v5 =	vld.idx.msk [tilespmem:v7+s4+$0x0], $0xffff  }
0x308: {  	v2 =	vld.idx.msk [tilespmem:v2+s4+$0x0], $0xffff  }
0x309: {  	[tilespmem:s28+$0xFFFFFF70] =	vst v6;
	v8 =	vld.idx.msk [tilespmem:v0+s4+$0x0], $0xffff  }
0x30a: {  	v0 =	vld [tilespmem:s31+$0xFFFFFF80]  }
0x30b: {  	[tilespmem:s0+$0xFFFFFFC0] =	vst v3;
	v6 =	vld.idx.msk [tilespmem:v1+s4+$0x0], $0xffff  }
0x30c: {  	[tilespmem:s0+$0xFFFFFEC0] =	vst v5;
	v5 =	vld [tilespmem:s29+$0xFFFFFFD0]  }
0x30d: {  	v1 =	vld.idx.msk [tilespmem:v4+s4+$0x0], $0xffff  }
0x30e: {  	[tilespmem:s0+$0xFFFFFF40] =	vst v2;
	v2 =	vld.idx.msk [tilespmem:v9+s4+$0x0], $0xffff  }
0x30f: {  	v3 =	vld [tilespmem:s29+$0xFFFFFED0]  }
0x310: {  	s10 =	simm.s32 $0x16E70;
	s7 =	simm.s32 $0x4;
	s1 =	simm.s32 $0x1BD70;
	v4 =	vld [tilespmem:s29+$0xFFFFFF50];
	[tilespmem:s28+$0x0] =	vst v8  }
.LBB2_9:
0x311: {  	v7 =	vld [tilespmem:s10+$0xFFFFFF90];
	s7 =	sadd.s32 $0x4, s7;
	[tilespmem:s0+$0xFFFFFE40] =	vst v6  }
0x312: {  	v6 =	vld [tilespmem:s10+$0xFFFFFE90];
	p0 =	slt.u32 s7, $0x4C;
	[tilespmem:s28+$0xFFFFFE80] =	vst v1  }
0x313: {  	v1 =	vld [tilespmem:s10+$0xFFFFFF10]  }
0x314: {  	v8 =	vld [tilespmem:s10+$0xFFFFFE10]  }
0x315: {  	v5 =	vld.idx.msk [tilespmem:v5+s4+$0x0], $0xffff  }
0x316: {  	v9 =	vld [tilespmem:s29+$0xFFFFFE50];
	[tilespmem:s28+$0xFFFFFF00] =	vst v2  }
0x317: {  	v2 =	vld.idx.msk [tilespmem:v3+s4+$0x0], $0xffff  }
0x318: {  	v3 =	vld.idx.msk [tilespmem:v4+s4+$0x0], $0xffff  }
0x319: {  	v4 =	vld.idx.msk [tilespmem:v7+s4+$0x0], $0xffff  }
0x31a: {  	v6 =	vld.idx.msk [tilespmem:v6+s4+$0x0], $0xffff  }
0x31b: {  	v1 =	vld.idx.msk [tilespmem:v1+s4+$0x0], $0xffff;
	[tilespmem:s0+$0xFFFFFFD0] =	vst v5  }
0x31c: {  	v5 =	vld [tilespmem:s29+$0xFFFFFFE0]  }
0x31d: {  	v7 =	vld.idx.msk [tilespmem:v8+s4+$0x0], $0xffff;
	[tilespmem:s0+$0xFFFFFED0] =	vst v2  }
0x31e: {  	s0 =	sadd.s32 $0x200, s0;
	v2 =	vld.idx.msk [tilespmem:v9+s4+$0x0], $0xffff;
	[tilespmem:s1+$0xFFFFFF50] =	vst v3  }
0x31f: {  	[tilespmem:s0+$0xFFFFFF90] =	vst v4;
	v3 =	vld [tilespmem:s29+$0xFFFFFEE0]  }
0x320: {  	[tilespmem:s0+$0xFFFFFE90] =	vst v6;
	v4 =	vld [tilespmem:s10+$0xFFFFFFA0]  }
0x321: {  	v6 =	vld [tilespmem:s10+$0xFFFFFEA0];
	[tilespmem:s0+$0xFFFFFF10] =	vst v1  }
0x322: {  	v1 =	vld [tilespmem:s10+$0xFFFFFF20]  }
0x323: {  	[tilespmem:s0+$0xFFFFFE10] =	vst v7;
	v7 =	vld [tilespmem:s29+$0xFFFFFF60]  }
0x324: {  	[tilespmem:s1+$0xFFFFFE50] =	vst v2;
	v2 =	vld.idx.msk [tilespmem:v5+s4+$0x0], $0xffff  }
0x325: {  	v5 =	vld [tilespmem:s10+$0xFFFFFE20]  }
0x326: {  	v8 =	vld [tilespmem:s29+$0xFFFFFE60]  }
0x327: {  	v3 =	vld.idx.msk [tilespmem:v3+s4+$0x0], $0xffff  }
0x328: {  	v4 =	vld.idx.msk [tilespmem:v4+s4+$0x0], $0xffff  }
0x329: {  	v6 =	vld.idx.msk [tilespmem:v6+s4+$0x0], $0xffff  }
0x32a: {  	v1 =	vld.idx.msk [tilespmem:v1+s4+$0x0], $0xffff;
	[tilespmem:s1+$0xFFFFFFE0] =	vst v2  }
0x32b: {  	v2 =	vld [tilespmem:s29+$0xFFFFFFF0]  }
0x32c: {  	v7 =	vld.idx.msk [tilespmem:v7+s4+$0x0], $0xffff  }
0x32d: {  	v5 =	vld.idx.msk [tilespmem:v5+s4+$0x0], $0xffff;
	[tilespmem:s1+$0xFFFFFEE0] =	vst v3  }
0x32e: {  	[tilespmem:s0+$0xFFFFFFA0] =	vst v4;
	v3 =	vld.idx.msk [tilespmem:v8+s4+$0x0], $0xffff  }
0x32f: {  	[tilespmem:s0+$0xFFFFFEA0] =	vst v6;
	v4 =	vld [tilespmem:s10+$0xFFFFFFB0]  }
0x330: {  	v6 =	vld [tilespmem:s10+$0xFFFFFEB0];
	[tilespmem:s0+$0xFFFFFF20] =	vst v1  }
0x331: {  	v1 =	vld [tilespmem:s10+$0xFFFFFF30]  }
0x332: {  	v8 =	vld [tilespmem:s29+$0xFFFFFEF0];
	[tilespmem:s1+$0xFFFFFF60] =	vst v7  }
0x333: {  	[tilespmem:s0+$0xFFFFFE20] =	vst v5;
	v2 =	vld.idx.msk [tilespmem:v2+s4+$0x0], $0xffff  }
0x334: {  	v5 =	vld [tilespmem:s10+$0xFFFFFE30];
	[tilespmem:s1+$0xFFFFFE60] =	vst v3  }
0x335: {  	v3 =	vld [tilespmem:s29+$0xFFFFFE70]  }
0x336: {  	v7 =	vld [tilespmem:s29+$0xFFFFFF70]  }
0x337: {  	v4 =	vld.idx.msk [tilespmem:v4+s4+$0x0], $0xffff  }
0x338: {  	v6 =	vld.idx.msk [tilespmem:v6+s4+$0x0], $0xffff  }
0x339: {  	v1 =	vld.idx.msk [tilespmem:v1+s4+$0x0], $0xffff;
	[tilespmem:s1+$0xFFFFFFF0] =	vst v2  }
0x33a: {  	v2 =	vld [tilespmem:s29+$0x0]  }
0x33b: {  	v8 =	vld.idx.msk [tilespmem:v8+s4+$0x0], $0xffff  }
0x33c: {  	v5 =	vld.idx.msk [tilespmem:v5+s4+$0x0], $0xffff  }
0x33d: {  	[tilespmem:s0+$0xFFFFFFB0] =	vst v4;
	v3 =	vld.idx.msk [tilespmem:v3+s4+$0x0], $0xffff  }
0x33e: {  	[tilespmem:s0+$0xFFFFFEB0] =	vst v6;
	v4 =	vld [tilespmem:s10+$0xFFFFFFC0]  }
0x33f: {  	v6 =	vld [tilespmem:s10+$0xFFFFFEC0];
	[tilespmem:s0+$0xFFFFFF30] =	vst v1  }
0x340: {  	v1 =	vld [tilespmem:s10+$0xFFFFFF40]  }
0x341: {  	[tilespmem:s1+$0xFFFFFEF0] =	vst v8;
	v7 =	vld.idx.msk [tilespmem:v7+s4+$0x0], $0xffff  }
0x342: {  	[tilespmem:s0+$0xFFFFFE30] =	vst v5;
	v2 =	vld.idx.msk [tilespmem:v2+s4+$0x0], $0xffff  }
0x343: {  	v5 =	vld [tilespmem:s10+$0xFFFFFE40];
	[tilespmem:s1+$0xFFFFFE70] =	vst v3  }
0x344: {  	v3 =	vld [tilespmem:s29+$0xFFFFFE80]  }
0x345: {  	v8 =	vld [tilespmem:s29+$0xFFFFFF00]  }
0x346: {  	v4 =	vld.idx.msk [tilespmem:v4+s4+$0x0], $0xffff  }
0x347: {  	v9 =	vld.idx.msk [tilespmem:v6+s4+$0x0], $0xffff;
	[tilespmem:s1+$0xFFFFFF70] =	vst v7  }
0x348: {  	v7 =	vld.idx.msk [tilespmem:v1+s4+$0x0], $0xffff;
	[tilespmem:s1+$0x0] =	vst v2  }
0x349: {  	v2 =	vld [tilespmem:s29+$0xFFFFFF80];
	s29 =	smov.u32 s10  }
0x34a: {  	v10 =	vld.idx.msk [tilespmem:v0+s4+$0x0], $0xffff  }
0x34b: {  	v6 =	vld.idx.msk [tilespmem:v5+s4+$0x0], $0xffff  }
.Ltmp3:
0x34c: {  	[tilespmem:s0+$0xFFFFFFC0] =	vst v4;
	v1 =	vld.idx.msk [tilespmem:v3+s4+$0x0], $0xffff;
	(pc) =	sbr.rel @p0 .LBB2_9-.Ltmp3, $4  }
0x34d: {  	[tilespmem:s0+$0xFFFFFEC0] =	vst v9;
	v5 =	vld [tilespmem:s10+$0xFFFFFFD0]  }
0x34e: {  	v3 =	vld [tilespmem:s10+$0xFFFFFED0];
	[tilespmem:s0+$0xFFFFFF40] =	vst v7;
	v0 =	vmov v2  }
0x34f: {  	v4 =	vld [tilespmem:s10+$0xFFFFFF50]  }
0x350: {  	s10 =	sadd.s32 $0x200, s10;
	v2 =	vld.idx.msk [tilespmem:v8+s4+$0x0], $0xffff;
	[tilespmem:s28+$0xFFFFFF80] =	vst v10;
	s28 =	smov.u32 s1;
	s1 =	smov.u32 s0  }
0x351: {  	[tilespmem:s0+$0xFFFFFE40] =	vst v6  }
0x352: {  	v6 =	vld [tilespmem:s29+$0xFFFFFE50];
	_ =	sdelay $0x4  }
0x353: {  	v5 =	vld.idx.msk [tilespmem:v5+s4+$0x0], $0xffff  }
0x354: {  	v3 =	vld.idx.msk [tilespmem:v3+s4+$0x0], $0xffff  }
0x355: {  	v4 =	vld.idx.msk [tilespmem:v4+s4+$0x0], $0xffff  }
0x356: {  	v6 =	vld.idx.msk [tilespmem:v6+s4+$0x0], $0xffff;
	_ =	sdelay $0x1  }
0x357: {  	[tilespmem:s0+$0xFFFFFFD0] =	vst v5  }
0x358: {  	v5 =	vld [tilespmem:s29+$0xFFFFFFE0];
	[tilespmem:s0+$0xFFFFFED0] =	vst v3  }
0x359: {  	[tilespmem:s1+$0xFFFFFF50] =	vst v4;
	v55 =	vld [tilespmem:s29+$0xFFFFFEE0]  }
0x35a: {  	v56 =	vld [tilespmem:s29+$0xFFFFFF60];
	[tilespmem:s1+$0xFFFFFE50] =	vst v6  }
0x35b: {  	v54 =	vld [tilespmem:s29+$0xFFFFFE60];
	_ =	sdelay $0x4  }
0x35c: {  	v5 =	vld.idx.msk [tilespmem:v5+s4+$0x0], $0xffff  }
0x35d: {  	v4 =	vld.idx.msk [tilespmem:v55+s4+$0x0], $0xffff  }
0x35e: {  	v6 =	vld.idx.msk [tilespmem:v56+s4+$0x0], $0xffff  }
0x35f: {  	v3 =	vld.idx.msk [tilespmem:v54+s4+$0x0], $0xffff;
	_ =	sdelay $0x1  }
0x360: {  	[tilespmem:s1+$0xFFFFFFE0] =	vst v5  }
0x361: {  	v5 =	vld [tilespmem:s29+$0xFFFFFFF0];
	[tilespmem:s1+$0xFFFFFEE0] =	vst v4  }
0x362: {  	v4 =	vld [tilespmem:s29+$0xFFFFFEF0];
	[tilespmem:s1+$0xFFFFFF60] =	vst v6  }
0x363: {  	v6 =	vld [tilespmem:s29+$0xFFFFFF70];
	[tilespmem:s1+$0xFFFFFE60] =	vst v3  }
0x364: {  	v3 =	vld [tilespmem:s29+$0xFFFFFE70];
	_ =	sdelay $0x4  }
0x365: {  	v5 =	vld.idx.msk [tilespmem:v5+s4+$0x0], $0xffff  }
0x366: {  	v4 =	vld.idx.msk [tilespmem:v4+s4+$0x0], $0xffff  }
0x367: {  	v6 =	vld.idx.msk [tilespmem:v6+s4+$0x0], $0xffff  }
0x368: {  	v3 =	vld.idx.msk [tilespmem:v3+s4+$0x0], $0xffff;
	_ =	sdelay $0x1  }
0x369: {  	[tilespmem:s1+$0xFFFFFFF0] =	vst v5  }
0x36a: {  	v5 =	vld [tilespmem:s29+$0x0];
	[tilespmem:s1+$0xFFFFFEF0] =	vst v4  }
0x36b: {  	v4 =	vld [tilespmem:s29+$0xFFFFFF00];
	[tilespmem:s1+$0xFFFFFF70] =	vst v6  }
0x36c: {  	v6 =	vld [tilespmem:s29+$0xFFFFFF80];
	[tilespmem:s1+$0xFFFFFE70] =	vst v3  }
0x36d: {  	v3 =	vld [tilespmem:s29+$0xFFFFFE80];
	_ =	sdelay $0x3  }
0x36e: {  	v0 =	vld.idx.msk [tilespmem:v0+s4+$0x0], $0xffff  }
0x36f: {  	v5 =	vld.idx.msk [tilespmem:v5+s4+$0x0], $0xffff  }
0x370: {  	v57 =	vld.idx.msk [tilespmem:v4+s4+$0x0], $0xffff  }
0x371: {  	[tilespmem:s28+$0xFFFFFE80] =	vst v1;
	v58 =	vld.idx.msk [tilespmem:v6+s4+$0x0], $0xffff  }
0x372: {  	[tilespmem:s28+$0xFFFFFF00] =	vst v2;
	v3 =	vld.idx.msk [tilespmem:v3+s4+$0x0], $0xffff  }
0x373: {  	[tilespmem:s28+$0xFFFFFF80] =	vst v0  }
0x374: {  	[tilespmem:s1+$0x0] =	vst v5  }
0x375: {  	[tilespmem:s1+$0xFFFFFF00] =	vst v57  }
0x376: {  	[tilespmem:s1+$0xFFFFFF80] =	vst v58  }
0x377: {  	[tilespmem:s1+$0xFFFFFE80] =	vst v3  }
0x378: {  	v0 =	vld [tilespmem:$0x19080];
	_ =	sdelay $0x5  }
0x379: {  	v1 =	vld [tilespmem:$0x19090];
	_ =	sdelay $0x1  }
0x37a: {  	v0 =	vld.idx.msk [tilespmem:v0+s4+$0x0], $0xffff;
	_ =	sdelay $0x3  }
0x37b: {  	v2 =	vld [tilespmem:$0x190A0]  }
0x37c: {  	[tilespmem:$0x1E180] =	vst v0  }
0x37d: {  	v0 =	vld.idx.msk [tilespmem:v1+s4+$0x0], $0xffff;
	_ =	sdelay $0x3  }
0x37e: {  	v59 =	vld [tilespmem:$0x190B0]  }
0x37f: {  	[tilespmem:$0x1E190] =	vst v0  }
0x380: {  	v0 =	vld.idx.msk [tilespmem:v2+s4+$0x0], $0xffff;
	_ =	sdelay $0x3  }
0x381: {  	v60 =	vld [tilespmem:$0x190C0]  }
0x382: {  	[tilespmem:$0x1E1A0] =	vst v0  }
0x383: {  	v0 =	vld.idx.msk [tilespmem:v59+s4+$0x0], $0xffff;
	_ =	sdelay $0x3  }
0x384: {  	v61 =	vld [tilespmem:$0x190D0]  }
0x385: {  	[tilespmem:$0x1E1B0] =	vst v0  }
0x386: {  	v0 =	vld.idx.msk [tilespmem:v60+s4+$0x0], $0xffff;
	_ =	sdelay $0x3  }
0x387: {  	v62 =	vld [tilespmem:$0x190E0]  }
0x388: {  	[tilespmem:$0x1E1C0] =	vst v0  }
0x389: {  	v0 =	vld.idx.msk [tilespmem:v61+s4+$0x0], $0xffff;
	_ =	sdelay $0x3  }
0x38a: {  	v63 =	vld [tilespmem:$0x190F0]  }
0x38b: {  	[tilespmem:$0x1E1D0] =	vst v0  }
0x38c: {  	v0 =	vld.idx.msk [tilespmem:v62+s4+$0x0], $0xffff;
	_ =	sdelay $0x4  }
0x38d: {  	[tilespmem:$0x1E1E0] =	vst v0  }
0x38e: {  	p0 =	sgt.u32 s22, $0x14;
	v0 =	vld.idx.msk [tilespmem:v63+s4+$0x0], $0xffff  }
0x38f: {  	s0 =	sand.u32 @!p0 $0xFF, s23  }
0x390: {  	p1 =	sne.s32 @!p0 s0, $0x2  }
0x391: {  	p0 =	por p1, p0  }
0x392: {  	s0 =	sadd.s32 @!p0 s8, s25  }
0x393: {  	s31 =	sadd.s32 $0x7800, s26;
	s7 =	simm.s32 @!p0 $0x400;
	s0 =	sshrl.u32 @!p0 s0, $0x3;
	[tilespmem:$0x1E1F0] =	vst v0  }
0x394: {  	[hbm4b:s31+s11] =	stream.strided.scatter [tilespmem:s18], [sflag:$0x4], $0x2880, s12, s11, $0x38;
	[tilespmem:$0x1E200] =	vst v63  }
0x395: {  	s10 =	simm.s32 @!p0 $0x0;
	s0 =	sadd.s32 @!p0 s2, s0;
	s1 =	simm.s32 @!p0 $0x80  }
0x396: {  	[tilespmem:s10], [sflag:$0x5] =	stream.strided.gather @!p0 [hbm4b:s0+s1], $0x14000, s7, s1, $0x38;
	[tilespmem:$0x1E200] =	vst v63  }
0x397: {  	p0 =	sne.s32 s24, $0x18  }
.Ltmp4:
0x398: {  	_ = 	snop;
	(pc) =	sbr.rel @p0 .LBB2_2-.Ltmp4, $2  }
0x399: {  	_ =	sdelay $0x2  }
0x39a: {  	s22 =	smov.u32 s24  }
0x39b: {  	_ =	swait.ge [sflag:s19], $0x2800  }
0x39c: {  	[sflag:s19] =	ssyncset.done $0x0  }
0x39d: {  	[sflag:s19] =	ssyncadd.s32 $0xFFFFD800  }
0x39e: {  	_ =	swait.ge [sflag:s20], $0x2880  }
0x39f: {  	s21 =	sadd.s32 $0x1, s21;
	s0 =	rddreg [dreg:$0x5]  }
0x3a0: {  	p0 =	sne.s32 s21, s0  }
.Ltmp5:
0x3a1: {  	_ = 	snop;
	(pc) =	sbr.rel @p0 .LBB2_1-.Ltmp5, $3  }
0x3a2: {  	_ =	sdelay $0x1  }
0x3a3: {  	[sflag:s20] =	ssyncset.done $0x0  }
0x3a4: {  	[sflag:s20] =	ssyncadd.s32 $0xFFFFD780  }
0x3a5: {  	_ =	sfence.sel $0x180000  }
0x3a6: {  	[bflag:$0x0] =	sbarrier.arrive $0xFFFF  }
0x3a7: {  	_ =	strace $0x90000047  }
0x3a8: {  	s0 =	stileid.u32;
	[bflag:$0x2] =	sbarrier.arrive $0xFFFF  }
0x3a9: {  	p0 =	sne.s32 s0, $0x0;
	s0 =	rddreg [dreg:$0x3]  }
0x3aa: {  	s0 =	sadd.s32 @!p0 $0x100000, s0  }
0x3ab: {  	[sflag:s0] =	ssyncadd.tile.s32 @!p0 $0x1;
	_ =	shalt  }
.Lfunc_end2:
_tile_overlayer_lowered:
.L_overlay_start_2:
0x3ac: {  	(tag) =	ssettag $0x2  }
0x3ad: {  	s0 =	rddreg [dreg:$0x0];
	s2 =	stileid.u32  }
0x3ae: {  	s1 =	rddreg [dreg:$0x1];
	p0 =	sne.s32 s2, $0x0  }
0x3af: {  	s3 =	rddreg [dreg:$0x2];
	[bflag:$0x3] =	sbarrier.arrive $0xFFFF;
	s2 =	simm.s32 @!p0 $0x1C06  }
0x3b0: {  	[timem:s3], [sflag:s2] =	dma.local @!p0 [hbm:s0], s1  }
0x3b1: {  	s0 =	simm.s32 @!p0 $0x6  }
0x3b2: {  	_ =	swait.ge @!p0 [sflag:s0], s1  }
0x3b3: {  	s1 =	ssub.s32 @!p0 $0x0, s1;
	[sflag:s0] =	ssyncset.done @!p0 $0x0  }
0x3b4: {  	[sflag:s0] =	ssyncadd.s32 @!p0 s1  }
0x3b5: {  	[bflag:$0x3] =	sbarrier.arrive $0xFFFF  }
0x3b6: {  	_ =	shalt  }

</sc_bundles>
